<compile_context>
chip_gen: v7x
topology: tpu7x:2x2x1
jax: 0.10.2.dev20260603
libtpu: 0.0.44.dev20260713+nightly
codegen_flags: <defaults>
</compile_context>

<pallas_src>
import functools
import jax
import jax.numpy as jnp
from jax import lax
from jax.experimental import pallas as pl
from jax.experimental.pallas import tpu as pltpu
from jax.experimental.pallas import tpu_sc as plsc

_N = 65536
_K = 16
_NB = 512
_GRID = _N // _NB
_NBK = _NB * _K
_NBP = 4096
_GRIDP = _N // _NBP


def _rsq(x, eps):
    return 1.0 / jnp.sqrt(x + eps)


def _lin_bn_consts(mu, M, Wt, g, b, eps):
    mean = mu @ Wt
    sec = jnp.sum((M @ Wt) * Wt, axis=0, keepdims=True)
    var = sec - mean * mean
    a = g * _rsq(var, eps)
    return a, b - a * mean


def _mom_bn_consts(s, sq, n, g, b, eps):
    mean = s / n
    var = sq / n - mean * mean
    a = g * _rsq(var, eps)
    return a, b - a * mean



def _sc_gather(table, idx):
    V, D = table.shape
    B = idx.shape[0]
    info = plsc.get_sparse_core_info()
    nw = info.num_cores * info.num_subcores
    b_per_w = B // nw
    ch = 4096
    n_ch = b_per_w // ch
    mesh = plsc.VectorSubcoreMesh(core_axis_name="c", subcore_axis_name="s")

    @functools.partial(
        pl.kernel, mesh=mesh,
        out_type=jax.ShapeDtypeStruct((B, D), jnp.float32),
        compiler_params=pltpu.CompilerParams(use_tc_tiling_on_sc=False),
        scratch_types=[
            pltpu.VMEM((ch,), jnp.int32),
            pltpu.VMEM((ch, D), jnp.float32),
            pltpu.SemaphoreType.DMA,
        ],
    )
    def k(table_hbm, idx_hbm, out_hbm, idx_v, rows_v, sem):
        wid = lax.axis_index("s") * info.num_cores + lax.axis_index("c")
        base = wid * b_per_w
        for c in range(n_ch):
            off = base + c * ch
            pltpu.sync_copy(idx_hbm.at[pl.ds(off, ch)], idx_v)
            pltpu.async_copy(table_hbm.at[idx_v], rows_v, sem).wait()
            pltpu.sync_copy(rows_v, out_hbm.at[pl.ds(off, ch)])

    return k(table, idx)



def _p1_body(feat, W0t, b0, f_out, s1, ssq, s2):
    i = pl.program_id(0)
    f = feat[...] @ W0t[...] + b0[...]
    f = jnp.where(f > 0, f, 0.01 * f)
    f_out[...] = f

    @pl.when(i == 0)
    def _():
        s1[...] = jnp.zeros_like(s1)
        ssq[...] = jnp.zeros_like(ssq)
        s2[...] = jnp.zeros_like(s2)

    s1[...] += jnp.sum(f, axis=0, keepdims=True)
    ssq[...] += jnp.sum(f * f, axis=0, keepdims=True)
    s2[...] += lax.dot_general(f, f, (((0,), (0,)), ((), ())))


def _p2_body(f_ref, xyz_ref, s1, ssq, s2, g0, b0, W1t, g1, b1,
             Wsct, gsc, bsc, t1_out, sc_out):
    n = float(_N)
    m0 = s1[...] / n
    var0 = ssq[...] / n - m0 * m0
    a0 = g0[...] * _rsq(var0, 1e-6)
    c0 = b0[...] - a0 * m0
    fn = a0 * f_ref[...] + c0

    M_f = s2[...] / n
    a0c = jnp.reshape(a0, (8, 1))
    m0c = jnp.reshape(m0, (8, 1))
    c0c = jnp.reshape(c0, (8, 1))
    mu_fn = a0 * m0 + c0
    M_fn = ((a0c * a0) * M_f + (a0c * m0c) * c0
            + c0c * (a0 * m0) + c0c * c0)

    a1, c1 = _lin_bn_consts(mu_fn, M_fn, W1t[...], g1[...], b1[...], 1e-5)
    f_pc = a1 * (fn @ W1t[...]) + c1
    f_pc = jnp.maximum(f_pc, 0.0)

    asc, csc = _lin_bn_consts(mu_fn, M_fn, Wsct[...], gsc[...], bsc[...], 1e-5)
    sc_out[...] = asc * (fn @ Wsct[...]) + csc

    t1_out[:, 0:3] = xyz_ref[...]
    t1_out[:, 3:8] = jnp.zeros((_NBP, 5), jnp.float32)
    t1_out[:, 8:16] = f_pc


def _p3_body(g1_ref, xyz_ref, Wtd, Wtr, Wtt, Wtn, y_out, s1, ssq):
    i = pl.program_id(0)
    nb = g1_ref[:, 0:3]
    tile = jnp.reshape(
        jnp.broadcast_to(xyz_ref[...][:, None, :], (_NB, _K, 3)), (_NBK, 3))
    rel = tile - nb
    dist = jnp.sqrt(jnp.sum(rel * rel, axis=1, keepdims=True))
    y = dist * Wtd[...] + rel @ Wtr[...] + tile @ Wtt[...] + nb @ Wtn[...]
    y_out[...] = y

    @pl.when(i == 0)
    def _():
        s1[...] = jnp.zeros_like(s1)
        ssq[...] = jnp.zeros_like(ssq)

    s1[...] += jnp.sum(y, axis=0, keepdims=True)
    ssq[...] += jnp.sum(y * y, axis=0, keepdims=True)


def _p4_body(y_ref, g1_ref, sb1, sb1q, gbb1, bbb1, fcWt_nb, fcWt_fx,
             mlpWt_nb, mlpWt_fx, y_out, sfx, sfxfx, sa1, sa1q):
    i = pl.program_id(0)
    nk = float(_N * _K)
    a, c = _mom_bn_consts(sb1[...], sb1q[...], nk, gbb1[...], bbb1[...], 1e-5)
    fx = jnp.maximum(a * y_ref[...] + c, 0.0)
    fnb = g1_ref[:, 8:16]

    att = fnb @ fcWt_nb[...] + fx @ fcWt_fx[...]
    att3 = jnp.reshape(att, (_NB, _K, 16))
    m = jnp.max(att3, axis=1, keepdims=True)
    e = jnp.exp(att3 - m)
    sc3 = e / jnp.sum(e, axis=1, keepdims=True)

    fnb3 = jnp.reshape(fnb, (_NB, _K, 8))
    fx3 = jnp.reshape(fx, (_NB, _K, 8))
    agg_nb = jnp.sum(fnb3 * sc3[:, :, 0:8], axis=1)
    agg_fx = jnp.sum(fx3 * sc3[:, :, 8:16], axis=1)
    y = agg_nb @ mlpWt_nb[...] + agg_fx @ mlpWt_fx[...]
    y_out[...] = y

    @pl.when(i == 0)
    def _():
        sfx[...] = jnp.zeros_like(sfx)
        sfxfx[...] = jnp.zeros_like(sfxfx)
        sa1[...] = jnp.zeros_like(sa1)
        sa1q[...] = jnp.zeros_like(sa1q)

    sfx[...] += jnp.sum(fx, axis=0, keepdims=True)
    sfxfx[...] += lax.dot_general(fx, fx, (((0,), (0,)), ((), ())))
    sa1[...] += jnp.sum(y, axis=0, keepdims=True)
    sa1q[...] += jnp.sum(y * y, axis=0, keepdims=True)


def _p5_body(y_ref, sa1, sa1q, gap1, bap1, t2_out):
    n = float(_N)
    a, c = _mom_bn_consts(sa1[...], sa1q[...], n, gap1[...], bap1[...], 1e-5)
    fagg = jnp.maximum(a * y_ref[...] + c, 0.0)
    t2_out[:, 0:8] = fagg
    t2_out[:, 8:16] = jnp.zeros((_NBP, 8), jnp.float32)


def _p6_body(y_ref, g2_ref, sb1, sb1q, sfx, sfxfx, gbb1, bbb1, W2t, gbb2,
             bbb2, fc2Wt_nb, fc2Wt_fx, mlp2Wt_nb, mlp2Wt_fx,
             y_out, sa2, sa2q):
    i = pl.program_id(0)
    nk = float(_N * _K)
    a, c = _mom_bn_consts(sb1[...], sb1q[...], nk, gbb1[...], bbb1[...], 1e-5)
    fx = jnp.maximum(a * y_ref[...] + c, 0.0)

    mu_fx = sfx[...] / nk
    M_fx = sfxfx[...] / nk
    a2, c2 = _lin_bn_consts(mu_fx, M_fx, W2t[...], gbb2[...], bbb2[...], 1e-5)
    fx2 = jnp.maximum(a2 * (fx @ W2t[...]) + c2, 0.0)

    fnb2 = g2_ref[:, 0:8]
    att = fnb2 @ fc2Wt_nb[...] + fx2 @ fc2Wt_fx[...]
    att3 = jnp.reshape(att, (_NB, _K, 16))
    m = jnp.max(att3, axis=1, keepdims=True)
    e = jnp.exp(att3 - m)
    sc3 = e / jnp.sum(e, axis=1, keepdims=True)

    fnb3 = jnp.reshape(fnb2, (_NB, _K, 8))
    fx3 = jnp.reshape(fx2, (_NB, _K, 8))
    agg_nb = jnp.sum(fnb3 * sc3[:, :, 0:8], axis=1)
    agg_fx = jnp.sum(fx3 * sc3[:, :, 8:16], axis=1)
    y = agg_nb @ mlp2Wt_nb[...] + agg_fx @ mlp2Wt_fx[...]
    y_out[...] = y

    @pl.when(i == 0)
    def _():
        sa2[...] = jnp.zeros_like(sa2)
        sa2q[...] = jnp.zeros_like(sa2q)

    sa2[...] += jnp.sum(y, axis=0, keepdims=True)
    sa2q[...] += jnp.sum(y * y, axis=0, keepdims=True)


def _p7_body(y_ref, sa2, sa2q, gap2, bap2, drbWt, y_out, sfl, sflfl):
    i = pl.program_id(0)
    n = float(_N)
    a, c = _mom_bn_consts(sa2[...], sa2q[...], n, gap2[...], bap2[...], 1e-5)
    fl = jnp.maximum(a * y_ref[...] + c, 0.0)
    y_out[...] = fl @ drbWt[...]

    @pl.when(i == 0)
    def _():
        sfl[...] = jnp.zeros_like(sfl)
        sflfl[...] = jnp.zeros_like(sflfl)

    sfl[...] += jnp.sum(fl, axis=0, keepdims=True)
    sflfl[...] += lax.dot_general(fl, fl, (((0,), (0,)), ((), ())))


def _p8_body(y_ref, sc_ref, sfl, sflfl, drbWt, gdrb, bdrb, out):
    n = float(_N)
    mu = sfl[...] / n
    M = sflfl[...] / n
    a, c = _lin_bn_consts(mu, M, drbWt[...], gdrb[...], bdrb[...], 1e-5)
    z = a * y_ref[...] + c + sc_ref[...]
    out[...] = jnp.where(z > 0, z, 0.2 * z)



def _blk(c):
    return pl.BlockSpec((_NB, c), lambda i: (i, 0))


def _blkp(c):
    return pl.BlockSpec((_NBP, c), lambda i: (i, 0))


def _blkk(c):
    return pl.BlockSpec((_NBK, c), lambda i: (i, 0))


def _full(shape):
    nd = len(shape)
    return pl.BlockSpec(shape, lambda i: (0,) * nd)


def _row(x):
    return jnp.asarray(x, jnp.float32).reshape(1, -1)


def kernel(xyz, features, neigh_idx, params):
    p = params
    xyz2 = xyz[0]
    feat2 = features[0]
    idx_flat = neigh_idx[0].astype(jnp.int32).reshape(-1)

    f32 = jnp.float32
    sd = jax.ShapeDtypeStruct

    f_arr, s1, ssq, s2 = pl.pallas_call(
        _p1_body,
        grid=(_GRIDP,),
        in_specs=[_blkp(6), _full((6, 8)), _full((1, 8))],
        out_specs=[_blkp(8), _full((1, 8)), _full((1, 8)), _full((8, 8))],
        out_shape=[sd((_N, 8), f32), sd((1, 8), f32), sd((1, 8), f32),
                   sd((8, 8), f32)],
    )(feat2, p['fc0_W'].T, _row(p['fc0_b']))

    t1, sc_out = pl.pallas_call(
        _p2_body,
        grid=(_GRIDP,),
        in_specs=[_blkp(8), _blkp(3), _full((1, 8)), _full((1, 8)),
                  _full((8, 8)), _full((1, 8)), _full((1, 8)),
                  _full((8, 8)), _full((1, 8)), _full((1, 8)),
                  _full((8, 32)), _full((1, 32)), _full((1, 32))],
        out_specs=[_blkp(16), _blkp(32)],
        out_shape=[sd((_N, 16), f32), sd((_N, 32), f32)],
    )(f_arr, xyz2, s1, ssq, s2, _row(p['bn0_g']), _row(p['bn0_b']),
      p['drb_mlp1_W'].T, _row(p['drb_mlp1_g']), _row(p['drb_mlp1_b']),
      p['sc_W'].T, _row(p['sc_g']), _row(p['sc_b']))

    g1 = _sc_gather(t1, idx_flat)

    bbWt = p['bb_mlp1_W'].T
    y_bb1, sb1, sb1q = pl.pallas_call(
        _p3_body,
        grid=(_GRID,),
        in_specs=[_blkk(16), _blk(3), _full((1, 8)), _full((3, 8)),
                  _full((3, 8)), _full((3, 8))],
        out_specs=[_blkk(8), _full((1, 8)), _full((1, 8))],
        out_shape=[sd((_N * _K, 8), f32), sd((1, 8), f32), sd((1, 8), f32)],
    )(g1, xyz2, bbWt[0:1], bbWt[1:4], bbWt[4:7], bbWt[7:10])

    fcW = p['ap1_fc_W']
    mlpW = p['ap1_mlp_W']
    y_ap1, sfx, sfxfx, sa1, sa1q = pl.pallas_call(
        _p4_body,
        grid=(_GRID,),
        in_specs=[_blkk(8), _blkk(16), _full((1, 8)), _full((1, 8)),
                  _full((1, 8)), _full((1, 8)), _full((8, 16)),
                  _full((8, 16)), _full((8, 8)), _full((8, 8))],
        out_specs=[_blk(8), _full((1, 8)), _full((8, 8)), _full((1, 8)),
                   _full((1, 8))],
        out_shape=[sd((_N, 8), f32), sd((1, 8), f32), sd((8, 8), f32),
                   sd((1, 8), f32), sd((1, 8), f32)],
    )(y_bb1, g1, sb1, sb1q, _row(p['bb_mlp1_g']), _row(p['bb_mlp1_b']),
      fcW[:, 0:8].T, fcW[:, 8:16].T, mlpW[:, 0:8].T, mlpW[:, 8:16].T)

    t2 = pl.pallas_call(
        _p5_body,
        grid=(_GRIDP,),
        in_specs=[_blkp(8), _full((1, 8)), _full((1, 8)), _full((1, 8)),
                  _full((1, 8))],
        out_specs=_blkp(16),
        out_shape=sd((_N, 16), f32),
    )(y_ap1, sa1, sa1q, _row(p['ap1_g']), _row(p['ap1_b']))

    g2 = _sc_gather(t2, idx_flat)

    fc2W = p['ap2_fc_W']
    mlp2W = p['ap2_mlp_W']
    y_ap2, sa2, sa2q = pl.pallas_call(
        _p6_body,
        grid=(_GRID,),
        in_specs=[_blkk(8), _blkk(16), _full((1, 8)), _full((1, 8)),
                  _full((1, 8)), _full((8, 8)), _full((1, 8)),
                  _full((1, 8)), _full((8, 8)), _full((1, 8)),
                  _full((1, 8)), _full((8, 16)), _full((8, 16)),
                  _full((8, 16)), _full((8, 16))],
        out_specs=[_blk(16), _full((1, 16)), _full((1, 16))],
        out_shape=[sd((_N, 16), f32), sd((1, 16), f32), sd((1, 16), f32)],
    )(y_bb1, g2, sb1, sb1q, sfx, sfxfx, _row(p['bb_mlp1_g']),
      _row(p['bb_mlp1_b']), p['bb_mlp2_W'].T, _row(p['bb_mlp2_g']),
      _row(p['bb_mlp2_b']), fc2W[:, 0:8].T, fc2W[:, 8:16].T,
      mlp2W[:, 0:8].T, mlp2W[:, 8:16].T)

    y_drb, sfl, sflfl = pl.pallas_call(
        _p7_body,
        grid=(_GRIDP,),
        in_specs=[_blkp(16), _full((1, 16)), _full((1, 16)),
                  _full((1, 16)), _full((1, 16)), _full((16, 32))],
        out_specs=[_blkp(32), _full((1, 16)), _full((16, 16))],
        out_shape=[sd((_N, 32), f32), sd((1, 16), f32), sd((16, 16), f32)],
    )(y_ap2, sa2, sa2q, _row(p['ap2_g']), _row(p['ap2_b']),
      p['drb_mlp2_W'].T)

    out = pl.pallas_call(
        _p8_body,
        grid=(_GRIDP,),
        in_specs=[_blkp(32), _blkp(32), _full((1, 16)), _full((16, 16)),
                  _full((16, 32)), _full((1, 32)), _full((1, 32))],
        out_specs=_blkp(32),
        out_shape=sd((_N, 32), f32),
    )(y_drb, sc_out, sfl, sflfl, p['drb_mlp2_W'].T,
      _row(p['drb_mlp2_g']), _row(p['drb_mlp2_b']))

    return out.T[None, :, :, None]

# --- scband reference (transcript-rebuilt; emitter-appended) ---
"""Pipeline reference for scband-rand-lanet-unet-68496138437076 (READ-ONLY COPY).

The authoritative reference and input builder live on the scoring server;
editing this copy changes nothing except your own understanding.
"""

import jax, jax.numpy as jnp
import numpy as np

B, N, K = 1, 65536, 16


def _gather(pc, idx):
    # pc: [B, N, d], idx: [B, N, K] -> [B, N, K, d]  (torch.gather equivalent)
    return jax.vmap(lambda p, i: p[i])(pc, idx)


def _conv_bn(x, W, g, beta, act=True, eps=1e-5):
    # 1x1 conv (bias=False when bn=True, per pt_utils) + BatchNorm2d (train-mode stats) + ReLU
    y = jnp.einsum('bcnk,oc->bonk', x, W)
    m = y.mean(axis=(0, 2, 3), keepdims=True)
    v = y.var(axis=(0, 2, 3), keepdims=True)
    y = g[None, :, None, None] * (y - m) / jnp.sqrt(v + eps) + beta[None, :, None, None]
    if act:
        y = jax.nn.relu(y)
    return y


def _att_pool(fs, fcW, mlpW, g, beta):
    # Att_pooling: fs [B, C, N, K]
    att = jnp.einsum('bcnk,oc->bonk', fs, fcW)
    scores = jax.nn.softmax(att, axis=3)
    agg = jnp.sum(fs * scores, axis=3, keepdims=True)  # [B, C, N, 1]
    return _conv_bn(agg, mlpW, g, beta, act=True)


def _rel_pos(xyz, idx):
    nb = _gather(xyz, idx)                              # [B, N, K, 3]
    tile = jnp.broadcast_to(xyz[:, :, None, :], nb.shape)
    rel = tile - nb
    dist = jnp.sqrt(jnp.sum(rel ** 2, axis=-1, keepdims=True))
    return jnp.concatenate([dist, rel, tile, nb], axis=-1)  # [B, N, K, 10]


def _forward(xyz, features, neigh_idx, params):
    p = params
    # fc0 -> LeakyReLU -> BatchNorm1d(eps=1e-6)
    f = jnp.einsum('bnc,oc->bno', features, p['fc0_W']) + p['fc0_b']
    f = jax.nn.leaky_relu(f, 0.01)
    f = jnp.transpose(f, (0, 2, 1))                     # [B, 8, N]
    m = f.mean(axis=(0, 2), keepdims=True)
    v = f.var(axis=(0, 2), keepdims=True)
    f = p['bn0_g'][None, :, None] * (f - m) / jnp.sqrt(v + 1e-6) + p['bn0_b'][None, :, None]
    feature = f[..., None]                              # [B, 8, N, 1]

    # Dilated_res_block (d_in=8, d_out=16)
    f_pc = _conv_bn(feature, p['drb_mlp1_W'], p['drb_mlp1_g'], p['drb_mlp1_b'], act=True)  # [B,8,N,1]

    # Building_block (LFA)
    f_xyz = _rel_pos(xyz, neigh_idx)                    # [B, N, K, 10]
    f_xyz = jnp.transpose(f_xyz, (0, 3, 1, 2))          # [B, 10, N, K]
    f_xyz = _conv_bn(f_xyz, p['bb_mlp1_W'], p['bb_mlp1_g'], p['bb_mlp1_b'], act=True)      # [B,8,N,K]

    pc_feat = jnp.transpose(f_pc[..., 0], (0, 2, 1))    # [B, N, 8]
    f_nb = jnp.transpose(_gather(pc_feat, neigh_idx), (0, 3, 1, 2))  # [B, 8, N, K]
    f_cat = jnp.concatenate([f_nb, f_xyz], axis=1)      # [B, 16, N, K]
    f_agg = _att_pool(f_cat, p['ap1_fc_W'], p['ap1_mlp_W'], p['ap1_g'], p['ap1_b'])        # [B,8,N,1]

    f_xyz2 = _conv_bn(f_xyz, p['bb_mlp2_W'], p['bb_mlp2_g'], p['bb_mlp2_b'], act=True)     # [B,8,N,K]
    agg_feat = jnp.transpose(f_agg[..., 0], (0, 2, 1))  # [B, N, 8]
    f_nb2 = jnp.transpose(_gather(agg_feat, neigh_idx), (0, 3, 1, 2))
    f_cat2 = jnp.concatenate([f_nb2, f_xyz2], axis=1)   # [B, 16, N, K]
    f_lfa = _att_pool(f_cat2, p['ap2_fc_W'], p['ap2_mlp_W'], p['ap2_g'], p['ap2_b'])       # [B,16,N,1]

    f_out = _conv_bn(f_lfa, p['drb_mlp2_W'], p['drb_mlp2_g'], p['drb_mlp2_b'], act=False)  # [B,32,N,1]
    sc = _conv_bn(feature, p['sc_W'], p['sc_g'], p['sc_b'], act=False)                     # [B,32,N,1]
    return jax.nn.leaky_relu(f_out + sc, 0.2)


def setup_inputs(seed: int = 0) -> dict:
    key = jax.random.key(seed)
    ks = [jax.random.fold_in(key, i) for i in range(16)]
    xyz = jax.random.uniform(ks[0], (B, N, 3), jnp.float32)
    features = jax.random.normal(ks[1], (B, N, 6), jnp.float32)
    neigh_idx = jax.random.randint(ks[2], (B, N, K), 0, N)

    def w(k, o, i):
        return jax.random.normal(k, (o, i), jnp.float32) * (1.0 / np.sqrt(i))

    params = {
        'fc0_W': w(ks[3], 8, 6), 'fc0_b': jnp.zeros(8, jnp.float32),
        'bn0_g': jnp.ones(8, jnp.float32), 'bn0_b': jnp.zeros(8, jnp.float32),
        'drb_mlp1_W': w(ks[4], 8, 8), 'drb_mlp1_g': jnp.ones(8), 'drb_mlp1_b': jnp.zeros(8),
        'bb_mlp1_W': w(ks[5], 8, 10), 'bb_mlp1_g': jnp.ones(8), 'bb_mlp1_b': jnp.zeros(8),
        'ap1_fc_W': w(ks[6], 16, 16),
        'ap1_mlp_W': w(ks[7], 8, 16), 'ap1_g': jnp.ones(8), 'ap1_b': jnp.zeros(8),
        'bb_mlp2_W': w(ks[8], 8, 8), 'bb_mlp2_g': jnp.ones(8), 'bb_mlp2_b': jnp.zeros(8),
        'ap2_fc_W': w(ks[9], 16, 16),
        'ap2_mlp_W': w(ks[10], 16, 16), 'ap2_g': jnp.ones(16), 'ap2_b': jnp.zeros(16),
        'drb_mlp2_W': w(ks[11], 32, 16), 'drb_mlp2_g': jnp.ones(32), 'drb_mlp2_b': jnp.zeros(32),
        'sc_W': w(ks[12], 32, 8), 'sc_g': jnp.ones(32), 'sc_b': jnp.zeros(32),
    }
    return {'xyz': xyz, 'features': features, 'neigh_idx': neigh_idx, 'params': params}


def reference(xyz, features, neigh_idx, params):
    return _forward(xyz, features, neigh_idx, params)

if __name__ == "__main__":
    import jax
    _d = setup_inputs()
    print(jax.jit(kernel)(*tuple(_d.values())))

</pallas_src>

<mosaic_0001>
#map = affine_map<(d0, d1) -> (0, 0)>
#map1 = affine_map<(d0, d1) -> (0)>
module attributes {stable_mosaic.version = 14 : i64} {
  func.func @k(%arg0: i32, %arg1: i32, %arg2: memref<65536x16xf32, #tpu.memory_space<hbm>>, %arg3: memref<1048576xi32, #tpu.memory_space<hbm>>, %arg4: memref<1048576x16xf32, #tpu.memory_space<hbm>>, %arg5: memref<4096xi32, #tpu.memory_space<vmem>>, %arg6: memref<4096x16xf32, #tpu.memory_space<vmem>>, %arg7: memref<!tpu.dma_semaphore, #tpu.memory_space<semaphore_mem>>) attributes {dimension_semantics = [#tpu.dimension_semantics<core_parallel>, #tpu.dimension_semantics<subcore_parallel>], iteration_bounds = array<i64: 2, 16>, scalar_prefetch = 0 : i64, scratch_operands = 3 : i64, tpu.core_type = #tpu.core_type<sc_vector_subcore>, window_params = [{transform_indices = #map}, {transform_indices = #map1}, {transform_indices = #map}]} {
    %mul3A = arith.constant 2 : i32
    %mul3A_0 = arith.muli %arg1, %mul3A : i32
    %add3A = arith.addi %mul3A_0, %arg0 : i32
    %mul3A_1 = arith.constant 32768 : i32
    %mul3A_2 = arith.muli %add3A, %mul3A_1 : i32
    %add3A_3 = arith.constant 0 : i32
    %add3A_4 = arith.addi %mul3A_2, %add3A_3 : i32
    "tpu.region"() ({
      %run_scoped3A = tpu.sem_alloc : memref<!tpu.dma_semaphore, #tpu.memory_space<semaphore_mem>>
      %dma_start3A_65 = tpu.memref_slice %arg3[%add3A_4] : memref<1048576xi32, #tpu.memory_space<hbm>> -> memref<4096xi32, #tpu.memory_space<hbm>>
      %dma_start3A_66 = tpu.memref_slice %arg3[%add3A_4] : memref<1048576xi32, #tpu.memory_space<hbm>> -> memref<4096xi32, #tpu.memory_space<hbm>>
      tpu.enqueue_dma source(%dma_start3A_66 : memref<4096xi32, #tpu.memory_space<hbm>>) target(%arg5 : memref<4096xi32, #tpu.memory_space<vmem>>) target_semaphore(%run_scoped3A : memref<!tpu.dma_semaphore, #tpu.memory_space<semaphore_mem>>)
      %dma_wait3A_67 = tpu.memref_slice %arg3[%add3A_4] : memref<1048576xi32, #tpu.memory_space<hbm>> -> memref<4096xi32, #tpu.memory_space<hbm>>
      %dma_wait3A_68 = tpu.memref_slice %arg3[%add3A_4] : memref<1048576xi32, #tpu.memory_space<hbm>> -> memref<4096xi32, #tpu.memory_space<hbm>>
      tpu.wait_dma2 semaphore(%run_scoped3A : memref<!tpu.dma_semaphore, #tpu.memory_space<semaphore_mem>>) src(%dma_wait3A_68 : memref<4096xi32, #tpu.memory_space<hbm>>) dst(%arg5 : memref<4096xi32, #tpu.memory_space<vmem>>)
      tpu.yield
    }) : () -> ()
    %dma_start3A = arith.constant 0 : i32
    %dma_start3A_5 = arith.constant 0 : i32
    %dma_start3A_6 = tpu.memref_slice %arg2[%dma_start3A, %dma_start3A_5] : memref<65536x16xf32, #tpu.memory_space<hbm>> -> memref<65536x16xf32, #tpu.memory_space<hbm>>
    tpu.enqueue_indirect_dma source(%dma_start3A_6 : memref<65536x16xf32, #tpu.memory_space<hbm>>) target(%arg6 : memref<4096x16xf32, #tpu.memory_space<vmem>>) offsets(%arg5 : memref<4096xi32, #tpu.memory_space<vmem>>) semaphore(%arg7 : memref<!tpu.dma_semaphore, #tpu.memory_space<semaphore_mem>>)
    %dma_wait3A = arith.constant 0 : i32
    %dma_wait3A_7 = arith.constant 0 : i32
    %dma_wait3A_8 = tpu.memref_slice %arg2[%dma_wait3A, %dma_wait3A_7] : memref<65536x16xf32, #tpu.memory_space<hbm>> -> memref<65536x16xf32, #tpu.memory_space<hbm>>
    tpu.wait_indirect_dma semaphore(%arg7 : memref<!tpu.dma_semaphore, #tpu.memory_space<semaphore_mem>>) src(%dma_wait3A_8 : memref<65536x16xf32, #tpu.memory_space<hbm>>) dst(%arg6 : memref<4096x16xf32, #tpu.memory_space<vmem>>)
    "tpu.region"() ({
      %run_scoped3A = tpu.sem_alloc : memref<!tpu.dma_semaphore, #tpu.memory_space<semaphore_mem>>
      %dma_start3A_65 = arith.constant 0 : i32
      %dma_start3A_66 = tpu.memref_slice %arg4[%add3A_4, %dma_start3A_65] : memref<1048576x16xf32, #tpu.memory_space<hbm>> -> memref<4096x16xf32, #tpu.memory_space<hbm>>
      %dma_start3A_67 = arith.constant 0 : i32
      %dma_start3A_68 = tpu.memref_slice %arg4[%add3A_4, %dma_start3A_67] : memref<1048576x16xf32, #tpu.memory_space<hbm>> -> memref<4096x16xf32, #tpu.memory_space<hbm>>
      tpu.enqueue_dma source(%arg6 : memref<4096x16xf32, #tpu.memory_space<vmem>>) target(%dma_start3A_68 : memref<4096x16xf32, #tpu.memory_space<hbm>>) target_semaphore(%run_scoped3A : memref<!tpu.dma_semaphore, #tpu.memory_space<semaphore_mem>>)
      %dma_wait3A_69 = arith.constant 0 : i32
      %dma_wait3A_70 = tpu.memref_slice %arg4[%add3A_4, %dma_wait3A_69] : memref<1048576x16xf32, #tpu.memory_space<hbm>> -> memref<4096x16xf32, #tpu.memory_space<hbm>>
      %dma_wait3A_71 = arith.constant 0 : i32
      %dma_wait3A_72 = tpu.memref_slice %arg4[%add3A_4, %dma_wait3A_71] : memref<1048576x16xf32, #tpu.memory_space<hbm>> -> memref<4096x16xf32, #tpu.memory_space<hbm>>
      tpu.wait_dma2 semaphore(%run_scoped3A : memref<!tpu.dma_semaphore, #tpu.memory_space<semaphore_mem>>) src(%arg6 : memref<4096x16xf32, #tpu.memory_space<vmem>>) dst(%dma_wait3A_72 : memref<4096x16xf32, #tpu.memory_space<hbm>>)
      tpu.yield
    }) : () -> ()
    %add3A_9 = arith.constant 4096 : i32
    %add3A_10 = arith.addi %mul3A_2, %add3A_9 : i32
    "tpu.region"() ({
      %run_scoped3A = tpu.sem_alloc : memref<!tpu.dma_semaphore, #tpu.memory_space<semaphore_mem>>
      %dma_start3A_65 = tpu.memref_slice %arg3[%add3A_10] : memref<1048576xi32, #tpu.memory_space<hbm>> -> memref<4096xi32, #tpu.memory_space<hbm>>
      %dma_start3A_66 = tpu.memref_slice %arg3[%add3A_10] : memref<1048576xi32, #tpu.memory_space<hbm>> -> memref<4096xi32, #tpu.memory_space<hbm>>
      tpu.enqueue_dma source(%dma_start3A_66 : memref<4096xi32, #tpu.memory_space<hbm>>) target(%arg5 : memref<4096xi32, #tpu.memory_space<vmem>>) target_semaphore(%run_scoped3A : memref<!tpu.dma_semaphore, #tpu.memory_space<semaphore_mem>>)
      %dma_wait3A_67 = tpu.memref_slice %arg3[%add3A_10] : memref<1048576xi32, #tpu.memory_space<hbm>> -> memref<4096xi32, #tpu.memory_space<hbm>>
      %dma_wait3A_68 = tpu.memref_slice %arg3[%add3A_10] : memref<1048576xi32, #tpu.memory_space<hbm>> -> memref<4096xi32, #tpu.memory_space<hbm>>
      tpu.wait_dma2 semaphore(%run_scoped3A : memref<!tpu.dma_semaphore, #tpu.memory_space<semaphore_mem>>) src(%dma_wait3A_68 : memref<4096xi32, #tpu.memory_space<hbm>>) dst(%arg5 : memref<4096xi32, #tpu.memory_space<vmem>>)
      tpu.yield
    }) : () -> ()
    %dma_start3A_11 = arith.constant 0 : i32
    %dma_start3A_12 = arith.constant 0 : i32
    %dma_start3A_13 = tpu.memref_slice %arg2[%dma_start3A_11, %dma_start3A_12] : memref<65536x16xf32, #tpu.memory_space<hbm>> -> memref<65536x16xf32, #tpu.memory_space<hbm>>
    tpu.enqueue_indirect_dma source(%dma_start3A_13 : memref<65536x16xf32, #tpu.memory_space<hbm>>) target(%arg6 : memref<4096x16xf32, #tpu.memory_space<vmem>>) offsets(%arg5 : memref<4096xi32, #tpu.memory_space<vmem>>) semaphore(%arg7 : memref<!tpu.dma_semaphore, #tpu.memory_space<semaphore_mem>>)
    %dma_wait3A_14 = arith.constant 0 : i32
    %dma_wait3A_15 = arith.constant 0 : i32
    %dma_wait3A_16 = tpu.memref_slice %arg2[%dma_wait3A_14, %dma_wait3A_15] : memref<65536x16xf32, #tpu.memory_space<hbm>> -> memref<65536x16xf32, #tpu.memory_space<hbm>>
    tpu.wait_indirect_dma semaphore(%arg7 : memref<!tpu.dma_semaphore, #tpu.memory_space<semaphore_mem>>) src(%dma_wait3A_16 : memref<65536x16xf32, #tpu.memory_space<hbm>>) dst(%arg6 : memref<4096x16xf32, #tpu.memory_space<vmem>>)
    "tpu.region"() ({
      %run_scoped3A = tpu.sem_alloc : memref<!tpu.dma_semaphore, #tpu.memory_space<semaphore_mem>>
      %dma_start3A_65 = arith.constant 0 : i32
      %dma_start3A_66 = tpu.memref_slice %arg4[%add3A_10, %dma_start3A_65] : memref<1048576x16xf32, #tpu.memory_space<hbm>> -> memref<4096x16xf32, #tpu.memory_space<hbm>>
      %dma_start3A_67 = arith.constant 0 : i32
      %dma_start3A_68 = tpu.memref_slice %arg4[%add3A_10, %dma_start3A_67] : memref<1048576x16xf32, #tpu.memory_space<hbm>> -> memref<4096x16xf32, #tpu.memory_space<hbm>>
      tpu.enqueue_dma source(%arg6 : memref<4096x16xf32, #tpu.memory_space<vmem>>) target(%dma_start3A_68 : memref<4096x16xf32, #tpu.memory_space<hbm>>) target_semaphore(%run_scoped3A : memref<!tpu.dma_semaphore, #tpu.memory_space<semaphore_mem>>)
      %dma_wait3A_69 = arith.constant 0 : i32
      %dma_wait3A_70 = tpu.memref_slice %arg4[%add3A_10, %dma_wait3A_69] : memref<1048576x16xf32, #tpu.memory_space<hbm>> -> memref<4096x16xf32, #tpu.memory_space<hbm>>
      %dma_wait3A_71 = arith.constant 0 : i32
      %dma_wait3A_72 = tpu.memref_slice %arg4[%add3A_10, %dma_wait3A_71] : memref<1048576x16xf32, #tpu.memory_space<hbm>> -> memref<4096x16xf32, #tpu.memory_space<hbm>>
      tpu.wait_dma2 semaphore(%run_scoped3A : memref<!tpu.dma_semaphore, #tpu.memory_space<semaphore_mem>>) src(%arg6 : memref<4096x16xf32, #tpu.memory_space<vmem>>) dst(%dma_wait3A_72 : memref<4096x16xf32, #tpu.memory_space<hbm>>)
      tpu.yield
    }) : () -> ()
    %add3A_17 = arith.constant 8192 : i32
    %add3A_18 = arith.addi %mul3A_2, %add3A_17 : i32
    "tpu.region"() ({
      %run_scoped3A = tpu.sem_alloc : memref<!tpu.dma_semaphore, #tpu.memory_space<semaphore_mem>>
      %dma_start3A_65 = tpu.memref_slice %arg3[%add3A_18] : memref<1048576xi32, #tpu.memory_space<hbm>> -> memref<4096xi32, #tpu.memory_space<hbm>>
      %dma_start3A_66 = tpu.memref_slice %arg3[%add3A_18] : memref<1048576xi32, #tpu.memory_space<hbm>> -> memref<4096xi32, #tpu.memory_space<hbm>>
      tpu.enqueue_dma source(%dma_start3A_66 : memref<4096xi32, #tpu.memory_space<hbm>>) target(%arg5 : memref<4096xi32, #tpu.memory_space<vmem>>) target_semaphore(%run_scoped3A : memref<!tpu.dma_semaphore, #tpu.memory_space<semaphore_mem>>)
      %dma_wait3A_67 = tpu.memref_slice %arg3[%add3A_18] : memref<1048576xi32, #tpu.memory_space<hbm>> -> memref<4096xi32, #tpu.memory_space<hbm>>
      %dma_wait3A_68 = tpu.memref_slice %arg3[%add3A_18] : memref<1048576xi32, #tpu.memory_space<hbm>> -> memref<4096xi32, #tpu.memory_space<hbm>>
      tpu.wait_dma2 semaphore(%run_scoped3A : memref<!tpu.dma_semaphore, #tpu.memory_space<semaphore_mem>>) src(%dma_wait3A_68 : memref<4096xi32, #tpu.memory_space<hbm>>) dst(%arg5 : memref<4096xi32, #tpu.memory_space<vmem>>)
      tpu.yield
    }) : () -> ()
    %dma_start3A_19 = arith.constant 0 : i32
    %dma_start3A_20 = arith.constant 0 : i32
    %dma_start3A_21 = tpu.memref_slice %arg2[%dma_start3A_19, %dma_start3A_20] : memref<65536x16xf32, #tpu.memory_space<hbm>> -> memref<65536x16xf32, #tpu.memory_space<hbm>>
    tpu.enqueue_indirect_dma source(%dma_start3A_21 : memref<65536x16xf32, #tpu.memory_space<hbm>>) target(%arg6 : memref<4096x16xf32, #tpu.memory_space<vmem>>) offsets(%arg5 : memref<4096xi32, #tpu.memory_space<vmem>>) semaphore(%arg7 : memref<!tpu.dma_semaphore, #tpu.memory_space<semaphore_mem>>)
    %dma_wait3A_22 = arith.constant 0 : i32
    %dma_wait3A_23 = arith.constant 0 : i32
    %dma_wait3A_24 = tpu.memref_slice %arg2[%dma_wait3A_22, %dma_wait3A_23] : memref<65536x16xf32, #tpu.memory_space<hbm>> -> memref<65536x16xf32, #tpu.memory_space<hbm>>
    tpu.wait_indirect_dma semaphore(%arg7 : memref<!tpu.dma_semaphore, #tpu.memory_space<semaphore_mem>>) src(%dma_wait3A_24 : memref<65536x16xf32, #tpu.memory_space<hbm>>) dst(%arg6 : memref<4096x16xf32, #tpu.memory_space<vmem>>)
    "tpu.region"() ({
      %run_scoped3A = tpu.sem_alloc : memref<!tpu.dma_semaphore, #tpu.memory_space<semaphore_mem>>
      %dma_start3A_65 = arith.constant 0 : i32
      %dma_start3A_66 = tpu.memref_slice %arg4[%add3A_18, %dma_start3A_65] : memref<1048576x16xf32, #tpu.memory_space<hbm>> -> memref<4096x16xf32, #tpu.memory_space<hbm>>
      %dma_start3A_67 = arith.constant 0 : i32
      %dma_start3A_68 = tpu.memref_slice %arg4[%add3A_18, %dma_start3A_67] : memref<1048576x16xf32, #tpu.memory_space<hbm>> -> memref<4096x16xf32, #tpu.memory_space<hbm>>
      tpu.enqueue_dma source(%arg6 : memref<4096x16xf32, #tpu.memory_space<vmem>>) target(%dma_start3A_68 : memref<4096x16xf32, #tpu.memory_space<hbm>>) target_semaphore(%run_scoped3A : memref<!tpu.dma_semaphore, #tpu.memory_space<semaphore_mem>>)
      %dma_wait3A_69 = arith.constant 0 : i32
      %dma_wait3A_70 = tpu.memref_slice %arg4[%add3A_18, %dma_wait3A_69] : memref<1048576x16xf32, #tpu.memory_space<hbm>> -> memref<4096x16xf32, #tpu.memory_space<hbm>>
      %dma_wait3A_71 = arith.constant 0 : i32
      %dma_wait3A_72 = tpu.memref_slice %arg4[%add3A_18, %dma_wait3A_71] : memref<1048576x16xf32, #tpu.memory_space<hbm>> -> memref<4096x16xf32, #tpu.memory_space<hbm>>
      tpu.wait_dma2 semaphore(%run_scoped3A : memref<!tpu.dma_semaphore, #tpu.memory_space<semaphore_mem>>) src(%arg6 : memref<4096x16xf32, #tpu.memory_space<vmem>>) dst(%dma_wait3A_72 : memref<4096x16xf32, #tpu.memory_space<hbm>>)
      tpu.yield
    }) : () -> ()
    %add3A_25 = arith.constant 12288 : i32
    %add3A_26 = arith.addi %mul3A_2, %add3A_25 : i32
    "tpu.region"() ({
      %run_scoped3A = tpu.sem_alloc : memref<!tpu.dma_semaphore, #tpu.memory_space<semaphore_mem>>
      %dma_start3A_65 = tpu.memref_slice %arg3[%add3A_26] : memref<1048576xi32, #tpu.memory_space<hbm>> -> memref<4096xi32, #tpu.memory_space<hbm>>
      %dma_start3A_66 = tpu.memref_slice %arg3[%add3A_26] : memref<1048576xi32, #tpu.memory_space<hbm>> -> memref<4096xi32, #tpu.memory_space<hbm>>
      tpu.enqueue_dma source(%dma_start3A_66 : memref<4096xi32, #tpu.memory_space<hbm>>) target(%arg5 : memref<4096xi32, #tpu.memory_space<vmem>>) target_semaphore(%run_scoped3A : memref<!tpu.dma_semaphore, #tpu.memory_space<semaphore_mem>>)
      %dma_wait3A_67 = tpu.memref_slice %arg3[%add3A_26] : memref<1048576xi32, #tpu.memory_space<hbm>> -> memref<4096xi32, #tpu.memory_space<hbm>>
      %dma_wait3A_68 = tpu.memref_slice %arg3[%add3A_26] : memref<1048576xi32, #tpu.memory_space<hbm>> -> memref<4096xi32, #tpu.memory_space<hbm>>
      tpu.wait_dma2 semaphore(%run_scoped3A : memref<!tpu.dma_semaphore, #tpu.memory_space<semaphore_mem>>) src(%dma_wait3A_68 : memref<4096xi32, #tpu.memory_space<hbm>>) dst(%arg5 : memref<4096xi32, #tpu.memory_space<vmem>>)
      tpu.yield
    }) : () -> ()
    %dma_start3A_27 = arith.constant 0 : i32
    %dma_start3A_28 = arith.constant 0 : i32
    %dma_start3A_29 = tpu.memref_slice %arg2[%dma_start3A_27, %dma_start3A_28] : memref<65536x16xf32, #tpu.memory_space<hbm>> -> memref<65536x16xf32, #tpu.memory_space<hbm>>
    tpu.enqueue_indirect_dma source(%dma_start3A_29 : memref<65536x16xf32, #tpu.memory_space<hbm>>) target(%arg6 : memref<4096x16xf32, #tpu.memory_space<vmem>>) offsets(%arg5 : memref<4096xi32, #tpu.memory_space<vmem>>) semaphore(%arg7 : memref<!tpu.dma_semaphore, #tpu.memory_space<semaphore_mem>>)
    %dma_wait3A_30 = arith.constant 0 : i32
    %dma_wait3A_31 = arith.constant 0 : i32
    %dma_wait3A_32 = tpu.memref_slice %arg2[%dma_wait3A_30, %dma_wait3A_31] : memref<65536x16xf32, #tpu.memory_space<hbm>> -> memref<65536x16xf32, #tpu.memory_space<hbm>>
    tpu.wait_indirect_dma semaphore(%arg7 : memref<!tpu.dma_semaphore, #tpu.memory_space<semaphore_mem>>) src(%dma_wait3A_32 : memref<65536x16xf32, #tpu.memory_space<hbm>>) dst(%arg6 : memref<4096x16xf32, #tpu.memory_space<vmem>>)
    "tpu.region"() ({
      %run_scoped3A = tpu.sem_alloc : memref<!tpu.dma_semaphore, #tpu.memory_space<semaphore_mem>>
      %dma_start3A_65 = arith.constant 0 : i32
      %dma_start3A_66 = tpu.memref_slice %arg4[%add3A_26, %dma_start3A_65] : memref<1048576x16xf32, #tpu.memory_space<hbm>> -> memref<4096x16xf32, #tpu.memory_space<hbm>>
      %dma_start3A_67 = arith.constant 0 : i32
      %dma_start3A_68 = tpu.memref_slice %arg4[%add3A_26, %dma_start3A_67] : memref<1048576x16xf32, #tpu.memory_space<hbm>> -> memref<4096x16xf32, #tpu.memory_space<hbm>>
      tpu.enqueue_dma source(%arg6 : memref<4096x16xf32, #tpu.memory_space<vmem>>) target(%dma_start3A_68 : memref<4096x16xf32, #tpu.memory_space<hbm>>) target_semaphore(%run_scoped3A : memref<!tpu.dma_semaphore, #tpu.memory_space<semaphore_mem>>)
      %dma_wait3A_69 = arith.constant 0 : i32
      %dma_wait3A_70 = tpu.memref_slice %arg4[%add3A_26, %dma_wait3A_69] : memref<1048576x16xf32, #tpu.memory_space<hbm>> -> memref<4096x16xf32, #tpu.memory_space<hbm>>
      %dma_wait3A_71 = arith.constant 0 : i32
      %dma_wait3A_72 = tpu.memref_slice %arg4[%add3A_26, %dma_wait3A_71] : memref<1048576x16xf32, #tpu.memory_space<hbm>> -> memref<4096x16xf32, #tpu.memory_space<hbm>>
      tpu.wait_dma2 semaphore(%run_scoped3A : memref<!tpu.dma_semaphore, #tpu.memory_space<semaphore_mem>>) src(%arg6 : memref<4096x16xf32, #tpu.memory_space<vmem>>) dst(%dma_wait3A_72 : memref<4096x16xf32, #tpu.memory_space<hbm>>)
      tpu.yield
    }) : () -> ()
    %add3A_33 = arith.constant 16384 : i32
    %add3A_34 = arith.addi %mul3A_2, %add3A_33 : i32
    "tpu.region"() ({
      %run_scoped3A = tpu.sem_alloc : memref<!tpu.dma_semaphore, #tpu.memory_space<semaphore_mem>>
      %dma_start3A_65 = tpu.memref_slice %arg3[%add3A_34] : memref<1048576xi32, #tpu.memory_space<hbm>> -> memref<4096xi32, #tpu.memory_space<hbm>>
      %dma_start3A_66 = tpu.memref_slice %arg3[%add3A_34] : memref<1048576xi32, #tpu.memory_space<hbm>> -> memref<4096xi32, #tpu.memory_space<hbm>>
      tpu.enqueue_dma source(%dma_start3A_66 : memref<4096xi32, #tpu.memory_space<hbm>>) target(%arg5 : memref<4096xi32, #tpu.memory_space<vmem>>) target_semaphore(%run_scoped3A : memref<!tpu.dma_semaphore, #tpu.memory_space<semaphore_mem>>)
      %dma_wait3A_67 = tpu.memref_slice %arg3[%add3A_34] : memref<1048576xi32, #tpu.memory_space<hbm>> -> memref<4096xi32, #tpu.memory_space<hbm>>
      %dma_wait3A_68 = tpu.memref_slice %arg3[%add3A_34] : memref<1048576xi32, #tpu.memory_space<hbm>> -> memref<4096xi32, #tpu.memory_space<hbm>>
      tpu.wait_dma2 semaphore(%run_scoped3A : memref<!tpu.dma_semaphore, #tpu.memory_space<semaphore_mem>>) src(%dma_wait3A_68 : memref<4096xi32, #tpu.memory_space<hbm>>) dst(%arg5 : memref<4096xi32, #tpu.memory_space<vmem>>)
      tpu.yield
    }) : () -> ()
    %dma_start3A_35 = arith.constant 0 : i32
    %dma_start3A_36 = arith.constant 0 : i32
    %dma_start3A_37 = tpu.memref_slice %arg2[%dma_start3A_35, %dma_start3A_36] : memref<65536x16xf32, #tpu.memory_space<hbm>> -> memref<65536x16xf32, #tpu.memory_space<hbm>>
    tpu.enqueue_indirect_dma source(%dma_start3A_37 : memref<65536x16xf32, #tpu.memory_space<hbm>>) target(%arg6 : memref<4096x16xf32, #tpu.memory_space<vmem>>) offsets(%arg5 : memref<4096xi32, #tpu.memory_space<vmem>>) semaphore(%arg7 : memref<!tpu.dma_semaphore, #tpu.memory_space<semaphore_mem>>)
    %dma_wait3A_38 = arith.constant 0 : i32
    %dma_wait3A_39 = arith.constant 0 : i32
    %dma_wait3A_40 = tpu.memref_slice %arg2[%dma_wait3A_38, %dma_wait3A_39] : memref<65536x16xf32, #tpu.memory_space<hbm>> -> memref<65536x16xf32, #tpu.memory_space<hbm>>
    tpu.wait_indirect_dma semaphore(%arg7 : memref<!tpu.dma_semaphore, #tpu.memory_space<semaphore_mem>>) src(%dma_wait3A_40 : memref<65536x16xf32, #tpu.memory_space<hbm>>) dst(%arg6 : memref<4096x16xf32, #tpu.memory_space<vmem>>)
    "tpu.region"() ({
      %run_scoped3A = tpu.sem_alloc : memref<!tpu.dma_semaphore, #tpu.memory_space<semaphore_mem>>
      %dma_start3A_65 = arith.constant 0 : i32
      %dma_start3A_66 = tpu.memref_slice %arg4[%add3A_34, %dma_start3A_65] : memref<1048576x16xf32, #tpu.memory_space<hbm>> -> memref<4096x16xf32, #tpu.memory_space<hbm>>
      %dma_start3A_67 = arith.constant 0 : i32
      %dma_start3A_68 = tpu.memref_slice %arg4[%add3A_34, %dma_start3A_67] : memref<1048576x16xf32, #tpu.memory_space<hbm>> -> memref<4096x16xf32, #tpu.memory_space<hbm>>
      tpu.enqueue_dma source(%arg6 : memref<4096x16xf32, #tpu.memory_space<vmem>>) target(%dma_start3A_68 : memref<4096x16xf32, #tpu.memory_space<hbm>>) target_semaphore(%run_scoped3A : memref<!tpu.dma_semaphore, #tpu.memory_space<semaphore_mem>>)
      %dma_wait3A_69 = arith.constant 0 : i32
      %dma_wait3A_70 = tpu.memref_slice %arg4[%add3A_34, %dma_wait3A_69] : memref<1048576x16xf32, #tpu.memory_space<hbm>> -> memref<4096x16xf32, #tpu.memory_space<hbm>>
      %dma_wait3A_71 = arith.constant 0 : i32
      %dma_wait3A_72 = tpu.memref_slice %arg4[%add3A_34, %dma_wait3A_71] : memref<1048576x16xf32, #tpu.memory_space<hbm>> -> memref<4096x16xf32, #tpu.memory_space<hbm>>
      tpu.wait_dma2 semaphore(%run_scoped3A : memref<!tpu.dma_semaphore, #tpu.memory_space<semaphore_mem>>) src(%arg6 : memref<4096x16xf32, #tpu.memory_space<vmem>>) dst(%dma_wait3A_72 : memref<4096x16xf32, #tpu.memory_space<hbm>>)
      tpu.yield
    }) : () -> ()
    %add3A_41 = arith.constant 20480 : i32
    %add3A_42 = arith.addi %mul3A_2, %add3A_41 : i32
    "tpu.region"() ({
      %run_scoped3A = tpu.sem_alloc : memref<!tpu.dma_semaphore, #tpu.memory_space<semaphore_mem>>
      %dma_start3A_65 = tpu.memref_slice %arg3[%add3A_42] : memref<1048576xi32, #tpu.memory_space<hbm>> -> memref<4096xi32, #tpu.memory_space<hbm>>
      %dma_start3A_66 = tpu.memref_slice %arg3[%add3A_42] : memref<1048576xi32, #tpu.memory_space<hbm>> -> memref<4096xi32, #tpu.memory_space<hbm>>
      tpu.enqueue_dma source(%dma_start3A_66 : memref<4096xi32, #tpu.memory_space<hbm>>) target(%arg5 : memref<4096xi32, #tpu.memory_space<vmem>>) target_semaphore(%run_scoped3A : memref<!tpu.dma_semaphore, #tpu.memory_space<semaphore_mem>>)
      %dma_wait3A_67 = tpu.memref_slice %arg3[%add3A_42] : memref<1048576xi32, #tpu.memory_space<hbm>> -> memref<4096xi32, #tpu.memory_space<hbm>>
      %dma_wait3A_68 = tpu.memref_slice %arg3[%add3A_42] : memref<1048576xi32, #tpu.memory_space<hbm>> -> memref<4096xi32, #tpu.memory_space<hbm>>
      tpu.wait_dma2 semaphore(%run_scoped3A : memref<!tpu.dma_semaphore, #tpu.memory_space<semaphore_mem>>) src(%dma_wait3A_68 : memref<4096xi32, #tpu.memory_space<hbm>>) dst(%arg5 : memref<4096xi32, #tpu.memory_space<vmem>>)
      tpu.yield
    }) : () -> ()
    %dma_start3A_43 = arith.constant 0 : i32
    %dma_start3A_44 = arith.constant 0 : i32
    %dma_start3A_45 = tpu.memref_slice %arg2[%dma_start3A_43, %dma_start3A_44] : memref<65536x16xf32, #tpu.memory_space<hbm>> -> memref<65536x16xf32, #tpu.memory_space<hbm>>
    tpu.enqueue_indirect_dma source(%dma_start3A_45 : memref<65536x16xf32, #tpu.memory_space<hbm>>) target(%arg6 : memref<4096x16xf32, #tpu.memory_space<vmem>>) offsets(%arg5 : memref<4096xi32, #tpu.memory_space<vmem>>) semaphore(%arg7 : memref<!tpu.dma_semaphore, #tpu.memory_space<semaphore_mem>>)
    %dma_wait3A_46 = arith.constant 0 : i32
    %dma_wait3A_47 = arith.constant 0 : i32
    %dma_wait3A_48 = tpu.memref_slice %arg2[%dma_wait3A_46, %dma_wait3A_47] : memref<65536x16xf32, #tpu.memory_space<hbm>> -> memref<65536x16xf32, #tpu.memory_space<hbm>>
    tpu.wait_indirect_dma semaphore(%arg7 : memref<!tpu.dma_semaphore, #tpu.memory_space<semaphore_mem>>) src(%dma_wait3A_48 : memref<65536x16xf32, #tpu.memory_space<hbm>>) dst(%arg6 : memref<4096x16xf32, #tpu.memory_space<vmem>>)
    "tpu.region"() ({
      %run_scoped3A = tpu.sem_alloc : memref<!tpu.dma_semaphore, #tpu.memory_space<semaphore_mem>>
      %dma_start3A_65 = arith.constant 0 : i32
      %dma_start3A_66 = tpu.memref_slice %arg4[%add3A_42, %dma_start3A_65] : memref<1048576x16xf32, #tpu.memory_space<hbm>> -> memref<4096x16xf32, #tpu.memory_space<hbm>>
      %dma_start3A_67 = arith.constant 0 : i32
      %dma_start3A_68 = tpu.memref_slice %arg4[%add3A_42, %dma_start3A_67] : memref<1048576x16xf32, #tpu.memory_space<hbm>> -> memref<4096x16xf32, #tpu.memory_space<hbm>>
      tpu.enqueue_dma source(%arg6 : memref<4096x16xf32, #tpu.memory_space<vmem>>) target(%dma_start3A_68 : memref<4096x16xf32, #tpu.memory_space<hbm>>) target_semaphore(%run_scoped3A : memref<!tpu.dma_semaphore, #tpu.memory_space<semaphore_mem>>)
      %dma_wait3A_69 = arith.constant 0 : i32
      %dma_wait3A_70 = tpu.memref_slice %arg4[%add3A_42, %dma_wait3A_69] : memref<1048576x16xf32, #tpu.memory_space<hbm>> -> memref<4096x16xf32, #tpu.memory_space<hbm>>
      %dma_wait3A_71 = arith.constant 0 : i32
      %dma_wait3A_72 = tpu.memref_slice %arg4[%add3A_42, %dma_wait3A_71] : memref<1048576x16xf32, #tpu.memory_space<hbm>> -> memref<4096x16xf32, #tpu.memory_space<hbm>>
      tpu.wait_dma2 semaphore(%run_scoped3A : memref<!tpu.dma_semaphore, #tpu.memory_space<semaphore_mem>>) src(%arg6 : memref<4096x16xf32, #tpu.memory_space<vmem>>) dst(%dma_wait3A_72 : memref<4096x16xf32, #tpu.memory_space<hbm>>)
      tpu.yield
    }) : () -> ()
    %add3A_49 = arith.constant 24576 : i32
    %add3A_50 = arith.addi %mul3A_2, %add3A_49 : i32
    "tpu.region"() ({
      %run_scoped3A = tpu.sem_alloc : memref<!tpu.dma_semaphore, #tpu.memory_space<semaphore_mem>>
      %dma_start3A_65 = tpu.memref_slice %arg3[%add3A_50] : memref<1048576xi32, #tpu.memory_space<hbm>> -> memref<4096xi32, #tpu.memory_space<hbm>>
      %dma_start3A_66 = tpu.memref_slice %arg3[%add3A_50] : memref<1048576xi32, #tpu.memory_space<hbm>> -> memref<4096xi32, #tpu.memory_space<hbm>>
      tpu.enqueue_dma source(%dma_start3A_66 : memref<4096xi32, #tpu.memory_space<hbm>>) target(%arg5 : memref<4096xi32, #tpu.memory_space<vmem>>) target_semaphore(%run_scoped3A : memref<!tpu.dma_semaphore, #tpu.memory_space<semaphore_mem>>)
      %dma_wait3A_67 = tpu.memref_slice %arg3[%add3A_50] : memref<1048576xi32, #tpu.memory_space<hbm>> -> memref<4096xi32, #tpu.memory_space<hbm>>
      %dma_wait3A_68 = tpu.memref_slice %arg3[%add3A_50] : memref<1048576xi32, #tpu.memory_space<hbm>> -> memref<4096xi32, #tpu.memory_space<hbm>>
      tpu.wait_dma2 semaphore(%run_scoped3A : memref<!tpu.dma_semaphore, #tpu.memory_space<semaphore_mem>>) src(%dma_wait3A_68 : memref<4096xi32, #tpu.memory_space<hbm>>) dst(%arg5 : memref<4096xi32, #tpu.memory_space<vmem>>)
      tpu.yield
    }) : () -> ()
    %dma_start3A_51 = arith.constant 0 : i32
    %dma_start3A_52 = arith.constant 0 : i32
    %dma_start3A_53 = tpu.memref_slice %arg2[%dma_start3A_51, %dma_start3A_52] : memref<65536x16xf32, #tpu.memory_space<hbm>> -> memref<65536x16xf32, #tpu.memory_space<hbm>>
    tpu.enqueue_indirect_dma source(%dma_start3A_53 : memref<65536x16xf32, #tpu.memory_space<hbm>>) target(%arg6 : memref<4096x16xf32, #tpu.memory_space<vmem>>) offsets(%arg5 : memref<4096xi32, #tpu.memory_space<vmem>>) semaphore(%arg7 : memref<!tpu.dma_semaphore, #tpu.memory_space<semaphore_mem>>)
    %dma_wait3A_54 = arith.constant 0 : i32
    %dma_wait3A_55 = arith.constant 0 : i32
    %dma_wait3A_56 = tpu.memref_slice %arg2[%dma_wait3A_54, %dma_wait3A_55] : memref<65536x16xf32, #tpu.memory_space<hbm>> -> memref<65536x16xf32, #tpu.memory_space<hbm>>
    tpu.wait_indirect_dma semaphore(%arg7 : memref<!tpu.dma_semaphore, #tpu.memory_space<semaphore_mem>>) src(%dma_wait3A_56 : memref<65536x16xf32, #tpu.memory_space<hbm>>) dst(%arg6 : memref<4096x16xf32, #tpu.memory_space<vmem>>)
    "tpu.region"() ({
      %run_scoped3A = tpu.sem_alloc : memref<!tpu.dma_semaphore, #tpu.memory_space<semaphore_mem>>
      %dma_start3A_65 = arith.constant 0 : i32
      %dma_start3A_66 = tpu.memref_slice %arg4[%add3A_50, %dma_start3A_65] : memref<1048576x16xf32, #tpu.memory_space<hbm>> -> memref<4096x16xf32, #tpu.memory_space<hbm>>
      %dma_start3A_67 = arith.constant 0 : i32
      %dma_start3A_68 = tpu.memref_slice %arg4[%add3A_50, %dma_start3A_67] : memref<1048576x16xf32, #tpu.memory_space<hbm>> -> memref<4096x16xf32, #tpu.memory_space<hbm>>
      tpu.enqueue_dma source(%arg6 : memref<4096x16xf32, #tpu.memory_space<vmem>>) target(%dma_start3A_68 : memref<4096x16xf32, #tpu.memory_space<hbm>>) target_semaphore(%run_scoped3A : memref<!tpu.dma_semaphore, #tpu.memory_space<semaphore_mem>>)
      %dma_wait3A_69 = arith.constant 0 : i32
      %dma_wait3A_70 = tpu.memref_slice %arg4[%add3A_50, %dma_wait3A_69] : memref<1048576x16xf32, #tpu.memory_space<hbm>> -> memref<4096x16xf32, #tpu.memory_space<hbm>>
      %dma_wait3A_71 = arith.constant 0 : i32
      %dma_wait3A_72 = tpu.memref_slice %arg4[%add3A_50, %dma_wait3A_71] : memref<1048576x16xf32, #tpu.memory_space<hbm>> -> memref<4096x16xf32, #tpu.memory_space<hbm>>
      tpu.wait_dma2 semaphore(%run_scoped3A : memref<!tpu.dma_semaphore, #tpu.memory_space<semaphore_mem>>) src(%arg6 : memref<4096x16xf32, #tpu.memory_space<vmem>>) dst(%dma_wait3A_72 : memref<4096x16xf32, #tpu.memory_space<hbm>>)
      tpu.yield
    }) : () -> ()
    %add3A_57 = arith.constant 28672 : i32
    %add3A_58 = arith.addi %mul3A_2, %add3A_57 : i32
    "tpu.region"() ({
      %run_scoped3A = tpu.sem_alloc : memref<!tpu.dma_semaphore, #tpu.memory_space<semaphore_mem>>
      %dma_start3A_65 = tpu.memref_slice %arg3[%add3A_58] : memref<1048576xi32, #tpu.memory_space<hbm>> -> memref<4096xi32, #tpu.memory_space<hbm>>
      %dma_start3A_66 = tpu.memref_slice %arg3[%add3A_58] : memref<1048576xi32, #tpu.memory_space<hbm>> -> memref<4096xi32, #tpu.memory_space<hbm>>
      tpu.enqueue_dma source(%dma_start3A_66 : memref<4096xi32, #tpu.memory_space<hbm>>) target(%arg5 : memref<4096xi32, #tpu.memory_space<vmem>>) target_semaphore(%run_scoped3A : memref<!tpu.dma_semaphore, #tpu.memory_space<semaphore_mem>>)
      %dma_wait3A_67 = tpu.memref_slice %arg3[%add3A_58] : memref<1048576xi32, #tpu.memory_space<hbm>> -> memref<4096xi32, #tpu.memory_space<hbm>>
      %dma_wait3A_68 = tpu.memref_slice %arg3[%add3A_58] : memref<1048576xi32, #tpu.memory_space<hbm>> -> memref<4096xi32, #tpu.memory_space<hbm>>
      tpu.wait_dma2 semaphore(%run_scoped3A : memref<!tpu.dma_semaphore, #tpu.memory_space<semaphore_mem>>) src(%dma_wait3A_68 : memref<4096xi32, #tpu.memory_space<hbm>>) dst(%arg5 : memref<4096xi32, #tpu.memory_space<vmem>>)
      tpu.yield
    }) : () -> ()
    %dma_start3A_59 = arith.constant 0 : i32
    %dma_start3A_60 = arith.constant 0 : i32
    %dma_start3A_61 = tpu.memref_slice %arg2[%dma_start3A_59, %dma_start3A_60] : memref<65536x16xf32, #tpu.memory_space<hbm>> -> memref<65536x16xf32, #tpu.memory_space<hbm>>
    tpu.enqueue_indirect_dma source(%dma_start3A_61 : memref<65536x16xf32, #tpu.memory_space<hbm>>) target(%arg6 : memref<4096x16xf32, #tpu.memory_space<vmem>>) offsets(%arg5 : memref<4096xi32, #tpu.memory_space<vmem>>) semaphore(%arg7 : memref<!tpu.dma_semaphore, #tpu.memory_space<semaphore_mem>>)
    %dma_wait3A_62 = arith.constant 0 : i32
    %dma_wait3A_63 = arith.constant 0 : i32
    %dma_wait3A_64 = tpu.memref_slice %arg2[%dma_wait3A_62, %dma_wait3A_63] : memref<65536x16xf32, #tpu.memory_space<hbm>> -> memref<65536x16xf32, #tpu.memory_space<hbm>>
    tpu.wait_indirect_dma semaphore(%arg7 : memref<!tpu.dma_semaphore, #tpu.memory_space<semaphore_mem>>) src(%dma_wait3A_64 : memref<65536x16xf32, #tpu.memory_space<hbm>>) dst(%arg6 : memref<4096x16xf32, #tpu.memory_space<vmem>>)
    "tpu.region"() ({
      %run_scoped3A = tpu.sem_alloc : memref<!tpu.dma_semaphore, #tpu.memory_space<semaphore_mem>>
      %dma_start3A_65 = arith.constant 0 : i32
      %dma_start3A_66 = tpu.memref_slice %arg4[%add3A_58, %dma_start3A_65] : memref<1048576x16xf32, #tpu.memory_space<hbm>> -> memref<4096x16xf32, #tpu.memory_space<hbm>>
      %dma_start3A_67 = arith.constant 0 : i32
      %dma_start3A_68 = tpu.memref_slice %arg4[%add3A_58, %dma_start3A_67] : memref<1048576x16xf32, #tpu.memory_space<hbm>> -> memref<4096x16xf32, #tpu.memory_space<hbm>>
      tpu.enqueue_dma source(%arg6 : memref<4096x16xf32, #tpu.memory_space<vmem>>) target(%dma_start3A_68 : memref<4096x16xf32, #tpu.memory_space<hbm>>) target_semaphore(%run_scoped3A : memref<!tpu.dma_semaphore, #tpu.memory_space<semaphore_mem>>)
      %dma_wait3A_69 = arith.constant 0 : i32
      %dma_wait3A_70 = tpu.memref_slice %arg4[%add3A_58, %dma_wait3A_69] : memref<1048576x16xf32, #tpu.memory_space<hbm>> -> memref<4096x16xf32, #tpu.memory_space<hbm>>
      %dma_wait3A_71 = arith.constant 0 : i32
      %dma_wait3A_72 = tpu.memref_slice %arg4[%add3A_58, %dma_wait3A_71] : memref<1048576x16xf32, #tpu.memory_space<hbm>> -> memref<4096x16xf32, #tpu.memory_space<hbm>>
      tpu.wait_dma2 semaphore(%run_scoped3A : memref<!tpu.dma_semaphore, #tpu.memory_space<semaphore_mem>>) src(%arg6 : memref<4096x16xf32, #tpu.memory_space<vmem>>) dst(%dma_wait3A_72 : memref<4096x16xf32, #tpu.memory_space<hbm>>)
      tpu.yield
    }) : () -> ()
    return
  }
}

#map = affine_map<(d0, d1) -> (0, 0)>
#map1 = affine_map<(d0, d1) -> (0)>
module attributes {stable_mosaic.version = 14 : i64} {
  func.func @k(%arg0: i32, %arg1: i32, %arg2: memref<65536x16xf32, #tpu.memory_space<hbm>>, %arg3: memref<1048576xi32, #tpu.memory_space<hbm>>, %arg4: memref<1048576x16xf32, #tpu.memory_space<hbm>>, %arg5: memref<4096xi32, #tpu.memory_space<vmem>>, %arg6: memref<4096x16xf32, #tpu.memory_space<vmem>>, %arg7: memref<!tpu.dma_semaphore, #tpu.memory_space<semaphore_mem>>) attributes {dimension_semantics = [#tpu.dimension_semantics<core_parallel>, #tpu.dimension_semantics<subcore_parallel>], iteration_bounds = array<i64: 2, 16>, scalar_prefetch = 0 : i64, scratch_operands = 3 : i64, tpu.core_type = #tpu.core_type<sc_vector_subcore>, window_params = [{transform_indices = #map}, {transform_indices = #map1}, {transform_indices = #map}]} {
    %mul3A = arith.constant 2 : i32
    %mul3A_0 = arith.muli %arg1, %mul3A : i32
    %add3A = arith.addi %mul3A_0, %arg0 : i32
    %mul3A_1 = arith.constant 32768 : i32
    %mul3A_2 = arith.muli %add3A, %mul3A_1 : i32
    %add3A_3 = arith.constant 0 : i32
    %add3A_4 = arith.addi %mul3A_2, %add3A_3 : i32
    "tpu.region"() ({
      %run_scoped3A = tpu.sem_alloc : memref<!tpu.dma_semaphore, #tpu.memory_space<semaphore_mem>>
      %dma_start3A_65 = tpu.memref_slice %arg3[%add3A_4] : memref<1048576xi32, #tpu.memory_space<hbm>> -> memref<4096xi32, #tpu.memory_space<hbm>>
      %dma_start3A_66 = tpu.memref_slice %arg3[%add3A_4] : memref<1048576xi32, #tpu.memory_space<hbm>> -> memref<4096xi32, #tpu.memory_space<hbm>>
      tpu.enqueue_dma source(%dma_start3A_66 : memref<4096xi32, #tpu.memory_space<hbm>>) target(%arg5 : memref<4096xi32, #tpu.memory_space<vmem>>) target_semaphore(%run_scoped3A : memref<!tpu.dma_semaphore, #tpu.memory_space<semaphore_mem>>)
      %dma_wait3A_67 = tpu.memref_slice %arg3[%add3A_4] : memref<1048576xi32, #tpu.memory_space<hbm>> -> memref<4096xi32, #tpu.memory_space<hbm>>
      %dma_wait3A_68 = tpu.memref_slice %arg3[%add3A_4] : memref<1048576xi32, #tpu.memory_space<hbm>> -> memref<4096xi32, #tpu.memory_space<hbm>>
      tpu.wait_dma2 semaphore(%run_scoped3A : memref<!tpu.dma_semaphore, #tpu.memory_space<semaphore_mem>>) src(%dma_wait3A_68 : memref<4096xi32, #tpu.memory_space<hbm>>) dst(%arg5 : memref<4096xi32, #tpu.memory_space<vmem>>)
      tpu.yield
    }) : () -> ()
    %dma_start3A = arith.constant 0 : i32
    %dma_start3A_5 = arith.constant 0 : i32
    %dma_start3A_6 = tpu.memref_slice %arg2[%dma_start3A, %dma_start3A_5] : memref<65536x16xf32, #tpu.memory_space<hbm>> -> memref<65536x16xf32, #tpu.memory_space<hbm>>
    tpu.enqueue_indirect_dma source(%dma_start3A_6 : memref<65536x16xf32, #tpu.memory_space<hbm>>) target(%arg6 : memref<4096x16xf32, #tpu.memory_space<vmem>>) offsets(%arg5 : memref<4096xi32, #tpu.memory_space<vmem>>) semaphore(%arg7 : memref<!tpu.dma_semaphore, #tpu.memory_space<semaphore_mem>>)
    %dma_wait3A = arith.constant 0 : i32
    %dma_wait3A_7 = arith.constant 0 : i32
    %dma_wait3A_8 = tpu.memref_slice %arg2[%dma_wait3A, %dma_wait3A_7] : memref<65536x16xf32, #tpu.memory_space<hbm>> -> memref<65536x16xf32, #tpu.memory_space<hbm>>
    tpu.wait_indirect_dma semaphore(%arg7 : memref<!tpu.dma_semaphore, #tpu.memory_space<semaphore_mem>>) src(%dma_wait3A_8 : memref<65536x16xf32, #tpu.memory_space<hbm>>) dst(%arg6 : memref<4096x16xf32, #tpu.memory_space<vmem>>)
    "tpu.region"() ({
      %run_scoped3A = tpu.sem_alloc : memref<!tpu.dma_semaphore, #tpu.memory_space<semaphore_mem>>
      %dma_start3A_65 = arith.constant 0 : i32
      %dma_start3A_66 = tpu.memref_slice %arg4[%add3A_4, %dma_start3A_65] : memref<1048576x16xf32, #tpu.memory_space<hbm>> -> memref<4096x16xf32, #tpu.memory_space<hbm>>
      %dma_start3A_67 = arith.constant 0 : i32
      %dma_start3A_68 = tpu.memref_slice %arg4[%add3A_4, %dma_start3A_67] : memref<1048576x16xf32, #tpu.memory_space<hbm>> -> memref<4096x16xf32, #tpu.memory_space<hbm>>
      tpu.enqueue_dma source(%arg6 : memref<4096x16xf32, #tpu.memory_space<vmem>>) target(%dma_start3A_68 : memref<4096x16xf32, #tpu.memory_space<hbm>>) target_semaphore(%run_scoped3A : memref<!tpu.dma_semaphore, #tpu.memory_space<semaphore_mem>>)
      %dma_wait3A_69 = arith.constant 0 : i32
      %dma_wait3A_70 = tpu.memref_slice %arg4[%add3A_4, %dma_wait3A_69] : memref<1048576x16xf32, #tpu.memory_space<hbm>> -> memref<4096x16xf32, #tpu.memory_space<hbm>>
      %dma_wait3A_71 = arith.constant 0 : i32
      %dma_wait3A_72 = tpu.memref_slice %arg4[%add3A_4, %dma_wait3A_71] : memref<1048576x16xf32, #tpu.memory_space<hbm>> -> memref<4096x16xf32, #tpu.memory_space<hbm>>
      tpu.wait_dma2 semaphore(%run_scoped3A : memref<!tpu.dma_semaphore, #tpu.memory_space<semaphore_mem>>) src(%arg6 : memref<4096x16xf32, #tpu.memory_space<vmem>>) dst(%dma_wait3A_72 : memref<4096x16xf32, #tpu.memory_space<hbm>>)
      tpu.yield
    }) : () -> ()
    %add3A_9 = arith.constant 4096 : i32
    %add3A_10 = arith.addi %mul3A_2, %add3A_9 : i32
    "tpu.region"() ({
      %run_scoped3A = tpu.sem_alloc : memref<!tpu.dma_semaphore, #tpu.memory_space<semaphore_mem>>
      %dma_start3A_65 = tpu.memref_slice %arg3[%add3A_10] : memref<1048576xi32, #tpu.memory_space<hbm>> -> memref<4096xi32, #tpu.memory_space<hbm>>
      %dma_start3A_66 = tpu.memref_slice %arg3[%add3A_10] : memref<1048576xi32, #tpu.memory_space<hbm>> -> memref<4096xi32, #tpu.memory_space<hbm>>
      tpu.enqueue_dma source(%dma_start3A_66 : memref<4096xi32, #tpu.memory_space<hbm>>) target(%arg5 : memref<4096xi32, #tpu.memory_space<vmem>>) target_semaphore(%run_scoped3A : memref<!tpu.dma_semaphore, #tpu.memory_space<semaphore_mem>>)
      %dma_wait3A_67 = tpu.memref_slice %arg3[%add3A_10] : memref<1048576xi32, #tpu.memory_space<hbm>> -> memref<4096xi32, #tpu.memory_space<hbm>>
      %dma_wait3A_68 = tpu.memref_slice %arg3[%add3A_10] : memref<1048576xi32, #tpu.memory_space<hbm>> -> memref<4096xi32, #tpu.memory_space<hbm>>
      tpu.wait_dma2 semaphore(%run_scoped3A : memref<!tpu.dma_semaphore, #tpu.memory_space<semaphore_mem>>) src(%dma_wait3A_68 : memref<4096xi32, #tpu.memory_space<hbm>>) dst(%arg5 : memref<4096xi32, #tpu.memory_space<vmem>>)
      tpu.yield
    }) : () -> ()
    %dma_start3A_11 = arith.constant 0 : i32
    %dma_start3A_12 = arith.constant 0 : i32
    %dma_start3A_13 = tpu.memref_slice %arg2[%dma_start3A_11, %dma_start3A_12] : memref<65536x16xf32, #tpu.memory_space<hbm>> -> memref<65536x16xf32, #tpu.memory_space<hbm>>
    tpu.enqueue_indirect_dma source(%dma_start3A_13 : memref<65536x16xf32, #tpu.memory_space<hbm>>) target(%arg6 : memref<4096x16xf32, #tpu.memory_space<vmem>>) offsets(%arg5 : memref<4096xi32, #tpu.memory_space<vmem>>) semaphore(%arg7 : memref<!tpu.dma_semaphore, #tpu.memory_space<semaphore_mem>>)
    %dma_wait3A_14 = arith.constant 0 : i32
    %dma_wait3A_15 = arith.constant 0 : i32
    %dma_wait3A_16 = tpu.memref_slice %arg2[%dma_wait3A_14, %dma_wait3A_15] : memref<65536x16xf32, #tpu.memory_space<hbm>> -> memref<65536x16xf32, #tpu.memory_space<hbm>>
    tpu.wait_indirect_dma semaphore(%arg7 : memref<!tpu.dma_semaphore, #tpu.memory_space<semaphore_mem>>) src(%dma_wait3A_16 : memref<65536x16xf32, #tpu.memory_space<hbm>>) dst(%arg6 : memref<4096x16xf32, #tpu.memory_space<vmem>>)
    "tpu.region"() ({
      %run_scoped3A = tpu.sem_alloc : memref<!tpu.dma_semaphore, #tpu.memory_space<semaphore_mem>>
      %dma_start3A_65 = arith.constant 0 : i32
      %dma_start3A_66 = tpu.memref_slice %arg4[%add3A_10, %dma_start3A_65] : memref<1048576x16xf32, #tpu.memory_space<hbm>> -> memref<4096x16xf32, #tpu.memory_space<hbm>>
      %dma_start3A_67 = arith.constant 0 : i32
      %dma_start3A_68 = tpu.memref_slice %arg4[%add3A_10, %dma_start3A_67] : memref<1048576x16xf32, #tpu.memory_space<hbm>> -> memref<4096x16xf32, #tpu.memory_space<hbm>>
      tpu.enqueue_dma source(%arg6 : memref<4096x16xf32, #tpu.memory_space<vmem>>) target(%dma_start3A_68 : memref<4096x16xf32, #tpu.memory_space<hbm>>) target_semaphore(%run_scoped3A : memref<!tpu.dma_semaphore, #tpu.memory_space<semaphore_mem>>)
      %dma_wait3A_69 = arith.constant 0 : i32
      %dma_wait3A_70 = tpu.memref_slice %arg4[%add3A_10, %dma_wait3A_69] : memref<1048576x16xf32, #tpu.memory_space<hbm>> -> memref<4096x16xf32, #tpu.memory_space<hbm>>
      %dma_wait3A_71 = arith.constant 0 : i32
      %dma_wait3A_72 = tpu.memref_slice %arg4[%add3A_10, %dma_wait3A_71] : memref<1048576x16xf32, #tpu.memory_space<hbm>> -> memref<4096x16xf32, #tpu.memory_space<hbm>>
      tpu.wait_dma2 semaphore(%run_scoped3A : memref<!tpu.dma_semaphore, #tpu.memory_space<semaphore_mem>>) src(%arg6 : memref<4096x16xf32, #tpu.memory_space<vmem>>) dst(%dma_wait3A_72 : memref<4096x16xf32, #tpu.memory_space<hbm>>)
      tpu.yield
    }) : () -> ()
    %add3A_17 = arith.constant 8192 : i32
    %add3A_18 = arith.addi %mul3A_2, %add3A_17 : i32
    "tpu.region"() ({
      %run_scoped3A = tpu.sem_alloc : memref<!tpu.dma_semaphore, #tpu.memory_space<semaphore_mem>>
      %dma_start3A_65 = tpu.memref_slice %arg3[%add3A_18] : memref<1048576xi32, #tpu.memory_space<hbm>> -> memref<4096xi32, #tpu.memory_space<hbm>>
      %dma_start3A_66 = tpu.memref_slice %arg3[%add3A_18] : memref<1048576xi32, #tpu.memory_space<hbm>> -> memref<4096xi32, #tpu.memory_space<hbm>>
      tpu.enqueue_dma source(%dma_start3A_66 : memref<4096xi32, #tpu.memory_space<hbm>>) target(%arg5 : memref<4096xi32, #tpu.memory_space<vmem>>) target_semaphore(%run_scoped3A : memref<!tpu.dma_semaphore, #tpu.memory_space<semaphore_mem>>)
      %dma_wait3A_67 = tpu.memref_slice %arg3[%add3A_18] : memref<1048576xi32, #tpu.memory_space<hbm>> -> memref<4096xi32, #tpu.memory_space<hbm>>
      %dma_wait3A_68 = tpu.memref_slice %arg3[%add3A_18] : memref<1048576xi32, #tpu.memory_space<hbm>> -> memref<4096xi32, #tpu.memory_space<hbm>>
      tpu.wait_dma2 semaphore(%run_scoped3A : memref<!tpu.dma_semaphore, #tpu.memory_space<semaphore_mem>>) src(%dma_wait3A_68 : memref<4096xi32, #tpu.memory_space<hbm>>) dst(%arg5 : memref<4096xi32, #tpu.memory_space<vmem>>)
      tpu.yield
    }) : () -> ()
    %dma_start3A_19 = arith.constant 0 : i32
    %dma_start3A_20 = arith.constant 0 : i32
    %dma_start3A_21 = tpu.memref_slice %arg2[%dma_start3A_19, %dma_start3A_20] : memref<65536x16xf32, #tpu.memory_space<hbm>> -> memref<65536x16xf32, #tpu.memory_space<hbm>>
    tpu.enqueue_indirect_dma source(%dma_start3A_21 : memref<65536x16xf32, #tpu.memory_space<hbm>>) target(%arg6 : memref<4096x16xf32, #tpu.memory_space<vmem>>) offsets(%arg5 : memref<4096xi32, #tpu.memory_space<vmem>>) semaphore(%arg7 : memref<!tpu.dma_semaphore, #tpu.memory_space<semaphore_mem>>)
    %dma_wait3A_22 = arith.constant 0 : i32
    %dma_wait3A_23 = arith.constant 0 : i32
    %dma_wait3A_24 = tpu.memref_slice %arg2[%dma_wait3A_22, %dma_wait3A_23] : memref<65536x16xf32, #tpu.memory_space<hbm>> -> memref<65536x16xf32, #tpu.memory_space<hbm>>
    tpu.wait_indirect_dma semaphore(%arg7 : memref<!tpu.dma_semaphore, #tpu.memory_space<semaphore_mem>>) src(%dma_wait3A_24 : memref<65536x16xf32, #tpu.memory_space<hbm>>) dst(%arg6 : memref<4096x16xf32, #tpu.memory_space<vmem>>)
    "tpu.region"() ({
      %run_scoped3A = tpu.sem_alloc : memref<!tpu.dma_semaphore, #tpu.memory_space<semaphore_mem>>
      %dma_start3A_65 = arith.constant 0 : i32
      %dma_start3A_66 = tpu.memref_slice %arg4[%add3A_18, %dma_start3A_65] : memref<1048576x16xf32, #tpu.memory_space<hbm>> -> memref<4096x16xf32, #tpu.memory_space<hbm>>
      %dma_start3A_67 = arith.constant 0 : i32
      %dma_start3A_68 = tpu.memref_slice %arg4[%add3A_18, %dma_start3A_67] : memref<1048576x16xf32, #tpu.memory_space<hbm>> -> memref<4096x16xf32, #tpu.memory_space<hbm>>
      tpu.enqueue_dma source(%arg6 : memref<4096x16xf32, #tpu.memory_space<vmem>>) target(%dma_start3A_68 : memref<4096x16xf32, #tpu.memory_space<hbm>>) target_semaphore(%run_scoped3A : memref<!tpu.dma_semaphore, #tpu.memory_space<semaphore_mem>>)
      %dma_wait3A_69 = arith.constant 0 : i32
      %dma_wait3A_70 = tpu.memref_slice %arg4[%add3A_18, %dma_wait3A_69] : memref<1048576x16xf32, #tpu.memory_space<hbm>> -> memref<4096x16xf32, #tpu.memory_space<hbm>>
      %dma_wait3A_71 = arith.constant 0 : i32
      %dma_wait3A_72 = tpu.memref_slice %arg4[%add3A_18, %dma_wait3A_71] : memref<1048576x16xf32, #tpu.memory_space<hbm>> -> memref<4096x16xf32, #tpu.memory_space<hbm>>
      tpu.wait_dma2 semaphore(%run_scoped3A : memref<!tpu.dma_semaphore, #tpu.memory_space<semaphore_mem>>) src(%arg6 : memref<4096x16xf32, #tpu.memory_space<vmem>>) dst(%dma_wait3A_72 : memref<4096x16xf32, #tpu.memory_space<hbm>>)
      tpu.yield
    }) : () -> ()
    %add3A_25 = arith.constant 12288 : i32
    %add3A_26 = arith.addi %mul3A_2, %add3A_25 : i32
    "tpu.region"() ({
      %run_scoped3A = tpu.sem_alloc : memref<!tpu.dma_semaphore, #tpu.memory_space<semaphore_mem>>
      %dma_start3A_65 = tpu.memref_slice %arg3[%add3A_26] : memref<1048576xi32, #tpu.memory_space<hbm>> -> memref<4096xi32, #tpu.memory_space<hbm>>
      %dma_start3A_66 = tpu.memref_slice %arg3[%add3A_26] : memref<1048576xi32, #tpu.memory_space<hbm>> -> memref<4096xi32, #tpu.memory_space<hbm>>
      tpu.enqueue_dma source(%dma_start3A_66 : memref<4096xi32, #tpu.memory_space<hbm>>) target(%arg5 : memref<4096xi32, #tpu.memory_space<vmem>>) target_semaphore(%run_scoped3A : memref<!tpu.dma_semaphore, #tpu.memory_space<semaphore_mem>>)
      %dma_wait3A_67 = tpu.memref_slice %arg3[%add3A_26] : memref<1048576xi32, #tpu.memory_space<hbm>> -> memref<4096xi32, #tpu.memory_space<hbm>>
      %dma_wait3A_68 = tpu.memref_slice %arg3[%add3A_26] : memref<1048576xi32, #tpu.memory_space<hbm>> -> memref<4096xi32, #tpu.memory_space<hbm>>
      tpu.wait_dma2 semaphore(%run_scoped3A : memref<!tpu.dma_semaphore, #tpu.memory_space<semaphore_mem>>) src(%dma_wait3A_68 : memref<4096xi32, #tpu.memory_space<hbm>>) dst(%arg5 : memref<4096xi32, #tpu.memory_space<vmem>>)
      tpu.yield
    }) : () -> ()
    %dma_start3A_27 = arith.constant 0 : i32
    %dma_start3A_28 = arith.constant 0 : i32
    %dma_start3A_29 = tpu.memref_slice %arg2[%dma_start3A_27, %dma_start3A_28] : memref<65536x16xf32, #tpu.memory_space<hbm>> -> memref<65536x16xf32, #tpu.memory_space<hbm>>
    tpu.enqueue_indirect_dma source(%dma_start3A_29 : memref<65536x16xf32, #tpu.memory_space<hbm>>) target(%arg6 : memref<4096x16xf32, #tpu.memory_space<vmem>>) offsets(%arg5 : memref<4096xi32, #tpu.memory_space<vmem>>) semaphore(%arg7 : memref<!tpu.dma_semaphore, #tpu.memory_space<semaphore_mem>>)
    %dma_wait3A_30 = arith.constant 0 : i32
    %dma_wait3A_31 = arith.constant 0 : i32
    %dma_wait3A_32 = tpu.memref_slice %arg2[%dma_wait3A_30, %dma_wait3A_31] : memref<65536x16xf32, #tpu.memory_space<hbm>> -> memref<65536x16xf32, #tpu.memory_space<hbm>>
    tpu.wait_indirect_dma semaphore(%arg7 : memref<!tpu.dma_semaphore, #tpu.memory_space<semaphore_mem>>) src(%dma_wait3A_32 : memref<65536x16xf32, #tpu.memory_space<hbm>>) dst(%arg6 : memref<4096x16xf32, #tpu.memory_space<vmem>>)
    "tpu.region"() ({
      %run_scoped3A = tpu.sem_alloc : memref<!tpu.dma_semaphore, #tpu.memory_space<semaphore_mem>>
      %dma_start3A_65 = arith.constant 0 : i32
      %dma_start3A_66 = tpu.memref_slice %arg4[%add3A_26, %dma_start3A_65] : memref<1048576x16xf32, #tpu.memory_space<hbm>> -> memref<4096x16xf32, #tpu.memory_space<hbm>>
      %dma_start3A_67 = arith.constant 0 : i32
      %dma_start3A_68 = tpu.memref_slice %arg4[%add3A_26, %dma_start3A_67] : memref<1048576x16xf32, #tpu.memory_space<hbm>> -> memref<4096x16xf32, #tpu.memory_space<hbm>>
      tpu.enqueue_dma source(%arg6 : memref<4096x16xf32, #tpu.memory_space<vmem>>) target(%dma_start3A_68 : memref<4096x16xf32, #tpu.memory_space<hbm>>) target_semaphore(%run_scoped3A : memref<!tpu.dma_semaphore, #tpu.memory_space<semaphore_mem>>)
      %dma_wait3A_69 = arith.constant 0 : i32
      %dma_wait3A_70 = tpu.memref_slice %arg4[%add3A_26, %dma_wait3A_69] : memref<1048576x16xf32, #tpu.memory_space<hbm>> -> memref<4096x16xf32, #tpu.memory_space<hbm>>
      %dma_wait3A_71 = arith.constant 0 : i32
      %dma_wait3A_72 = tpu.memref_slice %arg4[%add3A_26, %dma_wait3A_71] : memref<1048576x16xf32, #tpu.memory_space<hbm>> -> memref<4096x16xf32, #tpu.memory_space<hbm>>
      tpu.wait_dma2 semaphore(%run_scoped3A : memref<!tpu.dma_semaphore, #tpu.memory_space<semaphore_mem>>) src(%arg6 : memref<4096x16xf32, #tpu.memory_space<vmem>>) dst(%dma_wait3A_72 : memref<4096x16xf32, #tpu.memory_space<hbm>>)
      tpu.yield
    }) : () -> ()
    %add3A_33 = arith.constant 16384 : i32
    %add3A_34 = arith.addi %mul3A_2, %add3A_33 : i32
    "tpu.region"() ({
      %run_scoped3A = tpu.sem_alloc : memref<!tpu.dma_semaphore, #tpu.memory_space<semaphore_mem>>
      %dma_start3A_65 = tpu.memref_slice %arg3[%add3A_34] : memref<1048576xi32, #tpu.memory_space<hbm>> -> memref<4096xi32, #tpu.memory_space<hbm>>
      %dma_start3A_66 = tpu.memref_slice %arg3[%add3A_34] : memref<1048576xi32, #tpu.memory_space<hbm>> -> memref<4096xi32, #tpu.memory_space<hbm>>
      tpu.enqueue_dma source(%dma_start3A_66 : memref<4096xi32, #tpu.memory_space<hbm>>) target(%arg5 : memref<4096xi32, #tpu.memory_space<vmem>>) target_semaphore(%run_scoped3A : memref<!tpu.dma_semaphore, #tpu.memory_space<semaphore_mem>>)
      %dma_wait3A_67 = tpu.memref_slice %arg3[%add3A_34] : memref<1048576xi32, #tpu.memory_space<hbm>> -> memref<4096xi32, #tpu.memory_space<hbm>>
      %dma_wait3A_68 = tpu.memref_slice %arg3[%add3A_34] : memref<1048576xi32, #tpu.memory_space<hbm>> -> memref<4096xi32, #tpu.memory_space<hbm>>
      tpu.wait_dma2 semaphore(%run_scoped3A : memref<!tpu.dma_semaphore, #tpu.memory_space<semaphore_mem>>) src(%dma_wait3A_68 : memref<4096xi32, #tpu.memory_space<hbm>>) dst(%arg5 : memref<4096xi32, #tpu.memory_space<vmem>>)
      tpu.yield
    }) : () -> ()
    %dma_start3A_35 = arith.constant 0 : i32
    %dma_start3A_36 = arith.constant 0 : i32
    %dma_start3A_37 = tpu.memref_slice %arg2[%dma_start3A_35, %dma_start3A_36] : memref<65536x16xf32, #tpu.memory_space<hbm>> -> memref<65536x16xf32, #tpu.memory_space<hbm>>
    tpu.enqueue_indirect_dma source(%dma_start3A_37 : memref<65536x16xf32, #tpu.memory_space<hbm>>) target(%arg6 : memref<4096x16xf32, #tpu.memory_space<vmem>>) offsets(%arg5 : memref<4096xi32, #tpu.memory_space<vmem>>) semaphore(%arg7 : memref<!tpu.dma_semaphore, #tpu.memory_space<semaphore_mem>>)
    %dma_wait3A_38 = arith.constant 0 : i32
    %dma_wait3A_39 = arith.constant 0 : i32
    %dma_wait3A_40 = tpu.memref_slice %arg2[%dma_wait3A_38, %dma_wait3A_39] : memref<65536x16xf32, #tpu.memory_space<hbm>> -> memref<65536x16xf32, #tpu.memory_space<hbm>>
    tpu.wait_indirect_dma semaphore(%arg7 : memref<!tpu.dma_semaphore, #tpu.memory_space<semaphore_mem>>) src(%dma_wait3A_40 : memref<65536x16xf32, #tpu.memory_space<hbm>>) dst(%arg6 : memref<4096x16xf32, #tpu.memory_space<vmem>>)
    "tpu.region"() ({
      %run_scoped3A = tpu.sem_alloc : memref<!tpu.dma_semaphore, #tpu.memory_space<semaphore_mem>>
      %dma_start3A_65 = arith.constant 0 : i32
      %dma_start3A_66 = tpu.memref_slice %arg4[%add3A_34, %dma_start3A_65] : memref<1048576x16xf32, #tpu.memory_space<hbm>> -> memref<4096x16xf32, #tpu.memory_space<hbm>>
      %dma_start3A_67 = arith.constant 0 : i32
      %dma_start3A_68 = tpu.memref_slice %arg4[%add3A_34, %dma_start3A_67] : memref<1048576x16xf32, #tpu.memory_space<hbm>> -> memref<4096x16xf32, #tpu.memory_space<hbm>>
      tpu.enqueue_dma source(%arg6 : memref<4096x16xf32, #tpu.memory_space<vmem>>) target(%dma_start3A_68 : memref<4096x16xf32, #tpu.memory_space<hbm>>) target_semaphore(%run_scoped3A : memref<!tpu.dma_semaphore, #tpu.memory_space<semaphore_mem>>)
      %dma_wait3A_69 = arith.constant 0 : i32
      %dma_wait3A_70 = tpu.memref_slice %arg4[%add3A_34, %dma_wait3A_69] : memref<1048576x16xf32, #tpu.memory_space<hbm>> -> memref<4096x16xf32, #tpu.memory_space<hbm>>
      %dma_wait3A_71 = arith.constant 0 : i32
      %dma_wait3A_72 = tpu.memref_slice %arg4[%add3A_34, %dma_wait3A_71] : memref<1048576x16xf32, #tpu.memory_space<hbm>> -> memref<4096x16xf32, #tpu.memory_space<hbm>>
      tpu.wait_dma2 semaphore(%run_scoped3A : memref<!tpu.dma_semaphore, #tpu.memory_space<semaphore_mem>>) src(%arg6 : memref<4096x16xf32, #tpu.memory_space<vmem>>) dst(%dma_wait3A_72 : memref<4096x16xf32, #tpu.memory_space<hbm>>)
      tpu.yield
    }) : () -> ()
    %add3A_41 = arith.constant 20480 : i32
    %add3A_42 = arith.addi %mul3A_2, %add3A_41 : i32
    "tpu.region"() ({
      %run_scoped3A = tpu.sem_alloc : memref<!tpu.dma_semaphore, #tpu.memory_space<semaphore_mem>>
      %dma_start3A_65 = tpu.memref_slice %arg3[%add3A_42] : memref<1048576xi32, #tpu.memory_space<hbm>> -> memref<4096xi32, #tpu.memory_space<hbm>>
      %dma_start3A_66 = tpu.memref_slice %arg3[%add3A_42] : memref<1048576xi32, #tpu.memory_space<hbm>> -> memref<4096xi32, #tpu.memory_space<hbm>>
      tpu.enqueue_dma source(%dma_start3A_66 : memref<4096xi32, #tpu.memory_space<hbm>>) target(%arg5 : memref<4096xi32, #tpu.memory_space<vmem>>) target_semaphore(%run_scoped3A : memref<!tpu.dma_semaphore, #tpu.memory_space<semaphore_mem>>)
      %dma_wait3A_67 = tpu.memref_slice %arg3[%add3A_42] : memref<1048576xi32, #tpu.memory_space<hbm>> -> memref<4096xi32, #tpu.memory_space<hbm>>
      %dma_wait3A_68 = tpu.memref_slice %arg3[%add3A_42] : memref<1048576xi32, #tpu.memory_space<hbm>> -> memref<4096xi32, #tpu.memory_space<hbm>>
      tpu.wait_dma2 semaphore(%run_scoped3A : memref<!tpu.dma_semaphore, #tpu.memory_space<semaphore_mem>>) src(%dma_wait3A_68 : memref<4096xi32, #tpu.memory_space<hbm>>) dst(%arg5 : memref<4096xi32, #tpu.memory_space<vmem>>)
      tpu.yield
    }) : () -> ()
    %dma_start3A_43 = arith.constant 0 : i32
    %dma_start3A_44 = arith.constant 0 : i32
    %dma_start3A_45 = tpu.memref_slice %arg2[%dma_start3A_43, %dma_start3A_44] : memref<65536x16xf32, #tpu.memory_space<hbm>> -> memref<65536x16xf32, #tpu.memory_space<hbm>>
    tpu.enqueue_indirect_dma source(%dma_start3A_45 : memref<65536x16xf32, #tpu.memory_space<hbm>>) target(%arg6 : memref<4096x16xf32, #tpu.memory_space<vmem>>) offsets(%arg5 : memref<4096xi32, #tpu.memory_space<vmem>>) semaphore(%arg7 : memref<!tpu.dma_semaphore, #tpu.memory_space<semaphore_mem>>)
    %dma_wait3A_46 = arith.constant 0 : i32
    %dma_wait3A_47 = arith.constant 0 : i32
    %dma_wait3A_48 = tpu.memref_slice %arg2[%dma_wait3A_46, %dma_wait3A_47] : memref<65536x16xf32, #tpu.memory_space<hbm>> -> memref<65536x16xf32, #tpu.memory_space<hbm>>
    tpu.wait_indirect_dma semaphore(%arg7 : memref<!tpu.dma_semaphore, #tpu.memory_space<semaphore_mem>>) src(%dma_wait3A_48 : memref<65536x16xf32, #tpu.memory_space<hbm>>) dst(%arg6 : memref<4096x16xf32, #tpu.memory_space<vmem>>)
    "tpu.region"() ({
      %run_scoped3A = tpu.sem_alloc : memref<!tpu.dma_semaphore, #tpu.memory_space<semaphore_mem>>
      %dma_start3A_65 = arith.constant 0 : i32
      %dma_start3A_66 = tpu.memref_slice %arg4[%add3A_42, %dma_start3A_65] : memref<1048576x16xf32, #tpu.memory_space<hbm>> -> memref<4096x16xf32, #tpu.memory_space<hbm>>
      %dma_start3A_67 = arith.constant 0 : i32
      %dma_start3A_68 = tpu.memref_slice %arg4[%add3A_42, %dma_start3A_67] : memref<1048576x16xf32, #tpu.memory_space<hbm>> -> memref<4096x16xf32, #tpu.memory_space<hbm>>
      tpu.enqueue_dma source(%arg6 : memref<4096x16xf32, #tpu.memory_space<vmem>>) target(%dma_start3A_68 : memref<4096x16xf32, #tpu.memory_space<hbm>>) target_semaphore(%run_scoped3A : memref<!tpu.dma_semaphore, #tpu.memory_space<semaphore_mem>>)
      %dma_wait3A_69 = arith.constant 0 : i32
      %dma_wait3A_70 = tpu.memref_slice %arg4[%add3A_42, %dma_wait3A_69] : memref<1048576x16xf32, #tpu.memory_space<hbm>> -> memref<4096x16xf32, #tpu.memory_space<hbm>>
      %dma_wait3A_71 = arith.constant 0 : i32
      %dma_wait3A_72 = tpu.memref_slice %arg4[%add3A_42, %dma_wait3A_71] : memref<1048576x16xf32, #tpu.memory_space<hbm>> -> memref<4096x16xf32, #tpu.memory_space<hbm>>
      tpu.wait_dma2 semaphore(%run_scoped3A : memref<!tpu.dma_semaphore, #tpu.memory_space<semaphore_mem>>) src(%arg6 : memref<4096x16xf32, #tpu.memory_space<vmem>>) dst(%dma_wait3A_72 : memref<4096x16xf32, #tpu.memory_space<hbm>>)
      tpu.yield
    }) : () -> ()
    %add3A_49 = arith.constant 24576 : i32
    %add3A_50 = arith.addi %mul3A_2, %add3A_49 : i32
    "tpu.region"() ({
      %run_scoped3A = tpu.sem_alloc : memref<!tpu.dma_semaphore, #tpu.memory_space<semaphore_mem>>
      %dma_start3A_65 = tpu.memref_slice %arg3[%add3A_50] : memref<1048576xi32, #tpu.memory_space<hbm>> -> memref<4096xi32, #tpu.memory_space<hbm>>
      %dma_start3A_66 = tpu.memref_slice %arg3[%add3A_50] : memref<1048576xi32, #tpu.memory_space<hbm>> -> memref<4096xi32, #tpu.memory_space<hbm>>
      tpu.enqueue_dma source(%dma_start3A_66 : memref<4096xi32, #tpu.memory_space<hbm>>) target(%arg5 : memref<4096xi32, #tpu.memory_space<vmem>>) target_semaphore(%run_scoped3A : memref<!tpu.dma_semaphore, #tpu.memory_space<semaphore_mem>>)
      %dma_wait3A_67 = tpu.memref_slice %arg3[%add3A_50] : memref<1048576xi32, #tpu.memory_space<hbm>> -> memref<4096xi32, #tpu.memory_space<hbm>>
      %dma_wait3A_68 = tpu.memref_slice %arg3[%add3A_50] : memref<1048576xi32, #tpu.memory_space<hbm>> -> memref<4096xi32, #tpu.memory_space<hbm>>
      tpu.wait_dma2 semaphore(%run_scoped3A : memref<!tpu.dma_semaphore, #tpu.memory_space<semaphore_mem>>) src(%dma_wait3A_68 : memref<4096xi32, #tpu.memory_space<hbm>>) dst(%arg5 : memref<4096xi32, #tpu.memory_space<vmem>>)
      tpu.yield
    }) : () -> ()
    %dma_start3A_51 = arith.constant 0 : i32
    %dma_start3A_52 = arith.constant 0 : i32
    %dma_start3A_53 = tpu.memref_slice %arg2[%dma_start3A_51, %dma_start3A_52] : memref<65536x16xf32, #tpu.memory_space<hbm>> -> memref<65536x16xf32, #tpu.memory_space<hbm>>
    tpu.enqueue_indirect_dma source(%dma_start3A_53 : memref<65536x16xf32, #tpu.memory_space<hbm>>) target(%arg6 : memref<4096x16xf32, #tpu.memory_space<vmem>>) offsets(%arg5 : memref<4096xi32, #tpu.memory_space<vmem>>) semaphore(%arg7 : memref<!tpu.dma_semaphore, #tpu.memory_space<semaphore_mem>>)
    %dma_wait3A_54 = arith.constant 0 : i32
    %dma_wait3A_55 = arith.constant 0 : i32
    %dma_wait3A_56 = tpu.memref_slice %arg2[%dma_wait3A_54, %dma_wait3A_55] : memref<65536x16xf32, #tpu.memory_space<hbm>> -> memref<65536x16xf32, #tpu.memory_space<hbm>>
    tpu.wait_indirect_dma semaphore(%arg7 : memref<!tpu.dma_semaphore, #tpu.memory_space<semaphore_mem>>) src(%dma_wait3A_56 : memref<65536x16xf32, #tpu.memory_space<hbm>>) dst(%arg6 : memref<4096x16xf32, #tpu.memory_space<vmem>>)
    "tpu.region"() ({
      %run_scoped3A = tpu.sem_alloc : memref<!tpu.dma_semaphore, #tpu.memory_space<semaphore_mem>>
      %dma_start3A_65 = arith.constant 0 : i32
      %dma_start3A_66 = tpu.memref_slice %arg4[%add3A_50, %dma_start3A_65] : memref<1048576x16xf32, #tpu.memory_space<hbm>> -> memref<4096x16xf32, #tpu.memory_space<hbm>>
      %dma_start3A_67 = arith.constant 0 : i32
      %dma_start3A_68 = tpu.memref_slice %arg4[%add3A_50, %dma_start3A_67] : memref<1048576x16xf32, #tpu.memory_space<hbm>> -> memref<4096x16xf32, #tpu.memory_space<hbm>>
      tpu.enqueue_dma source(%arg6 : memref<4096x16xf32, #tpu.memory_space<vmem>>) target(%dma_start3A_68 : memref<4096x16xf32, #tpu.memory_space<hbm>>) target_semaphore(%run_scoped3A : memref<!tpu.dma_semaphore, #tpu.memory_space<semaphore_mem>>)
      %dma_wait3A_69 = arith.constant 0 : i32
      %dma_wait3A_70 = tpu.memref_slice %arg4[%add3A_50, %dma_wait3A_69] : memref<1048576x16xf32, #tpu.memory_space<hbm>> -> memref<4096x16xf32, #tpu.memory_space<hbm>>
      %dma_wait3A_71 = arith.constant 0 : i32
      %dma_wait3A_72 = tpu.memref_slice %arg4[%add3A_50, %dma_wait3A_71] : memref<1048576x16xf32, #tpu.memory_space<hbm>> -> memref<4096x16xf32, #tpu.memory_space<hbm>>
      tpu.wait_dma2 semaphore(%run_scoped3A : memref<!tpu.dma_semaphore, #tpu.memory_space<semaphore_mem>>) src(%arg6 : memref<4096x16xf32, #tpu.memory_space<vmem>>) dst(%dma_wait3A_72 : memref<4096x16xf32, #tpu.memory_space<hbm>>)
      tpu.yield
    }) : () -> ()
    %add3A_57 = arith.constant 28672 : i32
    %add3A_58 = arith.addi %mul3A_2, %add3A_57 : i32
    "tpu.region"() ({
      %run_scoped3A = tpu.sem_alloc : memref<!tpu.dma_semaphore, #tpu.memory_space<semaphore_mem>>
      %dma_start3A_65 = tpu.memref_slice %arg3[%add3A_58] : memref<1048576xi32, #tpu.memory_space<hbm>> -> memref<4096xi32, #tpu.memory_space<hbm>>
      %dma_start3A_66 = tpu.memref_slice %arg3[%add3A_58] : memref<1048576xi32, #tpu.memory_space<hbm>> -> memref<4096xi32, #tpu.memory_space<hbm>>
      tpu.enqueue_dma source(%dma_start3A_66 : memref<4096xi32, #tpu.memory_space<hbm>>) target(%arg5 : memref<4096xi32, #tpu.memory_space<vmem>>) target_semaphore(%run_scoped3A : memref<!tpu.dma_semaphore, #tpu.memory_space<semaphore_mem>>)
      %dma_wait3A_67 = tpu.memref_slice %arg3[%add3A_58] : memref<1048576xi32, #tpu.memory_space<hbm>> -> memref<4096xi32, #tpu.memory_space<hbm>>
      %dma_wait3A_68 = tpu.memref_slice %arg3[%add3A_58] : memref<1048576xi32, #tpu.memory_space<hbm>> -> memref<4096xi32, #tpu.memory_space<hbm>>
      tpu.wait_dma2 semaphore(%run_scoped3A : memref<!tpu.dma_semaphore, #tpu.memory_space<semaphore_mem>>) src(%dma_wait3A_68 : memref<4096xi32, #tpu.memory_space<hbm>>) dst(%arg5 : memref<4096xi32, #tpu.memory_space<vmem>>)
      tpu.yield
    }) : () -> ()
    %dma_start3A_59 = arith.constant 0 : i32
    %dma_start3A_60 = arith.constant 0 : i32
    %dma_start3A_61 = tpu.memref_slice %arg2[%dma_start3A_59, %dma_start3A_60] : memref<65536x16xf32, #tpu.memory_space<hbm>> -> memref<65536x16xf32, #tpu.memory_space<hbm>>
    tpu.enqueue_indirect_dma source(%dma_start3A_61 : memref<65536x16xf32, #tpu.memory_space<hbm>>) target(%arg6 : memref<4096x16xf32, #tpu.memory_space<vmem>>) offsets(%arg5 : memref<4096xi32, #tpu.memory_space<vmem>>) semaphore(%arg7 : memref<!tpu.dma_semaphore, #tpu.memory_space<semaphore_mem>>)
    %dma_wait3A_62 = arith.constant 0 : i32
    %dma_wait3A_63 = arith.constant 0 : i32
    %dma_wait3A_64 = tpu.memref_slice %arg2[%dma_wait3A_62, %dma_wait3A_63] : memref<65536x16xf32, #tpu.memory_space<hbm>> -> memref<65536x16xf32, #tpu.memory_space<hbm>>
    tpu.wait_indirect_dma semaphore(%arg7 : memref<!tpu.dma_semaphore, #tpu.memory_space<semaphore_mem>>) src(%dma_wait3A_64 : memref<65536x16xf32, #tpu.memory_space<hbm>>) dst(%arg6 : memref<4096x16xf32, #tpu.memory_space<vmem>>)
    "tpu.region"() ({
      %run_scoped3A = tpu.sem_alloc : memref<!tpu.dma_semaphore, #tpu.memory_space<semaphore_mem>>
      %dma_start3A_65 = arith.constant 0 : i32
      %dma_start3A_66 = tpu.memref_slice %arg4[%add3A_58, %dma_start3A_65] : memref<1048576x16xf32, #tpu.memory_space<hbm>> -> memref<4096x16xf32, #tpu.memory_space<hbm>>
      %dma_start3A_67 = arith.constant 0 : i32
      %dma_start3A_68 = tpu.memref_slice %arg4[%add3A_58, %dma_start3A_67] : memref<1048576x16xf32, #tpu.memory_space<hbm>> -> memref<4096x16xf32, #tpu.memory_space<hbm>>
      tpu.enqueue_dma source(%arg6 : memref<4096x16xf32, #tpu.memory_space<vmem>>) target(%dma_start3A_68 : memref<4096x16xf32, #tpu.memory_space<hbm>>) target_semaphore(%run_scoped3A : memref<!tpu.dma_semaphore, #tpu.memory_space<semaphore_mem>>)
      %dma_wait3A_69 = arith.constant 0 : i32
      %dma_wait3A_70 = tpu.memref_slice %arg4[%add3A_58, %dma_wait3A_69] : memref<1048576x16xf32, #tpu.memory_space<hbm>> -> memref<4096x16xf32, #tpu.memory_space<hbm>>
      %dma_wait3A_71 = arith.constant 0 : i32
      %dma_wait3A_72 = tpu.memref_slice %arg4[%add3A_58, %dma_wait3A_71] : memref<1048576x16xf32, #tpu.memory_space<hbm>> -> memref<4096x16xf32, #tpu.memory_space<hbm>>
      tpu.wait_dma2 semaphore(%run_scoped3A : memref<!tpu.dma_semaphore, #tpu.memory_space<semaphore_mem>>) src(%arg6 : memref<4096x16xf32, #tpu.memory_space<vmem>>) dst(%dma_wait3A_72 : memref<4096x16xf32, #tpu.memory_space<hbm>>)
      tpu.yield
    }) : () -> ()
    return
  }
}

module attributes {stable_mosaic.version = 14 : i64} {
  func.func @_p1_body(%arg0: i32, %arg1: memref<4096x6xf32, #tpu.memory_space<vmem>>, %arg2: memref<6x8xf32, #tpu.memory_space<vmem>>, %arg3: memref<1x8xf32, #tpu.memory_space<vmem>>, %arg4: memref<4096x8xf32, #tpu.memory_space<vmem>>, %arg5: memref<1x8xf32, #tpu.memory_space<vmem>>, %arg6: memref<1x8xf32, #tpu.memory_space<vmem>>, %arg7: memref<8x8xf32, #tpu.memory_space<vmem>>) attributes {dimension_semantics = [#tpu.dimension_semantics<arbitrary>], iteration_bounds = array<i64: 16>, scalar_prefetch = 0 : i64, scratch_operands = 0 : i64, tpu.core_type = #tpu.core_type<tc>, window_params = [{transform_indices = @transform_0, window_bounds = array<i64: 4096, 6>}, {pipeline_mode = #tpu.pipeline_mode<synchronous>, transform_indices = @transform_1, window_bounds = array<i64: 6, 8>}, {pipeline_mode = #tpu.pipeline_mode<synchronous>, transform_indices = @transform_2, window_bounds = array<i64: 1, 8>}, {transform_indices = @transform_3, window_bounds = array<i64: 4096, 8>}, {pipeline_mode = #tpu.pipeline_mode<synchronous>, transform_indices = @transform_4, window_bounds = array<i64: 1, 8>}, {pipeline_mode = #tpu.pipeline_mode<synchronous>, transform_indices = @transform_5, window_bounds = array<i64: 1, 8>}, {pipeline_mode = #tpu.pipeline_mode<synchronous>, transform_indices = @transform_6, window_bounds = array<i64: 8, 8>}]} {
    %get3A = arith.constant 0 : index
    %get3A_0 = arith.constant 0 : index
    %get3A_1 = vector.load %arg1[%get3A, %get3A_0] : memref<4096x6xf32, #tpu.memory_space<vmem>>, vector<4096x6xf32>
    %get3A_2 = arith.constant 0 : index
    %get3A_3 = arith.constant 0 : index
    %get3A_4 = vector.load %arg2[%get3A_2, %get3A_3] : memref<6x8xf32, #tpu.memory_space<vmem>>, vector<6x8xf32>
    %dot_general3A = arith.constant dense<0.000000e+00> : vector<4096x8xf32>
    %dot_general3A_5 = tpu.matmul %get3A_1, %get3A_4, %dot_general3A {dimension_numbers = #tpu.dot_dimension_numbers<[1], [0], [0], [1], [0, 0, 1, 1], [], []>, transpose_lhs_hint = false} : vector<4096x6xf32>, vector<6x8xf32>, vector<4096x8xf32> -> vector<4096x8xf32>
    %get3A_6 = arith.constant 0 : index
    %get3A_7 = arith.constant 0 : index
    %get3A_8 = vector.load %arg3[%get3A_6, %get3A_7] : memref<1x8xf32, #tpu.memory_space<vmem>>, vector<1x8xf32>
    %add3A = vector.broadcast %get3A_8 : vector<1x8xf32> to vector<4096x8xf32>
    %add3A_9 = arith.addf %dot_general3A_5, %add3A : vector<4096x8xf32>
    %gt3A = arith.constant 0.000000e+00 : f32
    %gt3A_10 = vector.broadcast %gt3A : f32 to vector<4096x8xf32>
    %gt3A_11 = arith.cmpf ogt, %add3A_9, %gt3A_10 : vector<4096x8xf32>
    %mul3A = arith.constant 0.00999999977 : f32
    %mul3A_12 = vector.broadcast %mul3A : f32 to vector<4096x8xf32>
    %mul3A_13 = arith.mulf %mul3A_12, %add3A_9 : vector<4096x8xf32>
    %select_n3A = arith.select %gt3A_11, %add3A_9, %mul3A_13 : vector<4096x8xi1>, vector<4096x8xf32>
    %swap3A = arith.constant 0 : index
    %swap3A_14 = arith.constant 0 : index
    %swap3A_15 = vector.load %arg4[%swap3A, %swap3A_14] : memref<4096x8xf32, #tpu.memory_space<vmem>>, vector<4096x8xf32>
    tpu.vector_store %arg4[%swap3A, %swap3A_14], %select_n3A {strides = array<i32>} : memref<4096x8xf32, #tpu.memory_space<vmem>>, vector<4096x8xf32>,
    %eq3A = arith.constant 0 : i32
    %eq3A_16 = arith.cmpi eq, %arg0, %eq3A : i32
    %convert_element_type3A = arith.extui %eq3A_16 : i1 to i32
    %cond3A = arith.constant 0 : i32
    %cond3A_17 = arith.cmpi ne, %convert_element_type3A, %cond3A : i32
    scf.if %cond3A_17 {
      %broadcast_in_dim3A_46 = arith.constant 0.000000e+00 : f32
      %broadcast_in_dim3A_47 = vector.broadcast %broadcast_in_dim3A_46 : f32 to vector<1x8xf32>
      %swap3A_48 = arith.constant 0 : index
      %swap3A_49 = arith.constant 0 : index
      %swap3A_50 = vector.load %arg5[%swap3A_48, %swap3A_49] : memref<1x8xf32, #tpu.memory_space<vmem>>, vector<1x8xf32>
      tpu.vector_store %arg5[%swap3A_48, %swap3A_49], %broadcast_in_dim3A_47 {strides = array<i32>} : memref<1x8xf32, #tpu.memory_space<vmem>>, vector<1x8xf32>,
      %broadcast_in_dim3A_51 = arith.constant 0.000000e+00 : f32
      %broadcast_in_dim3A_52 = vector.broadcast %broadcast_in_dim3A_51 : f32 to vector<1x8xf32>
      %swap3A_53 = arith.constant 0 : index
      %swap3A_54 = arith.constant 0 : index
      %swap3A_55 = vector.load %arg6[%swap3A_53, %swap3A_54] : memref<1x8xf32, #tpu.memory_space<vmem>>, vector<1x8xf32>
      tpu.vector_store %arg6[%swap3A_53, %swap3A_54], %broadcast_in_dim3A_52 {strides = array<i32>} : memref<1x8xf32, #tpu.memory_space<vmem>>, vector<1x8xf32>,
      %broadcast_in_dim3A_56 = arith.constant 0.000000e+00 : f32
      %broadcast_in_dim3A_57 = vector.broadcast %broadcast_in_dim3A_56 : f32 to vector<8x8xf32>
      %swap3A_58 = arith.constant 0 : index
      %swap3A_59 = arith.constant 0 : index
      %swap3A_60 = vector.load %arg7[%swap3A_58, %swap3A_59] : memref<8x8xf32, #tpu.memory_space<vmem>>, vector<8x8xf32>
      tpu.vector_store %arg7[%swap3A_58, %swap3A_59], %broadcast_in_dim3A_57 {strides = array<i32>} : memref<8x8xf32, #tpu.memory_space<vmem>>, vector<8x8xf32>,
    } else {
    }
    %get3A_18 = arith.constant 0 : index
    %get3A_19 = arith.constant 0 : index
    %get3A_20 = vector.load %arg5[%get3A_18, %get3A_19] : memref<1x8xf32, #tpu.memory_space<vmem>>, vector<1x8xf32>
    %reduce_sum3A = arith.constant dense<0.000000e+00> : vector<8xf32>
    %reduce_sum3A_21 = vector.multi_reduction <add>, %select_n3A, %reduce_sum3A [0] : vector<4096x8xf32> to vector<8xf32>
    %broadcast_in_dim3A = vector.shape_cast %reduce_sum3A_21 : vector<8xf32> to vector<1x8xf32>
    %add3A_22 = arith.addf %get3A_20, %broadcast_in_dim3A : vector<1x8xf32>
    %swap3A_23 = arith.constant 0 : index
    %swap3A_24 = arith.constant 0 : index
    %swap3A_25 = vector.load %arg5[%swap3A_23, %swap3A_24] : memref<1x8xf32, #tpu.memory_space<vmem>>, vector<1x8xf32>
    tpu.vector_store %arg5[%swap3A_23, %swap3A_24], %add3A_22 {strides = array<i32>} : memref<1x8xf32, #tpu.memory_space<vmem>>, vector<1x8xf32>,
    %get3A_26 = arith.constant 0 : index
    %get3A_27 = arith.constant 0 : index
    %get3A_28 = vector.load %arg6[%get3A_26, %get3A_27] : memref<1x8xf32, #tpu.memory_space<vmem>>, vector<1x8xf32>
    %mul3A_29 = arith.mulf %select_n3A, %select_n3A : vector<4096x8xf32>
    %reduce_sum3A_30 = arith.constant dense<0.000000e+00> : vector<8xf32>
    %reduce_sum3A_31 = vector.multi_reduction <add>, %mul3A_29, %reduce_sum3A_30 [0] : vector<4096x8xf32> to vector<8xf32>
    %broadcast_in_dim3A_32 = vector.shape_cast %reduce_sum3A_31 : vector<8xf32> to vector<1x8xf32>
    %add3A_33 = arith.addf %get3A_28, %broadcast_in_dim3A_32 : vector<1x8xf32>
    %swap3A_34 = arith.constant 0 : index
    %swap3A_35 = arith.constant 0 : index
    %swap3A_36 = vector.load %arg6[%swap3A_34, %swap3A_35] : memref<1x8xf32, #tpu.memory_space<vmem>>, vector<1x8xf32>
    tpu.vector_store %arg6[%swap3A_34, %swap3A_35], %add3A_33 {strides = array<i32>} : memref<1x8xf32, #tpu.memory_space<vmem>>, vector<1x8xf32>,
    %get3A_37 = arith.constant 0 : index
    %get3A_38 = arith.constant 0 : index
    %get3A_39 = vector.load %arg7[%get3A_37, %get3A_38] : memref<8x8xf32, #tpu.memory_space<vmem>>, vector<8x8xf32>
    %dot_general3A_40 = arith.constant dense<0.000000e+00> : vector<8x8xf32>
    %dot_general3A_41 = tpu.matmul %select_n3A, %select_n3A, %dot_general3A_40 {dimension_numbers = #tpu.dot_dimension_numbers<[0], [0], [1], [1], [0, 1, 1, 1], [], []>, transpose_lhs_hint = false} : vector<4096x8xf32>, vector<4096x8xf32>, vector<8x8xf32> -> vector<8x8xf32>
    %add3A_42 = arith.addf %get3A_39, %dot_general3A_41 : vector<8x8xf32>
    %swap3A_43 = arith.constant 0 : index
    %swap3A_44 = arith.constant 0 : index
    %swap3A_45 = vector.load %arg7[%swap3A_43, %swap3A_44] : memref<8x8xf32, #tpu.memory_space<vmem>>, vector<8x8xf32>
    tpu.vector_store %arg7[%swap3A_43, %swap3A_44], %add3A_42 {strides = array<i32>} : memref<8x8xf32, #tpu.memory_space<vmem>>, vector<8x8xf32>,
    return
  }
  func.func @transform_0(%arg0: i32) -> (i32, i32) {
    %c0_i32 = arith.constant 0 : i32
    %c0_i32_0 = arith.constant 0 : i32
    return %arg0, %c0_i32 : i32, i32
  }
  func.func @transform_1(%arg0: i32) -> (i32, i32) {
    %c0_i32 = arith.constant 0 : i32
    %c0_i32_0 = arith.constant 0 : i32
    %c0_i32_1 = arith.constant 0 : i32
    return %c0_i32, %c0_i32_0 : i32, i32
  }
  func.func @transform_2(%arg0: i32) -> (i32, i32) {
    %c0_i32 = arith.constant 0 : i32
    %c0_i32_0 = arith.constant 0 : i32
    %c0_i32_1 = arith.constant 0 : i32
    return %c0_i32, %c0_i32_0 : i32, i32
  }
  func.func @transform_3(%arg0: i32) -> (i32, i32) {
    %c0_i32 = arith.constant 0 : i32
    %c0_i32_0 = arith.constant 0 : i32
    return %arg0, %c0_i32 : i32, i32
  }
  func.func @transform_4(%arg0: i32) -> (i32, i32) {
    %c0_i32 = arith.constant 0 : i32
    %c0_i32_0 = arith.constant 0 : i32
    %c0_i32_1 = arith.constant 0 : i32
    return %c0_i32, %c0_i32_0 : i32, i32
  }
  func.func @transform_5(%arg0: i32) -> (i32, i32) {
    %c0_i32 = arith.constant 0 : i32
    %c0_i32_0 = arith.constant 0 : i32
    %c0_i32_1 = arith.constant 0 : i32
    return %c0_i32, %c0_i32_0 : i32, i32
  }
  func.func @transform_6(%arg0: i32) -> (i32, i32) {
    %c0_i32 = arith.constant 0 : i32
    %c0_i32_0 = arith.constant 0 : i32
    %c0_i32_1 = arith.constant 0 : i32
    return %c0_i32, %c0_i32_0 : i32, i32
  }
}

module attributes {stable_mosaic.version = 14 : i64} {
  func.func @_p2_body(%arg0: i32, %arg1: memref<4096x8xf32, #tpu.memory_space<vmem>>, %arg2: memref<4096x3xf32, #tpu.memory_space<vmem>>, %arg3: memref<1x8xf32, #tpu.memory_space<vmem>>, %arg4: memref<1x8xf32, #tpu.memory_space<vmem>>, %arg5: memref<8x8xf32, #tpu.memory_space<vmem>>, %arg6: memref<1x8xf32, #tpu.memory_space<vmem>>, %arg7: memref<1x8xf32, #tpu.memory_space<vmem>>, %arg8: memref<8x8xf32, #tpu.memory_space<vmem>>, %arg9: memref<1x8xf32, #tpu.memory_space<vmem>>, %arg10: memref<1x8xf32, #tpu.memory_space<vmem>>, %arg11: memref<8x32xf32, #tpu.memory_space<vmem>>, %arg12: memref<1x32xf32, #tpu.memory_space<vmem>>, %arg13: memref<1x32xf32, #tpu.memory_space<vmem>>, %arg14: memref<4096x16xf32, #tpu.memory_space<vmem>>, %arg15: memref<4096x32xf32, #tpu.memory_space<vmem>>) attributes {dimension_semantics = [#tpu.dimension_semantics<arbitrary>], iteration_bounds = array<i64: 16>, scalar_prefetch = 0 : i64, scratch_operands = 0 : i64, tpu.core_type = #tpu.core_type<tc>, window_params = [{transform_indices = @transform_0, window_bounds = array<i64: 4096, 8>}, {transform_indices = @transform_1, window_bounds = array<i64: 4096, 3>}, {pipeline_mode = #tpu.pipeline_mode<synchronous>, transform_indices = @transform_2, window_bounds = array<i64: 1, 8>}, {pipeline_mode = #tpu.pipeline_mode<synchronous>, transform_indices = @transform_3, window_bounds = array<i64: 1, 8>}, {pipeline_mode = #tpu.pipeline_mode<synchronous>, transform_indices = @transform_4, window_bounds = array<i64: 8, 8>}, {pipeline_mode = #tpu.pipeline_mode<synchronous>, transform_indices = @transform_5, window_bounds = array<i64: 1, 8>}, {pipeline_mode = #tpu.pipeline_mode<synchronous>, transform_indices = @transform_6, window_bounds = array<i64: 1, 8>}, {pipeline_mode = #tpu.pipeline_mode<synchronous>, transform_indices = @transform_7, window_bounds = array<i64: 8, 8>}, {pipeline_mode = #tpu.pipeline_mode<synchronous>, transform_indices = @transform_8, window_bounds = array<i64: 1, 8>}, {pipeline_mode = #tpu.pipeline_mode<synchronous>, transform_indices = @transform_9, window_bounds = array<i64: 1, 8>}, {pipeline_mode = #tpu.pipeline_mode<synchronous>, transform_indices = @transform_10, window_bounds = array<i64: 8, 32>}, {pipeline_mode = #tpu.pipeline_mode<synchronous>, transform_indices = @transform_11, window_bounds = array<i64: 1, 32>}, {pipeline_mode = #tpu.pipeline_mode<synchronous>, transform_indices = @transform_12, window_bounds = array<i64: 1, 32>}, {transform_indices = @transform_13, window_bounds = array<i64: 4096, 16>}, {transform_indices = @transform_14, window_bounds = array<i64: 4096, 32>}]} {
    %get3A = arith.constant 0 : index
    %get3A_0 = arith.constant 0 : index
    %get3A_1 = vector.load %arg3[%get3A, %get3A_0] : memref<1x8xf32, #tpu.memory_space<vmem>>, vector<1x8xf32>
    %div3A = arith.constant 6.553600e+04 : f32
    %div3A_2 = vector.broadcast %div3A : f32 to vector<1x8xf32>
    %div3A_3 = arith.divf %get3A_1, %div3A_2 : vector<1x8xf32>
    %get3A_4 = arith.constant 0 : index
    %get3A_5 = arith.constant 0 : index
    %get3A_6 = vector.load %arg4[%get3A_4, %get3A_5] : memref<1x8xf32, #tpu.memory_space<vmem>>, vector<1x8xf32>
    %div3A_7 = arith.constant 6.553600e+04 : f32
    %div3A_8 = vector.broadcast %div3A_7 : f32 to vector<1x8xf32>
    %div3A_9 = arith.divf %get3A_6, %div3A_8 : vector<1x8xf32>
    %mul3A = arith.mulf %div3A_3, %div3A_3 : vector<1x8xf32>
    %sub3A = arith.subf %div3A_9, %mul3A : vector<1x8xf32>
    %get3A_10 = arith.constant 0 : index
    %get3A_11 = arith.constant 0 : index
    %get3A_12 = vector.load %arg6[%get3A_10, %get3A_11] : memref<1x8xf32, #tpu.memory_space<vmem>>, vector<1x8xf32>
    %add3A = arith.constant 9.99999997E-7 : f32
    %add3A_13 = vector.broadcast %add3A : f32 to vector<1x8xf32>
    %add3A_14 = arith.addf %sub3A, %add3A_13 : vector<1x8xf32>
    %sqrt3A = math.sqrt %add3A_14 : vector<1x8xf32>
    %div3A_15 = arith.constant 1.000000e+00 : f32
    %div3A_16 = vector.broadcast %div3A_15 : f32 to vector<1x8xf32>
    %div3A_17 = arith.divf %div3A_16, %sqrt3A : vector<1x8xf32>
    %mul3A_18 = arith.mulf %get3A_12, %div3A_17 : vector<1x8xf32>
    %get3A_19 = arith.constant 0 : index
    %get3A_20 = arith.constant 0 : index
    %get3A_21 = vector.load %arg7[%get3A_19, %get3A_20] : memref<1x8xf32, #tpu.memory_space<vmem>>, vector<1x8xf32>
    %mul3A_22 = arith.mulf %mul3A_18, %div3A_3 : vector<1x8xf32>
    %sub3A_23 = arith.subf %get3A_21, %mul3A_22 : vector<1x8xf32>
    %get3A_24 = arith.constant 0 : index
    %get3A_25 = arith.constant 0 : index
    %get3A_26 = vector.load %arg1[%get3A_24, %get3A_25] : memref<4096x8xf32, #tpu.memory_space<vmem>>, vector<4096x8xf32>
    %mul3A_27 = vector.broadcast %mul3A_18 : vector<1x8xf32> to vector<4096x8xf32>
    %mul3A_28 = arith.mulf %mul3A_27, %get3A_26 : vector<4096x8xf32>
    %add3A_29 = vector.broadcast %sub3A_23 : vector<1x8xf32> to vector<4096x8xf32>
    %add3A_30 = arith.addf %mul3A_28, %add3A_29 : vector<4096x8xf32>
    %get3A_31 = arith.constant 0 : index
    %get3A_32 = arith.constant 0 : index
    %get3A_33 = vector.load %arg5[%get3A_31, %get3A_32] : memref<8x8xf32, #tpu.memory_space<vmem>>, vector<8x8xf32>
    %div3A_34 = arith.constant 6.553600e+04 : f32
    %div3A_35 = vector.broadcast %div3A_34 : f32 to vector<8x8xf32>
    %div3A_36 = arith.divf %get3A_33, %div3A_35 : vector<8x8xf32>
    %reshape3A = vector.shape_cast %mul3A_18 : vector<1x8xf32> to vector<8x1xf32>
    %reshape3A_37 = vector.shape_cast %div3A_3 : vector<1x8xf32> to vector<8x1xf32>
    %reshape3A_38 = vector.shape_cast %sub3A_23 : vector<1x8xf32> to vector<8x1xf32>
    %mul3A_39 = arith.mulf %mul3A_18, %div3A_3 : vector<1x8xf32>
    %add3A_40 = arith.addf %mul3A_39, %sub3A_23 : vector<1x8xf32>
    %mul3A_41 = vector.broadcast %reshape3A : vector<8x1xf32> to vector<8x8xf32>
    %mul3A_42 = vector.broadcast %mul3A_18 : vector<1x8xf32> to vector<8x8xf32>
    %mul3A_43 = arith.mulf %mul3A_41, %mul3A_42 : vector<8x8xf32>
    %mul3A_44 = arith.mulf %mul3A_43, %div3A_36 : vector<8x8xf32>
    %mul3A_45 = arith.mulf %reshape3A, %reshape3A_37 : vector<8x1xf32>
    %mul3A_46 = vector.broadcast %mul3A_45 : vector<8x1xf32> to vector<8x8xf32>
    %mul3A_47 = vector.broadcast %sub3A_23 : vector<1x8xf32> to vector<8x8xf32>
    %mul3A_48 = arith.mulf %mul3A_46, %mul3A_47 : vector<8x8xf32>
    %add3A_49 = arith.addf %mul3A_44, %mul3A_48 : vector<8x8xf32>
    %mul3A_50 = arith.mulf %mul3A_18, %div3A_3 : vector<1x8xf32>
    %mul3A_51 = vector.broadcast %reshape3A_38 : vector<8x1xf32> to vector<8x8xf32>
    %mul3A_52 = vector.broadcast %mul3A_50 : vector<1x8xf32> to vector<8x8xf32>
    %mul3A_53 = arith.mulf %mul3A_51, %mul3A_52 : vector<8x8xf32>
    %add3A_54 = arith.addf %add3A_49, %mul3A_53 : vector<8x8xf32>
    %mul3A_55 = vector.broadcast %reshape3A_38 : vector<8x1xf32> to vector<8x8xf32>
    %mul3A_56 = vector.broadcast %sub3A_23 : vector<1x8xf32> to vector<8x8xf32>
    %mul3A_57 = arith.mulf %mul3A_55, %mul3A_56 : vector<8x8xf32>
    %add3A_58 = arith.addf %add3A_54, %mul3A_57 : vector<8x8xf32>
    %get3A_59 = arith.constant 0 : index
    %get3A_60 = arith.constant 0 : index
    %get3A_61 = vector.load %arg8[%get3A_59, %get3A_60] : memref<8x8xf32, #tpu.memory_space<vmem>>, vector<8x8xf32>
    %get3A_62 = arith.constant 0 : index
    %get3A_63 = arith.constant 0 : index
    %get3A_64 = vector.load %arg9[%get3A_62, %get3A_63] : memref<1x8xf32, #tpu.memory_space<vmem>>, vector<1x8xf32>
    %get3A_65 = arith.constant 0 : index
    %get3A_66 = arith.constant 0 : index
    %get3A_67 = vector.load %arg10[%get3A_65, %get3A_66] : memref<1x8xf32, #tpu.memory_space<vmem>>, vector<1x8xf32>
    %dot_general3A = arith.constant dense<0.000000e+00> : vector<1x8xf32>
    %dot_general3A_68 = tpu.matmul %add3A_40, %get3A_61, %dot_general3A {dimension_numbers = #tpu.dot_dimension_numbers<[1], [0], [0], [1], [0, 0, 1, 1], [], []>, transpose_lhs_hint = false} : vector<1x8xf32>, vector<8x8xf32>, vector<1x8xf32> -> vector<1x8xf32>
    %dot_general3A_69 = arith.constant dense<0.000000e+00> : vector<8x8xf32>
    %dot_general3A_70 = tpu.matmul %add3A_58, %get3A_61, %dot_general3A_69 {dimension_numbers = #tpu.dot_dimension_numbers<[1], [0], [0], [1], [0, 0, 1, 1], [], []>, transpose_lhs_hint = false} : vector<8x8xf32>, vector<8x8xf32>, vector<8x8xf32> -> vector<8x8xf32>
    %mul3A_71 = arith.mulf %dot_general3A_70, %get3A_61 : vector<8x8xf32>
    %reduce_sum3A = arith.constant dense<0.000000e+00> : vector<8xf32>
    %reduce_sum3A_72 = vector.multi_reduction <add>, %mul3A_71, %reduce_sum3A [0] : vector<8x8xf32> to vector<8xf32>
    %broadcast_in_dim3A = vector.shape_cast %reduce_sum3A_72 : vector<8xf32> to vector<1x8xf32>
    %mul3A_73 = arith.mulf %dot_general3A_68, %dot_general3A_68 : vector<1x8xf32>
    %sub3A_74 = arith.subf %broadcast_in_dim3A, %mul3A_73 : vector<1x8xf32>
    %add3A_75 = arith.constant 9.99999974E-6 : f32
    %add3A_76 = vector.broadcast %add3A_75 : f32 to vector<1x8xf32>
    %add3A_77 = arith.addf %sub3A_74, %add3A_76 : vector<1x8xf32>
    %sqrt3A_78 = math.sqrt %add3A_77 : vector<1x8xf32>
    %div3A_79 = arith.constant 1.000000e+00 : f32
    %div3A_80 = vector.broadcast %div3A_79 : f32 to vector<1x8xf32>
    %div3A_81 = arith.divf %div3A_80, %sqrt3A_78 : vector<1x8xf32>
    %mul3A_82 = arith.mulf %get3A_64, %div3A_81 : vector<1x8xf32>
    %mul3A_83 = arith.mulf %mul3A_82, %dot_general3A_68 : vector<1x8xf32>
    %sub3A_84 = arith.subf %get3A_67, %mul3A_83 : vector<1x8xf32>
    %get3A_85 = arith.constant 0 : index
    %get3A_86 = arith.constant 0 : index
    %get3A_87 = vector.load %arg8[%get3A_85, %get3A_86] : memref<8x8xf32, #tpu.memory_space<vmem>>, vector<8x8xf32>
    %dot_general3A_88 = arith.constant dense<0.000000e+00> : vector<4096x8xf32>
    %dot_general3A_89 = tpu.matmul %add3A_30, %get3A_87, %dot_general3A_88 {dimension_numbers = #tpu.dot_dimension_numbers<[1], [0], [0], [1], [0, 0, 1, 1], [], []>, transpose_lhs_hint = false} : vector<4096x8xf32>, vector<8x8xf32>, vector<4096x8xf32> -> vector<4096x8xf32>
    %mul3A_90 = vector.broadcast %mul3A_82 : vector<1x8xf32> to vector<4096x8xf32>
    %mul3A_91 = arith.mulf %mul3A_90, %dot_general3A_89 : vector<4096x8xf32>
    %add3A_92 = vector.broadcast %sub3A_84 : vector<1x8xf32> to vector<4096x8xf32>
    %add3A_93 = arith.addf %mul3A_91, %add3A_92 : vector<4096x8xf32>
    %max3A = arith.constant 0.000000e+00 : f32
    %max3A_94 = vector.broadcast %max3A : f32 to vector<4096x8xf32>
    %max3A_95 = arith.maximumf %add3A_93, %max3A_94 : vector<4096x8xf32>
    %get3A_96 = arith.constant 0 : index
    %get3A_97 = arith.constant 0 : index
    %get3A_98 = vector.load %arg11[%get3A_96, %get3A_97] : memref<8x32xf32, #tpu.memory_space<vmem>>, vector<8x32xf32>
    %get3A_99 = arith.constant 0 : index
    %get3A_100 = arith.constant 0 : index
    %get3A_101 = vector.load %arg12[%get3A_99, %get3A_100] : memref<1x32xf32, #tpu.memory_space<vmem>>, vector<1x32xf32>
    %get3A_102 = arith.constant 0 : index
    %get3A_103 = arith.constant 0 : index
    %get3A_104 = vector.load %arg13[%get3A_102, %get3A_103] : memref<1x32xf32, #tpu.memory_space<vmem>>, vector<1x32xf32>
    %dot_general3A_105 = arith.constant dense<0.000000e+00> : vector<1x32xf32>
    %dot_general3A_106 = tpu.matmul %add3A_40, %get3A_98, %dot_general3A_105 {dimension_numbers = #tpu.dot_dimension_numbers<[1], [0], [0], [1], [0, 0, 1, 1], [], []>, transpose_lhs_hint = false} : vector<1x8xf32>, vector<8x32xf32>, vector<1x32xf32> -> vector<1x32xf32>
    %dot_general3A_107 = arith.constant dense<0.000000e+00> : vector<8x32xf32>
    %dot_general3A_108 = tpu.matmul %add3A_58, %get3A_98, %dot_general3A_107 {dimension_numbers = #tpu.dot_dimension_numbers<[1], [0], [0], [1], [0, 0, 1, 1], [], []>, transpose_lhs_hint = false} : vector<8x8xf32>, vector<8x32xf32>, vector<8x32xf32> -> vector<8x32xf32>
    %mul3A_109 = arith.mulf %dot_general3A_108, %get3A_98 : vector<8x32xf32>
    %reduce_sum3A_110 = arith.constant dense<0.000000e+00> : vector<32xf32>
    %reduce_sum3A_111 = vector.multi_reduction <add>, %mul3A_109, %reduce_sum3A_110 [0] : vector<8x32xf32> to vector<32xf32>
    %broadcast_in_dim3A_112 = vector.shape_cast %reduce_sum3A_111 : vector<32xf32> to vector<1x32xf32>
    %mul3A_113 = arith.mulf %dot_general3A_106, %dot_general3A_106 : vector<1x32xf32>
    %sub3A_114 = arith.subf %broadcast_in_dim3A_112, %mul3A_113 : vector<1x32xf32>
    %add3A_115 = arith.constant 9.99999974E-6 : f32
    %add3A_116 = vector.broadcast %add3A_115 : f32 to vector<1x32xf32>
    %add3A_117 = arith.addf %sub3A_114, %add3A_116 : vector<1x32xf32>
    %sqrt3A_118 = math.sqrt %add3A_117 : vector<1x32xf32>
    %div3A_119 = arith.constant 1.000000e+00 : f32
    %div3A_120 = vector.broadcast %div3A_119 : f32 to vector<1x32xf32>
    %div3A_121 = arith.divf %div3A_120, %sqrt3A_118 : vector<1x32xf32>
    %mul3A_122 = arith.mulf %get3A_101, %div3A_121 : vector<1x32xf32>
    %mul3A_123 = arith.mulf %mul3A_122, %dot_general3A_106 : vector<1x32xf32>
    %sub3A_124 = arith.subf %get3A_104, %mul3A_123 : vector<1x32xf32>
    %get3A_125 = arith.constant 0 : index
    %get3A_126 = arith.constant 0 : index
    %get3A_127 = vector.load %arg11[%get3A_125, %get3A_126] : memref<8x32xf32, #tpu.memory_space<vmem>>, vector<8x32xf32>
    %dot_general3A_128 = arith.constant dense<0.000000e+00> : vector<4096x32xf32>
    %dot_general3A_129 = tpu.matmul %add3A_30, %get3A_127, %dot_general3A_128 {dimension_numbers = #tpu.dot_dimension_numbers<[1], [0], [0], [1], [0, 0, 1, 1], [], []>, transpose_lhs_hint = false} : vector<4096x8xf32>, vector<8x32xf32>, vector<4096x32xf32> -> vector<4096x32xf32>
    %mul3A_130 = vector.broadcast %mul3A_122 : vector<1x32xf32> to vector<4096x32xf32>
    %mul3A_131 = arith.mulf %mul3A_130, %dot_general3A_129 : vector<4096x32xf32>
    %add3A_132 = vector.broadcast %sub3A_124 : vector<1x32xf32> to vector<4096x32xf32>
    %add3A_133 = arith.addf %mul3A_131, %add3A_132 : vector<4096x32xf32>
    %swap3A = arith.constant 0 : index
    %swap3A_134 = arith.constant 0 : index
    %swap3A_135 = vector.load %arg15[%swap3A, %swap3A_134] : memref<4096x32xf32, #tpu.memory_space<vmem>>, vector<4096x32xf32>
    tpu.vector_store %arg15[%swap3A, %swap3A_134], %add3A_133 {strides = array<i32>} : memref<4096x32xf32, #tpu.memory_space<vmem>>, vector<4096x32xf32>,
    %get3A_136 = arith.constant 0 : index
    %get3A_137 = arith.constant 0 : index
    %get3A_138 = vector.load %arg2[%get3A_136, %get3A_137] : memref<4096x3xf32, #tpu.memory_space<vmem>>, vector<4096x3xf32>
    %swap3A_139 = arith.constant 0 : index
    %swap3A_140 = arith.constant 0 : index
    %swap3A_141 = vector.load %arg14[%swap3A_139, %swap3A_140] : memref<4096x16xf32, #tpu.memory_space<vmem>>, vector<4096x3xf32>
    tpu.vector_store %arg14[%swap3A_139, %swap3A_140], %get3A_138 {strides = array<i32>} : memref<4096x16xf32, #tpu.memory_space<vmem>>, vector<4096x3xf32>,
    %broadcast_in_dim3A_142 = arith.constant 0.000000e+00 : f32
    %broadcast_in_dim3A_143 = vector.broadcast %broadcast_in_dim3A_142 : f32 to vector<4096x5xf32>
    %swap3A_144 = arith.constant 0 : index
    %swap3A_145 = arith.constant 3 : index
    %swap3A_146 = vector.load %arg14[%swap3A_144, %swap3A_145] : memref<4096x16xf32, #tpu.memory_space<vmem>>, vector<4096x5xf32>
    tpu.vector_store %arg14[%swap3A_144, %swap3A_145], %broadcast_in_dim3A_143 {strides = array<i32>} : memref<4096x16xf32, #tpu.memory_space<vmem>>, vector<4096x5xf32>,
    %swap3A_147 = arith.constant 0 : index
    %swap3A_148 = arith.constant 8 : index
    %swap3A_149 = vector.load %arg14[%swap3A_147, %swap3A_148] : memref<4096x16xf32, #tpu.memory_space<vmem>>, vector<4096x8xf32>
    tpu.vector_store %arg14[%swap3A_147, %swap3A_148], %max3A_95 {strides = array<i32>} : memref<4096x16xf32, #tpu.memory_space<vmem>>, vector<4096x8xf32>,
    return
  }
  func.func @transform_0(%arg0: i32) -> (i32, i32) {
    %c0_i32 = arith.constant 0 : i32
    %c0_i32_0 = arith.constant 0 : i32
    return %arg0, %c0_i32 : i32, i32
  }
  func.func @transform_1(%arg0: i32) -> (i32, i32) {
    %c0_i32 = arith.constant 0 : i32
    %c0_i32_0 = arith.constant 0 : i32
    return %arg0, %c0_i32 : i32, i32
  }
  func.func @transform_2(%arg0: i32) -> (i32, i32) {
    %c0_i32 = arith.constant 0 : i32
    %c0_i32_0 = arith.constant 0 : i32
    %c0_i32_1 = arith.constant 0 : i32
    return %c0_i32, %c0_i32_0 : i32, i32
  }
  func.func @transform_3(%arg0: i32) -> (i32, i32) {
    %c0_i32 = arith.constant 0 : i32
    %c0_i32_0 = arith.constant 0 : i32
    %c0_i32_1 = arith.constant 0 : i32
    return %c0_i32, %c0_i32_0 : i32, i32
  }
  func.func @transform_4(%arg0: i32) -> (i32, i32) {
    %c0_i32 = arith.constant 0 : i32
    %c0_i32_0 = arith.constant 0 : i32
    %c0_i32_1 = arith.constant 0 : i32
    return %c0_i32, %c0_i32_0 : i32, i32
  }
  func.func @transform_5(%arg0: i32) -> (i32, i32) {
    %c0_i32 = arith.constant 0 : i32
    %c0_i32_0 = arith.constant 0 : i32
    %c0_i32_1 = arith.constant 0 : i32
    return %c0_i32, %c0_i32_0 : i32, i32
  }
  func.func @transform_6(%arg0: i32) -> (i32, i32) {
    %c0_i32 = arith.constant 0 : i32
    %c0_i32_0 = arith.constant 0 : i32
    %c0_i32_1 = arith.constant 0 : i32
    return %c0_i32, %c0_i32_0 : i32, i32
  }
  func.func @transform_7(%arg0: i32) -> (i32, i32) {
    %c0_i32 = arith.constant 0 : i32
    %c0_i32_0 = arith.constant 0 : i32
    %c0_i32_1 = arith.constant 0 : i32
    return %c0_i32, %c0_i32_0 : i32, i32
  }
  func.func @transform_8(%arg0: i32) -> (i32, i32) {
    %c0_i32 = arith.constant 0 : i32
    %c0_i32_0 = arith.constant 0 : i32
    %c0_i32_1 = arith.constant 0 : i32
    return %c0_i32, %c0_i32_0 : i32, i32
  }
  func.func @transform_9(%arg0: i32) -> (i32, i32) {
    %c0_i32 = arith.constant 0 : i32
    %c0_i32_0 = arith.constant 0 : i32
    %c0_i32_1 = arith.constant 0 : i32
    return %c0_i32, %c0_i32_0 : i32, i32
  }
  func.func @transform_10(%arg0: i32) -> (i32, i32) {
    %c0_i32 = arith.constant 0 : i32
    %c0_i32_0 = arith.constant 0 : i32
    %c0_i32_1 = arith.constant 0 : i32
    return %c0_i32, %c0_i32_0 : i32, i32
  }
  func.func @transform_11(%arg0: i32) -> (i32, i32) {
    %c0_i32 = arith.constant 0 : i32
    %c0_i32_0 = arith.constant 0 : i32
    %c0_i32_1 = arith.constant 0 : i32
    return %c0_i32, %c0_i32_0 : i32, i32
  }
  func.func @transform_12(%arg0: i32) -> (i32, i32) {
    %c0_i32 = arith.constant 0 : i32
    %c0_i32_0 = arith.constant 0 : i32
    %c0_i32_1 = arith.constant 0 : i32
    return %c0_i32, %c0_i32_0 : i32, i32
  }
  func.func @transform_13(%arg0: i32) -> (i32, i32) {
    %c0_i32 = arith.constant 0 : i32
    %c0_i32_0 = arith.constant 0 : i32
    return %arg0, %c0_i32 : i32, i32
  }
  func.func @transform_14(%arg0: i32) -> (i32, i32) {
    %c0_i32 = arith.constant 0 : i32
    %c0_i32_0 = arith.constant 0 : i32
    return %arg0, %c0_i32 : i32, i32
  }
}

module attributes {stable_mosaic.version = 14 : i64} {
  func.func @_p3_body(%arg0: i32, %arg1: memref<8192x16xf32, #tpu.memory_space<vmem>>, %arg2: memref<512x3xf32, #tpu.memory_space<vmem>>, %arg3: memref<1x8xf32, #tpu.memory_space<vmem>>, %arg4: memref<3x8xf32, #tpu.memory_space<vmem>>, %arg5: memref<3x8xf32, #tpu.memory_space<vmem>>, %arg6: memref<3x8xf32, #tpu.memory_space<vmem>>, %arg7: memref<8192x8xf32, #tpu.memory_space<vmem>>, %arg8: memref<1x8xf32, #tpu.memory_space<vmem>>, %arg9: memref<1x8xf32, #tpu.memory_space<vmem>>) attributes {dimension_semantics = [#tpu.dimension_semantics<arbitrary>], iteration_bounds = array<i64: 128>, scalar_prefetch = 0 : i64, scratch_operands = 0 : i64, tpu.core_type = #tpu.core_type<tc>, window_params = [{transform_indices = @transform_0, window_bounds = array<i64: 8192, 16>}, {transform_indices = @transform_1, window_bounds = array<i64: 512, 3>}, {pipeline_mode = #tpu.pipeline_mode<synchronous>, transform_indices = @transform_2, window_bounds = array<i64: 1, 8>}, {pipeline_mode = #tpu.pipeline_mode<synchronous>, transform_indices = @transform_3, window_bounds = array<i64: 3, 8>}, {pipeline_mode = #tpu.pipeline_mode<synchronous>, transform_indices = @transform_4, window_bounds = array<i64: 3, 8>}, {pipeline_mode = #tpu.pipeline_mode<synchronous>, transform_indices = @transform_5, window_bounds = array<i64: 3, 8>}, {transform_indices = @transform_6, window_bounds = array<i64: 8192, 8>}, {pipeline_mode = #tpu.pipeline_mode<synchronous>, transform_indices = @transform_7, window_bounds = array<i64: 1, 8>}, {pipeline_mode = #tpu.pipeline_mode<synchronous>, transform_indices = @transform_8, window_bounds = array<i64: 1, 8>}]} {
    %get3A = arith.constant 0 : index
    %get3A_0 = arith.constant 0 : index
    %get3A_1 = vector.load %arg1[%get3A, %get3A_0] : memref<8192x16xf32, #tpu.memory_space<vmem>>, vector<8192x3xf32>
    %get3A_2 = arith.constant 0 : index
    %get3A_3 = arith.constant 0 : index
    %get3A_4 = vector.load %arg2[%get3A_2, %get3A_3] : memref<512x3xf32, #tpu.memory_space<vmem>>, vector<512x3xf32>
    %broadcast_in_dim3A = vector.shape_cast %get3A_4 : vector<512x3xf32> to vector<512x1x3xf32>
    %broadcast_in_dim3A_5 = vector.shape_cast %broadcast_in_dim3A : vector<512x1x3xf32> to vector<512x1x3xf32>
    %broadcast_in_dim3A_6 = vector.broadcast %broadcast_in_dim3A_5 : vector<512x1x3xf32> to vector<512x16x3xf32>
    %reshape3A = vector.shape_cast %broadcast_in_dim3A_6 : vector<512x16x3xf32> to vector<8192x3xf32>
    %sub3A = arith.subf %reshape3A, %get3A_1 : vector<8192x3xf32>
    %mul3A = arith.mulf %sub3A, %sub3A : vector<8192x3xf32>
    %reduce_sum3A = arith.constant dense<0.000000e+00> : vector<8192xf32>
    %reduce_sum3A_7 = vector.multi_reduction <add>, %mul3A, %reduce_sum3A [1] : vector<8192x3xf32> to vector<8192xf32>
    %broadcast_in_dim3A_8 = vector.shape_cast %reduce_sum3A_7 : vector<8192xf32> to vector<8192x1xf32>
    %sqrt3A = math.sqrt %broadcast_in_dim3A_8 : vector<8192x1xf32>
    %get3A_9 = arith.constant 0 : index
    %get3A_10 = arith.constant 0 : index
    %get3A_11 = vector.load %arg3[%get3A_9, %get3A_10] : memref<1x8xf32, #tpu.memory_space<vmem>>, vector<1x8xf32>
    %mul3A_12 = vector.broadcast %sqrt3A : vector<8192x1xf32> to vector<8192x8xf32>
    %mul3A_13 = vector.broadcast %get3A_11 : vector<1x8xf32> to vector<8192x8xf32>
    %mul3A_14 = arith.mulf %mul3A_12, %mul3A_13 : vector<8192x8xf32>
    %get3A_15 = arith.constant 0 : index
    %get3A_16 = arith.constant 0 : index
    %get3A_17 = vector.load %arg4[%get3A_15, %get3A_16] : memref<3x8xf32, #tpu.memory_space<vmem>>, vector<3x8xf32>
    %dot_general3A = arith.constant dense<0.000000e+00> : vector<8192x8xf32>
    %dot_general3A_18 = tpu.matmul %sub3A, %get3A_17, %dot_general3A {dimension_numbers = #tpu.dot_dimension_numbers<[1], [0], [0], [1], [0, 0, 1, 1], [], []>, transpose_lhs_hint = false} : vector<8192x3xf32>, vector<3x8xf32>, vector<8192x8xf32> -> vector<8192x8xf32>
    %add3A = arith.addf %mul3A_14, %dot_general3A_18 : vector<8192x8xf32>
    %get3A_19 = arith.constant 0 : index
    %get3A_20 = arith.constant 0 : index
    %get3A_21 = vector.load %arg5[%get3A_19, %get3A_20] : memref<3x8xf32, #tpu.memory_space<vmem>>, vector<3x8xf32>
    %dot_general3A_22 = arith.constant dense<0.000000e+00> : vector<8192x8xf32>
    %dot_general3A_23 = tpu.matmul %reshape3A, %get3A_21, %dot_general3A_22 {dimension_numbers = #tpu.dot_dimension_numbers<[1], [0], [0], [1], [0, 0, 1, 1], [], []>, transpose_lhs_hint = false} : vector<8192x3xf32>, vector<3x8xf32>, vector<8192x8xf32> -> vector<8192x8xf32>
    %add3A_24 = arith.addf %add3A, %dot_general3A_23 : vector<8192x8xf32>
    %get3A_25 = arith.constant 0 : index
    %get3A_26 = arith.constant 0 : index
    %get3A_27 = vector.load %arg6[%get3A_25, %get3A_26] : memref<3x8xf32, #tpu.memory_space<vmem>>, vector<3x8xf32>
    %dot_general3A_28 = arith.constant dense<0.000000e+00> : vector<8192x8xf32>
    %dot_general3A_29 = tpu.matmul %get3A_1, %get3A_27, %dot_general3A_28 {dimension_numbers = #tpu.dot_dimension_numbers<[1], [0], [0], [1], [0, 0, 1, 1], [], []>, transpose_lhs_hint = false} : vector<8192x3xf32>, vector<3x8xf32>, vector<8192x8xf32> -> vector<8192x8xf32>
    %add3A_30 = arith.addf %add3A_24, %dot_general3A_29 : vector<8192x8xf32>
    %swap3A = arith.constant 0 : index
    %swap3A_31 = arith.constant 0 : index
    %swap3A_32 = vector.load %arg7[%swap3A, %swap3A_31] : memref<8192x8xf32, #tpu.memory_space<vmem>>, vector<8192x8xf32>
    tpu.vector_store %arg7[%swap3A, %swap3A_31], %add3A_30 {strides = array<i32>} : memref<8192x8xf32, #tpu.memory_space<vmem>>, vector<8192x8xf32>,
    %eq3A = arith.constant 0 : i32
    %eq3A_33 = arith.cmpi eq, %arg0, %eq3A : i32
    %convert_element_type3A = arith.extui %eq3A_33 : i1 to i32
    %cond3A = arith.constant 0 : i32
    %cond3A_34 = arith.cmpi ne, %convert_element_type3A, %cond3A : i32
    scf.if %cond3A_34 {
      %broadcast_in_dim3A_56 = arith.constant 0.000000e+00 : f32
      %broadcast_in_dim3A_57 = vector.broadcast %broadcast_in_dim3A_56 : f32 to vector<1x8xf32>
      %swap3A_58 = arith.constant 0 : index
      %swap3A_59 = arith.constant 0 : index
      %swap3A_60 = vector.load %arg8[%swap3A_58, %swap3A_59] : memref<1x8xf32, #tpu.memory_space<vmem>>, vector<1x8xf32>
      tpu.vector_store %arg8[%swap3A_58, %swap3A_59], %broadcast_in_dim3A_57 {strides = array<i32>} : memref<1x8xf32, #tpu.memory_space<vmem>>, vector<1x8xf32>,
      %broadcast_in_dim3A_61 = arith.constant 0.000000e+00 : f32
      %broadcast_in_dim3A_62 = vector.broadcast %broadcast_in_dim3A_61 : f32 to vector<1x8xf32>
      %swap3A_63 = arith.constant 0 : index
      %swap3A_64 = arith.constant 0 : index
      %swap3A_65 = vector.load %arg9[%swap3A_63, %swap3A_64] : memref<1x8xf32, #tpu.memory_space<vmem>>, vector<1x8xf32>
      tpu.vector_store %arg9[%swap3A_63, %swap3A_64], %broadcast_in_dim3A_62 {strides = array<i32>} : memref<1x8xf32, #tpu.memory_space<vmem>>, vector<1x8xf32>,
    } else {
    }
    %get3A_35 = arith.constant 0 : index
    %get3A_36 = arith.constant 0 : index
    %get3A_37 = vector.load %arg8[%get3A_35, %get3A_36] : memref<1x8xf32, #tpu.memory_space<vmem>>, vector<1x8xf32>
    %reduce_sum3A_38 = arith.constant dense<0.000000e+00> : vector<8xf32>
    %reduce_sum3A_39 = vector.multi_reduction <add>, %add3A_30, %reduce_sum3A_38 [0] : vector<8192x8xf32> to vector<8xf32>
    %broadcast_in_dim3A_40 = vector.shape_cast %reduce_sum3A_39 : vector<8xf32> to vector<1x8xf32>
    %add3A_41 = arith.addf %get3A_37, %broadcast_in_dim3A_40 : vector<1x8xf32>
    %swap3A_42 = arith.constant 0 : index
    %swap3A_43 = arith.constant 0 : index
    %swap3A_44 = vector.load %arg8[%swap3A_42, %swap3A_43] : memref<1x8xf32, #tpu.memory_space<vmem>>, vector<1x8xf32>
    tpu.vector_store %arg8[%swap3A_42, %swap3A_43], %add3A_41 {strides = array<i32>} : memref<1x8xf32, #tpu.memory_space<vmem>>, vector<1x8xf32>,
    %get3A_45 = arith.constant 0 : index
    %get3A_46 = arith.constant 0 : index
    %get3A_47 = vector.load %arg9[%get3A_45, %get3A_46] : memref<1x8xf32, #tpu.memory_space<vmem>>, vector<1x8xf32>
    %mul3A_48 = arith.mulf %add3A_30, %add3A_30 : vector<8192x8xf32>
    %reduce_sum3A_49 = arith.constant dense<0.000000e+00> : vector<8xf32>
    %reduce_sum3A_50 = vector.multi_reduction <add>, %mul3A_48, %reduce_sum3A_49 [0] : vector<8192x8xf32> to vector<8xf32>
    %broadcast_in_dim3A_51 = vector.shape_cast %reduce_sum3A_50 : vector<8xf32> to vector<1x8xf32>
    %add3A_52 = arith.addf %get3A_47, %broadcast_in_dim3A_51 : vector<1x8xf32>
    %swap3A_53 = arith.constant 0 : index
    %swap3A_54 = arith.constant 0 : index
    %swap3A_55 = vector.load %arg9[%swap3A_53, %swap3A_54] : memref<1x8xf32, #tpu.memory_space<vmem>>, vector<1x8xf32>
    tpu.vector_store %arg9[%swap3A_53, %swap3A_54], %add3A_52 {strides = array<i32>} : memref<1x8xf32, #tpu.memory_space<vmem>>, vector<1x8xf32>,
    return
  }
  func.func @transform_0(%arg0: i32) -> (i32, i32) {
    %c0_i32 = arith.constant 0 : i32
    %c0_i32_0 = arith.constant 0 : i32
    return %arg0, %c0_i32 : i32, i32
  }
  func.func @transform_1(%arg0: i32) -> (i32, i32) {
    %c0_i32 = arith.constant 0 : i32
    %c0_i32_0 = arith.constant 0 : i32
    return %arg0, %c0_i32 : i32, i32
  }
  func.func @transform_2(%arg0: i32) -> (i32, i32) {
    %c0_i32 = arith.constant 0 : i32
    %c0_i32_0 = arith.constant 0 : i32
    %c0_i32_1 = arith.constant 0 : i32
    return %c0_i32, %c0_i32_0 : i32, i32
  }
  func.func @transform_3(%arg0: i32) -> (i32, i32) {
    %c0_i32 = arith.constant 0 : i32
    %c0_i32_0 = arith.constant 0 : i32
    %c0_i32_1 = arith.constant 0 : i32
    return %c0_i32, %c0_i32_0 : i32, i32
  }
  func.func @transform_4(%arg0: i32) -> (i32, i32) {
    %c0_i32 = arith.constant 0 : i32
    %c0_i32_0 = arith.constant 0 : i32
    %c0_i32_1 = arith.constant 0 : i32
    return %c0_i32, %c0_i32_0 : i32, i32
  }
  func.func @transform_5(%arg0: i32) -> (i32, i32) {
    %c0_i32 = arith.constant 0 : i32
    %c0_i32_0 = arith.constant 0 : i32
    %c0_i32_1 = arith.constant 0 : i32
    return %c0_i32, %c0_i32_0 : i32, i32
  }
  func.func @transform_6(%arg0: i32) -> (i32, i32) {
    %c0_i32 = arith.constant 0 : i32
    %c0_i32_0 = arith.constant 0 : i32
    return %arg0, %c0_i32 : i32, i32
  }
  func.func @transform_7(%arg0: i32) -> (i32, i32) {
    %c0_i32 = arith.constant 0 : i32
    %c0_i32_0 = arith.constant 0 : i32
    %c0_i32_1 = arith.constant 0 : i32
    return %c0_i32, %c0_i32_0 : i32, i32
  }
  func.func @transform_8(%arg0: i32) -> (i32, i32) {
    %c0_i32 = arith.constant 0 : i32
    %c0_i32_0 = arith.constant 0 : i32
    %c0_i32_1 = arith.constant 0 : i32
    return %c0_i32, %c0_i32_0 : i32, i32
  }
}

module attributes {stable_mosaic.version = 14 : i64} {
  func.func @_p4_body(%arg0: i32, %arg1: memref<8192x8xf32, #tpu.memory_space<vmem>>, %arg2: memref<8192x16xf32, #tpu.memory_space<vmem>>, %arg3: memref<1x8xf32, #tpu.memory_space<vmem>>, %arg4: memref<1x8xf32, #tpu.memory_space<vmem>>, %arg5: memref<1x8xf32, #tpu.memory_space<vmem>>, %arg6: memref<1x8xf32, #tpu.memory_space<vmem>>, %arg7: memref<8x16xf32, #tpu.memory_space<vmem>>, %arg8: memref<8x16xf32, #tpu.memory_space<vmem>>, %arg9: memref<8x8xf32, #tpu.memory_space<vmem>>, %arg10: memref<8x8xf32, #tpu.memory_space<vmem>>, %arg11: memref<512x8xf32, #tpu.memory_space<vmem>>, %arg12: memref<1x8xf32, #tpu.memory_space<vmem>>, %arg13: memref<8x8xf32, #tpu.memory_space<vmem>>, %arg14: memref<1x8xf32, #tpu.memory_space<vmem>>, %arg15: memref<1x8xf32, #tpu.memory_space<vmem>>) attributes {dimension_semantics = [#tpu.dimension_semantics<arbitrary>], iteration_bounds = array<i64: 128>, scalar_prefetch = 0 : i64, scratch_operands = 0 : i64, tpu.core_type = #tpu.core_type<tc>, window_params = [{transform_indices = @transform_0, window_bounds = array<i64: 8192, 8>}, {transform_indices = @transform_1, window_bounds = array<i64: 8192, 16>}, {pipeline_mode = #tpu.pipeline_mode<synchronous>, transform_indices = @transform_2, window_bounds = array<i64: 1, 8>}, {pipeline_mode = #tpu.pipeline_mode<synchronous>, transform_indices = @transform_3, window_bounds = array<i64: 1, 8>}, {pipeline_mode = #tpu.pipeline_mode<synchronous>, transform_indices = @transform_4, window_bounds = array<i64: 1, 8>}, {pipeline_mode = #tpu.pipeline_mode<synchronous>, transform_indices = @transform_5, window_bounds = array<i64: 1, 8>}, {pipeline_mode = #tpu.pipeline_mode<synchronous>, transform_indices = @transform_6, window_bounds = array<i64: 8, 16>}, {pipeline_mode = #tpu.pipeline_mode<synchronous>, transform_indices = @transform_7, window_bounds = array<i64: 8, 16>}, {pipeline_mode = #tpu.pipeline_mode<synchronous>, transform_indices = @transform_8, window_bounds = array<i64: 8, 8>}, {pipeline_mode = #tpu.pipeline_mode<synchronous>, transform_indices = @transform_9, window_bounds = array<i64: 8, 8>}, {transform_indices = @transform_10, window_bounds = array<i64: 512, 8>}, {pipeline_mode = #tpu.pipeline_mode<synchronous>, transform_indices = @transform_11, window_bounds = array<i64: 1, 8>}, {pipeline_mode = #tpu.pipeline_mode<synchronous>, transform_indices = @transform_12, window_bounds = array<i64: 8, 8>}, {pipeline_mode = #tpu.pipeline_mode<synchronous>, transform_indices = @transform_13, window_bounds = array<i64: 1, 8>}, {pipeline_mode = #tpu.pipeline_mode<synchronous>, transform_indices = @transform_14, window_bounds = array<i64: 1, 8>}]} {
    %get3A = arith.constant 0 : index
    %get3A_0 = arith.constant 0 : index
    %get3A_1 = vector.load %arg3[%get3A, %get3A_0] : memref<1x8xf32, #tpu.memory_space<vmem>>, vector<1x8xf32>
    %get3A_2 = arith.constant 0 : index
    %get3A_3 = arith.constant 0 : index
    %get3A_4 = vector.load %arg4[%get3A_2, %get3A_3] : memref<1x8xf32, #tpu.memory_space<vmem>>, vector<1x8xf32>
    %get3A_5 = arith.constant 0 : index
    %get3A_6 = arith.constant 0 : index
    %get3A_7 = vector.load %arg5[%get3A_5, %get3A_6] : memref<1x8xf32, #tpu.memory_space<vmem>>, vector<1x8xf32>
    %get3A_8 = arith.constant 0 : index
    %get3A_9 = arith.constant 0 : index
    %get3A_10 = vector.load %arg6[%get3A_8, %get3A_9] : memref<1x8xf32, #tpu.memory_space<vmem>>, vector<1x8xf32>
    %div3A = arith.constant 0x49800000 : f32
    %div3A_11 = vector.broadcast %div3A : f32 to vector<1x8xf32>
    %div3A_12 = arith.divf %get3A_1, %div3A_11 : vector<1x8xf32>
    %div3A_13 = arith.constant 0x49800000 : f32
    %div3A_14 = vector.broadcast %div3A_13 : f32 to vector<1x8xf32>
    %div3A_15 = arith.divf %get3A_4, %div3A_14 : vector<1x8xf32>
    %mul3A = arith.mulf %div3A_12, %div3A_12 : vector<1x8xf32>
    %sub3A = arith.subf %div3A_15, %mul3A : vector<1x8xf32>
    %add3A = arith.constant 9.99999974E-6 : f32
    %add3A_16 = vector.broadcast %add3A : f32 to vector<1x8xf32>
    %add3A_17 = arith.addf %sub3A, %add3A_16 : vector<1x8xf32>
    %sqrt3A = math.sqrt %add3A_17 : vector<1x8xf32>
    %div3A_18 = arith.constant 1.000000e+00 : f32
    %div3A_19 = vector.broadcast %div3A_18 : f32 to vector<1x8xf32>
    %div3A_20 = arith.divf %div3A_19, %sqrt3A : vector<1x8xf32>
    %mul3A_21 = arith.mulf %get3A_7, %div3A_20 : vector<1x8xf32>
    %mul3A_22 = arith.mulf %mul3A_21, %div3A_12 : vector<1x8xf32>
    %sub3A_23 = arith.subf %get3A_10, %mul3A_22 : vector<1x8xf32>
    %get3A_24 = arith.constant 0 : index
    %get3A_25 = arith.constant 0 : index
    %get3A_26 = vector.load %arg1[%get3A_24, %get3A_25] : memref<8192x8xf32, #tpu.memory_space<vmem>>, vector<8192x8xf32>
    %mul3A_27 = vector.broadcast %mul3A_21 : vector<1x8xf32> to vector<8192x8xf32>
    %mul3A_28 = arith.mulf %mul3A_27, %get3A_26 : vector<8192x8xf32>
    %add3A_29 = vector.broadcast %sub3A_23 : vector<1x8xf32> to vector<8192x8xf32>
    %add3A_30 = arith.addf %mul3A_28, %add3A_29 : vector<8192x8xf32>
    %max3A = arith.constant 0.000000e+00 : f32
    %max3A_31 = vector.broadcast %max3A : f32 to vector<8192x8xf32>
    %max3A_32 = arith.maximumf %add3A_30, %max3A_31 : vector<8192x8xf32>
    %get3A_33 = arith.constant 0 : index
    %get3A_34 = arith.constant 8 : index
    %get3A_35 = vector.load %arg2[%get3A_33, %get3A_34] : memref<8192x16xf32, #tpu.memory_space<vmem>>, vector<8192x8xf32>
    %get3A_36 = arith.constant 0 : index
    %get3A_37 = arith.constant 0 : index
    %get3A_38 = vector.load %arg7[%get3A_36, %get3A_37] : memref<8x16xf32, #tpu.memory_space<vmem>>, vector<8x16xf32>
    %dot_general3A = arith.constant dense<0.000000e+00> : vector<8192x16xf32>
    %dot_general3A_39 = tpu.matmul %get3A_35, %get3A_38, %dot_general3A {dimension_numbers = #tpu.dot_dimension_numbers<[1], [0], [0], [1], [0, 0, 1, 1], [], []>, transpose_lhs_hint = false} : vector<8192x8xf32>, vector<8x16xf32>, vector<8192x16xf32> -> vector<8192x16xf32>
    %get3A_40 = arith.constant 0 : index
    %get3A_41 = arith.constant 0 : index
    %get3A_42 = vector.load %arg8[%get3A_40, %get3A_41] : memref<8x16xf32, #tpu.memory_space<vmem>>, vector<8x16xf32>
    %dot_general3A_43 = arith.constant dense<0.000000e+00> : vector<8192x16xf32>
    %dot_general3A_44 = tpu.matmul %max3A_32, %get3A_42, %dot_general3A_43 {dimension_numbers = #tpu.dot_dimension_numbers<[1], [0], [0], [1], [0, 0, 1, 1], [], []>, transpose_lhs_hint = false} : vector<8192x8xf32>, vector<8x16xf32>, vector<8192x16xf32> -> vector<8192x16xf32>
    %add3A_45 = arith.addf %dot_general3A_39, %dot_general3A_44 : vector<8192x16xf32>
    %reshape3A = vector.shape_cast %add3A_45 : vector<8192x16xf32> to vector<512x16x16xf32>
    %reduce_max3A = arith.constant dense<0xFF800000> : vector<512x16xf32>
    %reduce_max3A_46 = vector.multi_reduction <maximumf>, %reshape3A, %reduce_max3A [1] : vector<512x16x16xf32> to vector<512x16xf32>
    %broadcast_in_dim3A = vector.shape_cast %reduce_max3A_46 : vector<512x16xf32> to vector<512x1x16xf32>
    %sub3A_47 = vector.broadcast %broadcast_in_dim3A : vector<512x1x16xf32> to vector<512x16x16xf32>
    %sub3A_48 = arith.subf %reshape3A, %sub3A_47 : vector<512x16x16xf32>
    %exp3A = math.exp %sub3A_48 : vector<512x16x16xf32>
    %reduce_sum3A = arith.constant dense<0.000000e+00> : vector<512x16xf32>
    %reduce_sum3A_49 = vector.multi_reduction <add>, %exp3A, %reduce_sum3A [1] : vector<512x16x16xf32> to vector<512x16xf32>
    %broadcast_in_dim3A_50 = vector.shape_cast %reduce_sum3A_49 : vector<512x16xf32> to vector<512x1x16xf32>
    %div3A_51 = vector.broadcast %broadcast_in_dim3A_50 : vector<512x1x16xf32> to vector<512x16x16xf32>
    %div3A_52 = arith.divf %exp3A, %div3A_51 : vector<512x16x16xf32>
    %reshape3A_53 = vector.shape_cast %get3A_35 : vector<8192x8xf32> to vector<512x16x8xf32>
    %reshape3A_54 = vector.shape_cast %max3A_32 : vector<8192x8xf32> to vector<512x16x8xf32>
    %slice3A = vector.extract_strided_slice %div3A_52 {offsets = [0, 0, 0], sizes = [512, 16, 8], strides = [1, 1, 1]} : vector<512x16x16xf32> to vector<512x16x8xf32>
    %mul3A_55 = arith.mulf %reshape3A_53, %slice3A : vector<512x16x8xf32>
    %reduce_sum3A_56 = arith.constant dense<0.000000e+00> : vector<512x8xf32>
    %reduce_sum3A_57 = vector.multi_reduction <add>, %mul3A_55, %reduce_sum3A_56 [1] : vector<512x16x8xf32> to vector<512x8xf32>
    %slice3A_58 = vector.extract_strided_slice %div3A_52 {offsets = [0, 0, 8], sizes = [512, 16, 8], strides = [1, 1, 1]} : vector<512x16x16xf32> to vector<512x16x8xf32>
    %mul3A_59 = arith.mulf %reshape3A_54, %slice3A_58 : vector<512x16x8xf32>
    %reduce_sum3A_60 = arith.constant dense<0.000000e+00> : vector<512x8xf32>
    %reduce_sum3A_61 = vector.multi_reduction <add>, %mul3A_59, %reduce_sum3A_60 [1] : vector<512x16x8xf32> to vector<512x8xf32>
    %get3A_62 = arith.constant 0 : index
    %get3A_63 = arith.constant 0 : index
    %get3A_64 = vector.load %arg9[%get3A_62, %get3A_63] : memref<8x8xf32, #tpu.memory_space<vmem>>, vector<8x8xf32>
    %dot_general3A_65 = arith.constant dense<0.000000e+00> : vector<512x8xf32>
    %dot_general3A_66 = tpu.matmul %reduce_sum3A_57, %get3A_64, %dot_general3A_65 {dimension_numbers = #tpu.dot_dimension_numbers<[1], [0], [0], [1], [0, 0, 1, 1], [], []>, transpose_lhs_hint = false} : vector<512x8xf32>, vector<8x8xf32>, vector<512x8xf32> -> vector<512x8xf32>
    %get3A_67 = arith.constant 0 : index
    %get3A_68 = arith.constant 0 : index
    %get3A_69 = vector.load %arg10[%get3A_67, %get3A_68] : memref<8x8xf32, #tpu.memory_space<vmem>>, vector<8x8xf32>
    %dot_general3A_70 = arith.constant dense<0.000000e+00> : vector<512x8xf32>
    %dot_general3A_71 = tpu.matmul %reduce_sum3A_61, %get3A_69, %dot_general3A_70 {dimension_numbers = #tpu.dot_dimension_numbers<[1], [0], [0], [1], [0, 0, 1, 1], [], []>, transpose_lhs_hint = false} : vector<512x8xf32>, vector<8x8xf32>, vector<512x8xf32> -> vector<512x8xf32>
    %add3A_72 = arith.addf %dot_general3A_66, %dot_general3A_71 : vector<512x8xf32>
    %swap3A = arith.constant 0 : index
    %swap3A_73 = arith.constant 0 : index
    %swap3A_74 = vector.load %arg11[%swap3A, %swap3A_73] : memref<512x8xf32, #tpu.memory_space<vmem>>, vector<512x8xf32>
    tpu.vector_store %arg11[%swap3A, %swap3A_73], %add3A_72 {strides = array<i32>} : memref<512x8xf32, #tpu.memory_space<vmem>>, vector<512x8xf32>,
    %eq3A = arith.constant 0 : i32
    %eq3A_75 = arith.cmpi eq, %arg0, %eq3A : i32
    %convert_element_type3A = arith.extui %eq3A_75 : i1 to i32
    %cond3A = arith.constant 0 : i32
    %cond3A_76 = arith.cmpi ne, %convert_element_type3A, %cond3A : i32
    scf.if %cond3A_76 {
      %broadcast_in_dim3A_117 = arith.constant 0.000000e+00 : f32
      %broadcast_in_dim3A_118 = vector.broadcast %broadcast_in_dim3A_117 : f32 to vector<1x8xf32>
      %swap3A_119 = arith.constant 0 : index
      %swap3A_120 = arith.constant 0 : index
      %swap3A_121 = vector.load %arg12[%swap3A_119, %swap3A_120] : memref<1x8xf32, #tpu.memory_space<vmem>>, vector<1x8xf32>
      tpu.vector_store %arg12[%swap3A_119, %swap3A_120], %broadcast_in_dim3A_118 {strides = array<i32>} : memref<1x8xf32, #tpu.memory_space<vmem>>, vector<1x8xf32>,
      %broadcast_in_dim3A_122 = arith.constant 0.000000e+00 : f32
      %broadcast_in_dim3A_123 = vector.broadcast %broadcast_in_dim3A_122 : f32 to vector<8x8xf32>
      %swap3A_124 = arith.constant 0 : index
      %swap3A_125 = arith.constant 0 : index
      %swap3A_126 = vector.load %arg13[%swap3A_124, %swap3A_125] : memref<8x8xf32, #tpu.memory_space<vmem>>, vector<8x8xf32>
      tpu.vector_store %arg13[%swap3A_124, %swap3A_125], %broadcast_in_dim3A_123 {strides = array<i32>} : memref<8x8xf32, #tpu.memory_space<vmem>>, vector<8x8xf32>,
      %broadcast_in_dim3A_127 = arith.constant 0.000000e+00 : f32
      %broadcast_in_dim3A_128 = vector.broadcast %broadcast_in_dim3A_127 : f32 to vector<1x8xf32>
      %swap3A_129 = arith.constant 0 : index
      %swap3A_130 = arith.constant 0 : index
      %swap3A_131 = vector.load %arg14[%swap3A_129, %swap3A_130] : memref<1x8xf32, #tpu.memory_space<vmem>>, vector<1x8xf32>
      tpu.vector_store %arg14[%swap3A_129, %swap3A_130], %broadcast_in_dim3A_128 {strides = array<i32>} : memref<1x8xf32, #tpu.memory_space<vmem>>, vector<1x8xf32>,
      %broadcast_in_dim3A_132 = arith.constant 0.000000e+00 : f32
      %broadcast_in_dim3A_133 = vector.broadcast %broadcast_in_dim3A_132 : f32 to vector<1x8xf32>
      %swap3A_134 = arith.constant 0 : index
      %swap3A_135 = arith.constant 0 : index
      %swap3A_136 = vector.load %arg15[%swap3A_134, %swap3A_135] : memref<1x8xf32, #tpu.memory_space<vmem>>, vector<1x8xf32>
      tpu.vector_store %arg15[%swap3A_134, %swap3A_135], %broadcast_in_dim3A_133 {strides = array<i32>} : memref<1x8xf32, #tpu.memory_space<vmem>>, vector<1x8xf32>,
    } else {
    }
    %get3A_77 = arith.constant 0 : index
    %get3A_78 = arith.constant 0 : index
    %get3A_79 = vector.load %arg12[%get3A_77, %get3A_78] : memref<1x8xf32, #tpu.memory_space<vmem>>, vector<1x8xf32>
    %reduce_sum3A_80 = arith.constant dense<0.000000e+00> : vector<8xf32>
    %reduce_sum3A_81 = vector.multi_reduction <add>, %max3A_32, %reduce_sum3A_80 [0] : vector<8192x8xf32> to vector<8xf32>
    %broadcast_in_dim3A_82 = vector.shape_cast %reduce_sum3A_81 : vector<8xf32> to vector<1x8xf32>
    %add3A_83 = arith.addf %get3A_79, %broadcast_in_dim3A_82 : vector<1x8xf32>
    %swap3A_84 = arith.constant 0 : index
    %swap3A_85 = arith.constant 0 : index
    %swap3A_86 = vector.load %arg12[%swap3A_84, %swap3A_85] : memref<1x8xf32, #tpu.memory_space<vmem>>, vector<1x8xf32>
    tpu.vector_store %arg12[%swap3A_84, %swap3A_85], %add3A_83 {strides = array<i32>} : memref<1x8xf32, #tpu.memory_space<vmem>>, vector<1x8xf32>,
    %get3A_87 = arith.constant 0 : index
    %get3A_88 = arith.constant 0 : index
    %get3A_89 = vector.load %arg13[%get3A_87, %get3A_88] : memref<8x8xf32, #tpu.memory_space<vmem>>, vector<8x8xf32>
    %dot_general3A_90 = arith.constant dense<0.000000e+00> : vector<8x8xf32>
    %dot_general3A_91 = tpu.matmul %max3A_32, %max3A_32, %dot_general3A_90 {dimension_numbers = #tpu.dot_dimension_numbers<[0], [0], [1], [1], [0, 1, 1, 1], [], []>, transpose_lhs_hint = false} : vector<8192x8xf32>, vector<8192x8xf32>, vector<8x8xf32> -> vector<8x8xf32>
    %add3A_92 = arith.addf %get3A_89, %dot_general3A_91 : vector<8x8xf32>
    %swap3A_93 = arith.constant 0 : index
    %swap3A_94 = arith.constant 0 : index
    %swap3A_95 = vector.load %arg13[%swap3A_93, %swap3A_94] : memref<8x8xf32, #tpu.memory_space<vmem>>, vector<8x8xf32>
    tpu.vector_store %arg13[%swap3A_93, %swap3A_94], %add3A_92 {strides = array<i32>} : memref<8x8xf32, #tpu.memory_space<vmem>>, vector<8x8xf32>,
    %get3A_96 = arith.constant 0 : index
    %get3A_97 = arith.constant 0 : index
    %get3A_98 = vector.load %arg14[%get3A_96, %get3A_97] : memref<1x8xf32, #tpu.memory_space<vmem>>, vector<1x8xf32>
    %reduce_sum3A_99 = arith.constant dense<0.000000e+00> : vector<8xf32>
    %reduce_sum3A_100 = vector.multi_reduction <add>, %add3A_72, %reduce_sum3A_99 [0] : vector<512x8xf32> to vector<8xf32>
    %broadcast_in_dim3A_101 = vector.shape_cast %reduce_sum3A_100 : vector<8xf32> to vector<1x8xf32>
    %add3A_102 = arith.addf %get3A_98, %broadcast_in_dim3A_101 : vector<1x8xf32>
    %swap3A_103 = arith.constant 0 : index
    %swap3A_104 = arith.constant 0 : index
    %swap3A_105 = vector.load %arg14[%swap3A_103, %swap3A_104] : memref<1x8xf32, #tpu.memory_space<vmem>>, vector<1x8xf32>
    tpu.vector_store %arg14[%swap3A_103, %swap3A_104], %add3A_102 {strides = array<i32>} : memref<1x8xf32, #tpu.memory_space<vmem>>, vector<1x8xf32>,
    %get3A_106 = arith.constant 0 : index
    %get3A_107 = arith.constant 0 : index
    %get3A_108 = vector.load %arg15[%get3A_106, %get3A_107] : memref<1x8xf32, #tpu.memory_space<vmem>>, vector<1x8xf32>
    %mul3A_109 = arith.mulf %add3A_72, %add3A_72 : vector<512x8xf32>
    %reduce_sum3A_110 = arith.constant dense<0.000000e+00> : vector<8xf32>
    %reduce_sum3A_111 = vector.multi_reduction <add>, %mul3A_109, %reduce_sum3A_110 [0] : vector<512x8xf32> to vector<8xf32>
    %broadcast_in_dim3A_112 = vector.shape_cast %reduce_sum3A_111 : vector<8xf32> to vector<1x8xf32>
    %add3A_113 = arith.addf %get3A_108, %broadcast_in_dim3A_112 : vector<1x8xf32>
    %swap3A_114 = arith.constant 0 : index
    %swap3A_115 = arith.constant 0 : index
    %swap3A_116 = vector.load %arg15[%swap3A_114, %swap3A_115] : memref<1x8xf32, #tpu.memory_space<vmem>>, vector<1x8xf32>
    tpu.vector_store %arg15[%swap3A_114, %swap3A_115], %add3A_113 {strides = array<i32>} : memref<1x8xf32, #tpu.memory_space<vmem>>, vector<1x8xf32>,
    return
  }
  func.func @transform_0(%arg0: i32) -> (i32, i32) {
    %c0_i32 = arith.constant 0 : i32
    %c0_i32_0 = arith.constant 0 : i32
    return %arg0, %c0_i32 : i32, i32
  }
  func.func @transform_1(%arg0: i32) -> (i32, i32) {
    %c0_i32 = arith.constant 0 : i32
    %c0_i32_0 = arith.constant 0 : i32
    return %arg0, %c0_i32 : i32, i32
  }
  func.func @transform_2(%arg0: i32) -> (i32, i32) {
    %c0_i32 = arith.constant 0 : i32
    %c0_i32_0 = arith.constant 0 : i32
    %c0_i32_1 = arith.constant 0 : i32
    return %c0_i32, %c0_i32_0 : i32, i32
  }
  func.func @transform_3(%arg0: i32) -> (i32, i32) {
    %c0_i32 = arith.constant 0 : i32
    %c0_i32_0 = arith.constant 0 : i32
    %c0_i32_1 = arith.constant 0 : i32
    return %c0_i32, %c0_i32_0 : i32, i32
  }
  func.func @transform_4(%arg0: i32) -> (i32, i32) {
    %c0_i32 = arith.constant 0 : i32
    %c0_i32_0 = arith.constant 0 : i32
    %c0_i32_1 = arith.constant 0 : i32
    return %c0_i32, %c0_i32_0 : i32, i32
  }
  func.func @transform_5(%arg0: i32) -> (i32, i32) {
    %c0_i32 = arith.constant 0 : i32
    %c0_i32_0 = arith.constant 0 : i32
    %c0_i32_1 = arith.constant 0 : i32
    return %c0_i32, %c0_i32_0 : i32, i32
  }
  func.func @transform_6(%arg0: i32) -> (i32, i32) {
    %c0_i32 = arith.constant 0 : i32
    %c0_i32_0 = arith.constant 0 : i32
    %c0_i32_1 = arith.constant 0 : i32
    return %c0_i32, %c0_i32_0 : i32, i32
  }
  func.func @transform_7(%arg0: i32) -> (i32, i32) {
    %c0_i32 = arith.constant 0 : i32
    %c0_i32_0 = arith.constant 0 : i32
    %c0_i32_1 = arith.constant 0 : i32
    return %c0_i32, %c0_i32_0 : i32, i32
  }
  func.func @transform_8(%arg0: i32) -> (i32, i32) {
    %c0_i32 = arith.constant 0 : i32
    %c0_i32_0 = arith.constant 0 : i32
    %c0_i32_1 = arith.constant 0 : i32
    return %c0_i32, %c0_i32_0 : i32, i32
  }
  func.func @transform_9(%arg0: i32) -> (i32, i32) {
    %c0_i32 = arith.constant 0 : i32
    %c0_i32_0 = arith.constant 0 : i32
    %c0_i32_1 = arith.constant 0 : i32
    return %c0_i32, %c0_i32_0 : i32, i32
  }
  func.func @transform_10(%arg0: i32) -> (i32, i32) {
    %c0_i32 = arith.constant 0 : i32
    %c0_i32_0 = arith.constant 0 : i32
    return %arg0, %c0_i32 : i32, i32
  }
  func.func @transform_11(%arg0: i32) -> (i32, i32) {
    %c0_i32 = arith.constant 0 : i32
    %c0_i32_0 = arith.constant 0 : i32
    %c0_i32_1 = arith.constant 0 : i32
    return %c0_i32, %c0_i32_0 : i32, i32
  }
  func.func @transform_12(%arg0: i32) -> (i32, i32) {
    %c0_i32 = arith.constant 0 : i32
    %c0_i32_0 = arith.constant 0 : i32
    %c0_i32_1 = arith.constant 0 : i32
    return %c0_i32, %c0_i32_0 : i32, i32
  }
  func.func @transform_13(%arg0: i32) -> (i32, i32) {
    %c0_i32 = arith.constant 0 : i32
    %c0_i32_0 = arith.constant 0 : i32
    %c0_i32_1 = arith.constant 0 : i32
    return %c0_i32, %c0_i32_0 : i32, i32
  }
  func.func @transform_14(%arg0: i32) -> (i32, i32) {
    %c0_i32 = arith.constant 0 : i32
    %c0_i32_0 = arith.constant 0 : i32
    %c0_i32_1 = arith.constant 0 : i32
    return %c0_i32, %c0_i32_0 : i32, i32
  }
}

module attributes {stable_mosaic.version = 14 : i64} {
  func.func @_p5_body(%arg0: i32, %arg1: memref<4096x8xf32, #tpu.memory_space<vmem>>, %arg2: memref<1x8xf32, #tpu.memory_space<vmem>>, %arg3: memref<1x8xf32, #tpu.memory_space<vmem>>, %arg4: memref<1x8xf32, #tpu.memory_space<vmem>>, %arg5: memref<1x8xf32, #tpu.memory_space<vmem>>, %arg6: memref<4096x16xf32, #tpu.memory_space<vmem>>) attributes {dimension_semantics = [#tpu.dimension_semantics<arbitrary>], iteration_bounds = array<i64: 16>, scalar_prefetch = 0 : i64, scratch_operands = 0 : i64, tpu.core_type = #tpu.core_type<tc>, window_params = [{transform_indices = @transform_0, window_bounds = array<i64: 4096, 8>}, {pipeline_mode = #tpu.pipeline_mode<synchronous>, transform_indices = @transform_1, window_bounds = array<i64: 1, 8>}, {pipeline_mode = #tpu.pipeline_mode<synchronous>, transform_indices = @transform_2, window_bounds = array<i64: 1, 8>}, {pipeline_mode = #tpu.pipeline_mode<synchronous>, transform_indices = @transform_3, window_bounds = array<i64: 1, 8>}, {pipeline_mode = #tpu.pipeline_mode<synchronous>, transform_indices = @transform_4, window_bounds = array<i64: 1, 8>}, {transform_indices = @transform_5, window_bounds = array<i64: 4096, 16>}]} {
    %get3A = arith.constant 0 : index
    %get3A_0 = arith.constant 0 : index
    %get3A_1 = vector.load %arg2[%get3A, %get3A_0] : memref<1x8xf32, #tpu.memory_space<vmem>>, vector<1x8xf32>
    %get3A_2 = arith.constant 0 : index
    %get3A_3 = arith.constant 0 : index
    %get3A_4 = vector.load %arg3[%get3A_2, %get3A_3] : memref<1x8xf32, #tpu.memory_space<vmem>>, vector<1x8xf32>
    %get3A_5 = arith.constant 0 : index
    %get3A_6 = arith.constant 0 : index
    %get3A_7 = vector.load %arg4[%get3A_5, %get3A_6] : memref<1x8xf32, #tpu.memory_space<vmem>>, vector<1x8xf32>
    %get3A_8 = arith.constant 0 : index
    %get3A_9 = arith.constant 0 : index
    %get3A_10 = vector.load %arg5[%get3A_8, %get3A_9] : memref<1x8xf32, #tpu.memory_space<vmem>>, vector<1x8xf32>
    %div3A = arith.constant 6.553600e+04 : f32
    %div3A_11 = vector.broadcast %div3A : f32 to vector<1x8xf32>
    %div3A_12 = arith.divf %get3A_1, %div3A_11 : vector<1x8xf32>
    %div3A_13 = arith.constant 6.553600e+04 : f32
    %div3A_14 = vector.broadcast %div3A_13 : f32 to vector<1x8xf32>
    %div3A_15 = arith.divf %get3A_4, %div3A_14 : vector<1x8xf32>
    %mul3A = arith.mulf %div3A_12, %div3A_12 : vector<1x8xf32>
    %sub3A = arith.subf %div3A_15, %mul3A : vector<1x8xf32>
    %add3A = arith.constant 9.99999974E-6 : f32
    %add3A_16 = vector.broadcast %add3A : f32 to vector<1x8xf32>
    %add3A_17 = arith.addf %sub3A, %add3A_16 : vector<1x8xf32>
    %sqrt3A = math.sqrt %add3A_17 : vector<1x8xf32>
    %div3A_18 = arith.constant 1.000000e+00 : f32
    %div3A_19 = vector.broadcast %div3A_18 : f32 to vector<1x8xf32>
    %div3A_20 = arith.divf %div3A_19, %sqrt3A : vector<1x8xf32>
    %mul3A_21 = arith.mulf %get3A_7, %div3A_20 : vector<1x8xf32>
    %mul3A_22 = arith.mulf %mul3A_21, %div3A_12 : vector<1x8xf32>
    %sub3A_23 = arith.subf %get3A_10, %mul3A_22 : vector<1x8xf32>
    %get3A_24 = arith.constant 0 : index
    %get3A_25 = arith.constant 0 : index
    %get3A_26 = vector.load %arg1[%get3A_24, %get3A_25] : memref<4096x8xf32, #tpu.memory_space<vmem>>, vector<4096x8xf32>
    %mul3A_27 = vector.broadcast %mul3A_21 : vector<1x8xf32> to vector<4096x8xf32>
    %mul3A_28 = arith.mulf %mul3A_27, %get3A_26 : vector<4096x8xf32>
    %add3A_29 = vector.broadcast %sub3A_23 : vector<1x8xf32> to vector<4096x8xf32>
    %add3A_30 = arith.addf %mul3A_28, %add3A_29 : vector<4096x8xf32>
    %max3A = arith.constant 0.000000e+00 : f32
    %max3A_31 = vector.broadcast %max3A : f32 to vector<4096x8xf32>
    %max3A_32 = arith.maximumf %add3A_30, %max3A_31 : vector<4096x8xf32>
    %swap3A = arith.constant 0 : index
    %swap3A_33 = arith.constant 0 : index
    %swap3A_34 = vector.load %arg6[%swap3A, %swap3A_33] : memref<4096x16xf32, #tpu.memory_space<vmem>>, vector<4096x8xf32>
    tpu.vector_store %arg6[%swap3A, %swap3A_33], %max3A_32 {strides = array<i32>} : memref<4096x16xf32, #tpu.memory_space<vmem>>, vector<4096x8xf32>,
    %broadcast_in_dim3A = arith.constant 0.000000e+00 : f32
    %broadcast_in_dim3A_35 = vector.broadcast %broadcast_in_dim3A : f32 to vector<4096x8xf32>
    %swap3A_36 = arith.constant 0 : index
    %swap3A_37 = arith.constant 8 : index
    %swap3A_38 = vector.load %arg6[%swap3A_36, %swap3A_37] : memref<4096x16xf32, #tpu.memory_space<vmem>>, vector<4096x8xf32>
    tpu.vector_store %arg6[%swap3A_36, %swap3A_37], %broadcast_in_dim3A_35 {strides = array<i32>} : memref<4096x16xf32, #tpu.memory_space<vmem>>, vector<4096x8xf32>,
    return
  }
  func.func @transform_0(%arg0: i32) -> (i32, i32) {
    %c0_i32 = arith.constant 0 : i32
    %c0_i32_0 = arith.constant 0 : i32
    return %arg0, %c0_i32 : i32, i32
  }
  func.func @transform_1(%arg0: i32) -> (i32, i32) {
    %c0_i32 = arith.constant 0 : i32
    %c0_i32_0 = arith.constant 0 : i32
    %c0_i32_1 = arith.constant 0 : i32
    return %c0_i32, %c0_i32_0 : i32, i32
  }
  func.func @transform_2(%arg0: i32) -> (i32, i32) {
    %c0_i32 = arith.constant 0 : i32
    %c0_i32_0 = arith.constant 0 : i32
    %c0_i32_1 = arith.constant 0 : i32
    return %c0_i32, %c0_i32_0 : i32, i32
  }
  func.func @transform_3(%arg0: i32) -> (i32, i32) {
    %c0_i32 = arith.constant 0 : i32
    %c0_i32_0 = arith.constant 0 : i32
    %c0_i32_1 = arith.constant 0 : i32
    return %c0_i32, %c0_i32_0 : i32, i32
  }
  func.func @transform_4(%arg0: i32) -> (i32, i32) {
    %c0_i32 = arith.constant 0 : i32
    %c0_i32_0 = arith.constant 0 : i32
    %c0_i32_1 = arith.constant 0 : i32
    return %c0_i32, %c0_i32_0 : i32, i32
  }
  func.func @transform_5(%arg0: i32) -> (i32, i32) {
    %c0_i32 = arith.constant 0 : i32
    %c0_i32_0 = arith.constant 0 : i32
    return %arg0, %c0_i32 : i32, i32
  }
}

module attributes {stable_mosaic.version = 14 : i64} {
  func.func @_p6_body(%arg0: i32, %arg1: memref<8192x8xf32, #tpu.memory_space<vmem>>, %arg2: memref<8192x16xf32, #tpu.memory_space<vmem>>, %arg3: memref<1x8xf32, #tpu.memory_space<vmem>>, %arg4: memref<1x8xf32, #tpu.memory_space<vmem>>, %arg5: memref<1x8xf32, #tpu.memory_space<vmem>>, %arg6: memref<8x8xf32, #tpu.memory_space<vmem>>, %arg7: memref<1x8xf32, #tpu.memory_space<vmem>>, %arg8: memref<1x8xf32, #tpu.memory_space<vmem>>, %arg9: memref<8x8xf32, #tpu.memory_space<vmem>>, %arg10: memref<1x8xf32, #tpu.memory_space<vmem>>, %arg11: memref<1x8xf32, #tpu.memory_space<vmem>>, %arg12: memref<8x16xf32, #tpu.memory_space<vmem>>, %arg13: memref<8x16xf32, #tpu.memory_space<vmem>>, %arg14: memref<8x16xf32, #tpu.memory_space<vmem>>, %arg15: memref<8x16xf32, #tpu.memory_space<vmem>>, %arg16: memref<512x16xf32, #tpu.memory_space<vmem>>, %arg17: memref<1x16xf32, #tpu.memory_space<vmem>>, %arg18: memref<1x16xf32, #tpu.memory_space<vmem>>) attributes {dimension_semantics = [#tpu.dimension_semantics<arbitrary>], iteration_bounds = array<i64: 128>, scalar_prefetch = 0 : i64, scratch_operands = 0 : i64, tpu.core_type = #tpu.core_type<tc>, window_params = [{transform_indices = @transform_0, window_bounds = array<i64: 8192, 8>}, {transform_indices = @transform_1, window_bounds = array<i64: 8192, 16>}, {pipeline_mode = #tpu.pipeline_mode<synchronous>, transform_indices = @transform_2, window_bounds = array<i64: 1, 8>}, {pipeline_mode = #tpu.pipeline_mode<synchronous>, transform_indices = @transform_3, window_bounds = array<i64: 1, 8>}, {pipeline_mode = #tpu.pipeline_mode<synchronous>, transform_indices = @transform_4, window_bounds = array<i64: 1, 8>}, {pipeline_mode = #tpu.pipeline_mode<synchronous>, transform_indices = @transform_5, window_bounds = array<i64: 8, 8>}, {pipeline_mode = #tpu.pipeline_mode<synchronous>, transform_indices = @transform_6, window_bounds = array<i64: 1, 8>}, {pipeline_mode = #tpu.pipeline_mode<synchronous>, transform_indices = @transform_7, window_bounds = array<i64: 1, 8>}, {pipeline_mode = #tpu.pipeline_mode<synchronous>, transform_indices = @transform_8, window_bounds = array<i64: 8, 8>}, {pipeline_mode = #tpu.pipeline_mode<synchronous>, transform_indices = @transform_9, window_bounds = array<i64: 1, 8>}, {pipeline_mode = #tpu.pipeline_mode<synchronous>, transform_indices = @transform_10, window_bounds = array<i64: 1, 8>}, {pipeline_mode = #tpu.pipeline_mode<synchronous>, transform_indices = @transform_11, window_bounds = array<i64: 8, 16>}, {pipeline_mode = #tpu.pipeline_mode<synchronous>, transform_indices = @transform_12, window_bounds = array<i64: 8, 16>}, {pipeline_mode = #tpu.pipeline_mode<synchronous>, transform_indices = @transform_13, window_bounds = array<i64: 8, 16>}, {pipeline_mode = #tpu.pipeline_mode<synchronous>, transform_indices = @transform_14, window_bounds = array<i64: 8, 16>}, {transform_indices = @transform_15, window_bounds = array<i64: 512, 16>}, {pipeline_mode = #tpu.pipeline_mode<synchronous>, transform_indices = @transform_16, window_bounds = array<i64: 1, 16>}, {pipeline_mode = #tpu.pipeline_mode<synchronous>, transform_indices = @transform_17, window_bounds = array<i64: 1, 16>}]} {
    %get3A = arith.constant 0 : index
    %get3A_0 = arith.constant 0 : index
    %get3A_1 = vector.load %arg3[%get3A, %get3A_0] : memref<1x8xf32, #tpu.memory_space<vmem>>, vector<1x8xf32>
    %get3A_2 = arith.constant 0 : index
    %get3A_3 = arith.constant 0 : index
    %get3A_4 = vector.load %arg4[%get3A_2, %get3A_3] : memref<1x8xf32, #tpu.memory_space<vmem>>, vector<1x8xf32>
    %get3A_5 = arith.constant 0 : index
    %get3A_6 = arith.constant 0 : index
    %get3A_7 = vector.load %arg7[%get3A_5, %get3A_6] : memref<1x8xf32, #tpu.memory_space<vmem>>, vector<1x8xf32>
    %get3A_8 = arith.constant 0 : index
    %get3A_9 = arith.constant 0 : index
    %get3A_10 = vector.load %arg8[%get3A_8, %get3A_9] : memref<1x8xf32, #tpu.memory_space<vmem>>, vector<1x8xf32>
    %div3A = arith.constant 0x49800000 : f32
    %div3A_11 = vector.broadcast %div3A : f32 to vector<1x8xf32>
    %div3A_12 = arith.divf %get3A_1, %div3A_11 : vector<1x8xf32>
    %div3A_13 = arith.constant 0x49800000 : f32
    %div3A_14 = vector.broadcast %div3A_13 : f32 to vector<1x8xf32>
    %div3A_15 = arith.divf %get3A_4, %div3A_14 : vector<1x8xf32>
    %mul3A = arith.mulf %div3A_12, %div3A_12 : vector<1x8xf32>
    %sub3A = arith.subf %div3A_15, %mul3A : vector<1x8xf32>
    %add3A = arith.constant 9.99999974E-6 : f32
    %add3A_16 = vector.broadcast %add3A : f32 to vector<1x8xf32>
    %add3A_17 = arith.addf %sub3A, %add3A_16 : vector<1x8xf32>
    %sqrt3A = math.sqrt %add3A_17 : vector<1x8xf32>
    %div3A_18 = arith.constant 1.000000e+00 : f32
    %div3A_19 = vector.broadcast %div3A_18 : f32 to vector<1x8xf32>
    %div3A_20 = arith.divf %div3A_19, %sqrt3A : vector<1x8xf32>
    %mul3A_21 = arith.mulf %get3A_7, %div3A_20 : vector<1x8xf32>
    %mul3A_22 = arith.mulf %mul3A_21, %div3A_12 : vector<1x8xf32>
    %sub3A_23 = arith.subf %get3A_10, %mul3A_22 : vector<1x8xf32>
    %get3A_24 = arith.constant 0 : index
    %get3A_25 = arith.constant 0 : index
    %get3A_26 = vector.load %arg1[%get3A_24, %get3A_25] : memref<8192x8xf32, #tpu.memory_space<vmem>>, vector<8192x8xf32>
    %mul3A_27 = vector.broadcast %mul3A_21 : vector<1x8xf32> to vector<8192x8xf32>
    %mul3A_28 = arith.mulf %mul3A_27, %get3A_26 : vector<8192x8xf32>
    %add3A_29 = vector.broadcast %sub3A_23 : vector<1x8xf32> to vector<8192x8xf32>
    %add3A_30 = arith.addf %mul3A_28, %add3A_29 : vector<8192x8xf32>
    %max3A = arith.constant 0.000000e+00 : f32
    %max3A_31 = vector.broadcast %max3A : f32 to vector<8192x8xf32>
    %max3A_32 = arith.maximumf %add3A_30, %max3A_31 : vector<8192x8xf32>
    %get3A_33 = arith.constant 0 : index
    %get3A_34 = arith.constant 0 : index
    %get3A_35 = vector.load %arg5[%get3A_33, %get3A_34] : memref<1x8xf32, #tpu.memory_space<vmem>>, vector<1x8xf32>
    %div3A_36 = arith.constant 0x49800000 : f32
    %div3A_37 = vector.broadcast %div3A_36 : f32 to vector<1x8xf32>
    %div3A_38 = arith.divf %get3A_35, %div3A_37 : vector<1x8xf32>
    %get3A_39 = arith.constant 0 : index
    %get3A_40 = arith.constant 0 : index
    %get3A_41 = vector.load %arg6[%get3A_39, %get3A_40] : memref<8x8xf32, #tpu.memory_space<vmem>>, vector<8x8xf32>
    %div3A_42 = arith.constant 0x49800000 : f32
    %div3A_43 = vector.broadcast %div3A_42 : f32 to vector<8x8xf32>
    %div3A_44 = arith.divf %get3A_41, %div3A_43 : vector<8x8xf32>
    %get3A_45 = arith.constant 0 : index
    %get3A_46 = arith.constant 0 : index
    %get3A_47 = vector.load %arg9[%get3A_45, %get3A_46] : memref<8x8xf32, #tpu.memory_space<vmem>>, vector<8x8xf32>
    %get3A_48 = arith.constant 0 : index
    %get3A_49 = arith.constant 0 : index
    %get3A_50 = vector.load %arg10[%get3A_48, %get3A_49] : memref<1x8xf32, #tpu.memory_space<vmem>>, vector<1x8xf32>
    %get3A_51 = arith.constant 0 : index
    %get3A_52 = arith.constant 0 : index
    %get3A_53 = vector.load %arg11[%get3A_51, %get3A_52] : memref<1x8xf32, #tpu.memory_space<vmem>>, vector<1x8xf32>
    %dot_general3A = arith.constant dense<0.000000e+00> : vector<1x8xf32>
    %dot_general3A_54 = tpu.matmul %div3A_38, %get3A_47, %dot_general3A {dimension_numbers = #tpu.dot_dimension_numbers<[1], [0], [0], [1], [0, 0, 1, 1], [], []>, transpose_lhs_hint = false} : vector<1x8xf32>, vector<8x8xf32>, vector<1x8xf32> -> vector<1x8xf32>
    %dot_general3A_55 = arith.constant dense<0.000000e+00> : vector<8x8xf32>
    %dot_general3A_56 = tpu.matmul %div3A_44, %get3A_47, %dot_general3A_55 {dimension_numbers = #tpu.dot_dimension_numbers<[1], [0], [0], [1], [0, 0, 1, 1], [], []>, transpose_lhs_hint = false} : vector<8x8xf32>, vector<8x8xf32>, vector<8x8xf32> -> vector<8x8xf32>
    %mul3A_57 = arith.mulf %dot_general3A_56, %get3A_47 : vector<8x8xf32>
    %reduce_sum3A = arith.constant dense<0.000000e+00> : vector<8xf32>
    %reduce_sum3A_58 = vector.multi_reduction <add>, %mul3A_57, %reduce_sum3A [0] : vector<8x8xf32> to vector<8xf32>
    %broadcast_in_dim3A = vector.shape_cast %reduce_sum3A_58 : vector<8xf32> to vector<1x8xf32>
    %mul3A_59 = arith.mulf %dot_general3A_54, %dot_general3A_54 : vector<1x8xf32>
    %sub3A_60 = arith.subf %broadcast_in_dim3A, %mul3A_59 : vector<1x8xf32>
    %add3A_61 = arith.constant 9.99999974E-6 : f32
    %add3A_62 = vector.broadcast %add3A_61 : f32 to vector<1x8xf32>
    %add3A_63 = arith.addf %sub3A_60, %add3A_62 : vector<1x8xf32>
    %sqrt3A_64 = math.sqrt %add3A_63 : vector<1x8xf32>
    %div3A_65 = arith.constant 1.000000e+00 : f32
    %div3A_66 = vector.broadcast %div3A_65 : f32 to vector<1x8xf32>
    %div3A_67 = arith.divf %div3A_66, %sqrt3A_64 : vector<1x8xf32>
    %mul3A_68 = arith.mulf %get3A_50, %div3A_67 : vector<1x8xf32>
    %mul3A_69 = arith.mulf %mul3A_68, %dot_general3A_54 : vector<1x8xf32>
    %sub3A_70 = arith.subf %get3A_53, %mul3A_69 : vector<1x8xf32>
    %get3A_71 = arith.constant 0 : index
    %get3A_72 = arith.constant 0 : index
    %get3A_73 = vector.load %arg9[%get3A_71, %get3A_72] : memref<8x8xf32, #tpu.memory_space<vmem>>, vector<8x8xf32>
    %dot_general3A_74 = arith.constant dense<0.000000e+00> : vector<8192x8xf32>
    %dot_general3A_75 = tpu.matmul %max3A_32, %get3A_73, %dot_general3A_74 {dimension_numbers = #tpu.dot_dimension_numbers<[1], [0], [0], [1], [0, 0, 1, 1], [], []>, transpose_lhs_hint = false} : vector<8192x8xf32>, vector<8x8xf32>, vector<8192x8xf32> -> vector<8192x8xf32>
    %mul3A_76 = vector.broadcast %mul3A_68 : vector<1x8xf32> to vector<8192x8xf32>
    %mul3A_77 = arith.mulf %mul3A_76, %dot_general3A_75 : vector<8192x8xf32>
    %add3A_78 = vector.broadcast %sub3A_70 : vector<1x8xf32> to vector<8192x8xf32>
    %add3A_79 = arith.addf %mul3A_77, %add3A_78 : vector<8192x8xf32>
    %max3A_80 = arith.constant 0.000000e+00 : f32
    %max3A_81 = vector.broadcast %max3A_80 : f32 to vector<8192x8xf32>
    %max3A_82 = arith.maximumf %add3A_79, %max3A_81 : vector<8192x8xf32>
    %get3A_83 = arith.constant 0 : index
    %get3A_84 = arith.constant 0 : index
    %get3A_85 = vector.load %arg2[%get3A_83, %get3A_84] : memref<8192x16xf32, #tpu.memory_space<vmem>>, vector<8192x8xf32>
    %get3A_86 = arith.constant 0 : index
    %get3A_87 = arith.constant 0 : index
    %get3A_88 = vector.load %arg12[%get3A_86, %get3A_87] : memref<8x16xf32, #tpu.memory_space<vmem>>, vector<8x16xf32>
    %dot_general3A_89 = arith.constant dense<0.000000e+00> : vector<8192x16xf32>
    %dot_general3A_90 = tpu.matmul %get3A_85, %get3A_88, %dot_general3A_89 {dimension_numbers = #tpu.dot_dimension_numbers<[1], [0], [0], [1], [0, 0, 1, 1], [], []>, transpose_lhs_hint = false} : vector<8192x8xf32>, vector<8x16xf32>, vector<8192x16xf32> -> vector<8192x16xf32>
    %get3A_91 = arith.constant 0 : index
    %get3A_92 = arith.constant 0 : index
    %get3A_93 = vector.load %arg13[%get3A_91, %get3A_92] : memref<8x16xf32, #tpu.memory_space<vmem>>, vector<8x16xf32>
    %dot_general3A_94 = arith.constant dense<0.000000e+00> : vector<8192x16xf32>
    %dot_general3A_95 = tpu.matmul %max3A_82, %get3A_93, %dot_general3A_94 {dimension_numbers = #tpu.dot_dimension_numbers<[1], [0], [0], [1], [0, 0, 1, 1], [], []>, transpose_lhs_hint = false} : vector<8192x8xf32>, vector<8x16xf32>, vector<8192x16xf32> -> vector<8192x16xf32>
    %add3A_96 = arith.addf %dot_general3A_90, %dot_general3A_95 : vector<8192x16xf32>
    %reshape3A = vector.shape_cast %add3A_96 : vector<8192x16xf32> to vector<512x16x16xf32>
    %reduce_max3A = arith.constant dense<0xFF800000> : vector<512x16xf32>
    %reduce_max3A_97 = vector.multi_reduction <maximumf>, %reshape3A, %reduce_max3A [1] : vector<512x16x16xf32> to vector<512x16xf32>
    %broadcast_in_dim3A_98 = vector.shape_cast %reduce_max3A_97 : vector<512x16xf32> to vector<512x1x16xf32>
    %sub3A_99 = vector.broadcast %broadcast_in_dim3A_98 : vector<512x1x16xf32> to vector<512x16x16xf32>
    %sub3A_100 = arith.subf %reshape3A, %sub3A_99 : vector<512x16x16xf32>
    %exp3A = math.exp %sub3A_100 : vector<512x16x16xf32>
    %reduce_sum3A_101 = arith.constant dense<0.000000e+00> : vector<512x16xf32>
    %reduce_sum3A_102 = vector.multi_reduction <add>, %exp3A, %reduce_sum3A_101 [1] : vector<512x16x16xf32> to vector<512x16xf32>
    %broadcast_in_dim3A_103 = vector.shape_cast %reduce_sum3A_102 : vector<512x16xf32> to vector<512x1x16xf32>
    %div3A_104 = vector.broadcast %broadcast_in_dim3A_103 : vector<512x1x16xf32> to vector<512x16x16xf32>
    %div3A_105 = arith.divf %exp3A, %div3A_104 : vector<512x16x16xf32>
    %reshape3A_106 = vector.shape_cast %get3A_85 : vector<8192x8xf32> to vector<512x16x8xf32>
    %reshape3A_107 = vector.shape_cast %max3A_82 : vector<8192x8xf32> to vector<512x16x8xf32>
    %slice3A = vector.extract_strided_slice %div3A_105 {offsets = [0, 0, 0], sizes = [512, 16, 8], strides = [1, 1, 1]} : vector<512x16x16xf32> to vector<512x16x8xf32>
    %mul3A_108 = arith.mulf %reshape3A_106, %slice3A : vector<512x16x8xf32>
    %reduce_sum3A_109 = arith.constant dense<0.000000e+00> : vector<512x8xf32>
    %reduce_sum3A_110 = vector.multi_reduction <add>, %mul3A_108, %reduce_sum3A_109 [1] : vector<512x16x8xf32> to vector<512x8xf32>
    %slice3A_111 = vector.extract_strided_slice %div3A_105 {offsets = [0, 0, 8], sizes = [512, 16, 8], strides = [1, 1, 1]} : vector<512x16x16xf32> to vector<512x16x8xf32>
    %mul3A_112 = arith.mulf %reshape3A_107, %slice3A_111 : vector<512x16x8xf32>
    %reduce_sum3A_113 = arith.constant dense<0.000000e+00> : vector<512x8xf32>
    %reduce_sum3A_114 = vector.multi_reduction <add>, %mul3A_112, %reduce_sum3A_113 [1] : vector<512x16x8xf32> to vector<512x8xf32>
    %get3A_115 = arith.constant 0 : index
    %get3A_116 = arith.constant 0 : index
    %get3A_117 = vector.load %arg14[%get3A_115, %get3A_116] : memref<8x16xf32, #tpu.memory_space<vmem>>, vector<8x16xf32>
    %dot_general3A_118 = arith.constant dense<0.000000e+00> : vector<512x16xf32>
    %dot_general3A_119 = tpu.matmul %reduce_sum3A_110, %get3A_117, %dot_general3A_118 {dimension_numbers = #tpu.dot_dimension_numbers<[1], [0], [0], [1], [0, 0, 1, 1], [], []>, transpose_lhs_hint = false} : vector<512x8xf32>, vector<8x16xf32>, vector<512x16xf32> -> vector<512x16xf32>
    %get3A_120 = arith.constant 0 : index
    %get3A_121 = arith.constant 0 : index
    %get3A_122 = vector.load %arg15[%get3A_120, %get3A_121] : memref<8x16xf32, #tpu.memory_space<vmem>>, vector<8x16xf32>
    %dot_general3A_123 = arith.constant dense<0.000000e+00> : vector<512x16xf32>
    %dot_general3A_124 = tpu.matmul %reduce_sum3A_114, %get3A_122, %dot_general3A_123 {dimension_numbers = #tpu.dot_dimension_numbers<[1], [0], [0], [1], [0, 0, 1, 1], [], []>, transpose_lhs_hint = false} : vector<512x8xf32>, vector<8x16xf32>, vector<512x16xf32> -> vector<512x16xf32>
    %add3A_125 = arith.addf %dot_general3A_119, %dot_general3A_124 : vector<512x16xf32>
    %swap3A = arith.constant 0 : index
    %swap3A_126 = arith.constant 0 : index
    %swap3A_127 = vector.load %arg16[%swap3A, %swap3A_126] : memref<512x16xf32, #tpu.memory_space<vmem>>, vector<512x16xf32>
    tpu.vector_store %arg16[%swap3A, %swap3A_126], %add3A_125 {strides = array<i32>} : memref<512x16xf32, #tpu.memory_space<vmem>>, vector<512x16xf32>,
    %eq3A = arith.constant 0 : i32
    %eq3A_128 = arith.cmpi eq, %arg0, %eq3A : i32
    %convert_element_type3A = arith.extui %eq3A_128 : i1 to i32
    %cond3A = arith.constant 0 : i32
    %cond3A_129 = arith.cmpi ne, %convert_element_type3A, %cond3A : i32
    scf.if %cond3A_129 {
      %broadcast_in_dim3A_151 = arith.constant 0.000000e+00 : f32
      %broadcast_in_dim3A_152 = vector.broadcast %broadcast_in_dim3A_151 : f32 to vector<1x16xf32>
      %swap3A_153 = arith.constant 0 : index
      %swap3A_154 = arith.constant 0 : index
      %swap3A_155 = vector.load %arg17[%swap3A_153, %swap3A_154] : memref<1x16xf32, #tpu.memory_space<vmem>>, vector<1x16xf32>
      tpu.vector_store %arg17[%swap3A_153, %swap3A_154], %broadcast_in_dim3A_152 {strides = array<i32>} : memref<1x16xf32, #tpu.memory_space<vmem>>, vector<1x16xf32>,
      %broadcast_in_dim3A_156 = arith.constant 0.000000e+00 : f32
      %broadcast_in_dim3A_157 = vector.broadcast %broadcast_in_dim3A_156 : f32 to vector<1x16xf32>
      %swap3A_158 = arith.constant 0 : index
      %swap3A_159 = arith.constant 0 : index
      %swap3A_160 = vector.load %arg18[%swap3A_158, %swap3A_159] : memref<1x16xf32, #tpu.memory_space<vmem>>, vector<1x16xf32>
      tpu.vector_store %arg18[%swap3A_158, %swap3A_159], %broadcast_in_dim3A_157 {strides = array<i32>} : memref<1x16xf32, #tpu.memory_space<vmem>>, vector<1x16xf32>,
    } else {
    }
    %get3A_130 = arith.constant 0 : index
    %get3A_131 = arith.constant 0 : index
    %get3A_132 = vector.load %arg17[%get3A_130, %get3A_131] : memref<1x16xf32, #tpu.memory_space<vmem>>, vector<1x16xf32>
    %reduce_sum3A_133 = arith.constant dense<0.000000e+00> : vector<16xf32>
    %reduce_sum3A_134 = vector.multi_reduction <add>, %add3A_125, %reduce_sum3A_133 [0] : vector<512x16xf32> to vector<16xf32>
    %broadcast_in_dim3A_135 = vector.shape_cast %reduce_sum3A_134 : vector<16xf32> to vector<1x16xf32>
    %add3A_136 = arith.addf %get3A_132, %broadcast_in_dim3A_135 : vector<1x16xf32>
    %swap3A_137 = arith.constant 0 : index
    %swap3A_138 = arith.constant 0 : index
    %swap3A_139 = vector.load %arg17[%swap3A_137, %swap3A_138] : memref<1x16xf32, #tpu.memory_space<vmem>>, vector<1x16xf32>
    tpu.vector_store %arg17[%swap3A_137, %swap3A_138], %add3A_136 {strides = array<i32>} : memref<1x16xf32, #tpu.memory_space<vmem>>, vector<1x16xf32>,
    %get3A_140 = arith.constant 0 : index
    %get3A_141 = arith.constant 0 : index
    %get3A_142 = vector.load %arg18[%get3A_140, %get3A_141] : memref<1x16xf32, #tpu.memory_space<vmem>>, vector<1x16xf32>
    %mul3A_143 = arith.mulf %add3A_125, %add3A_125 : vector<512x16xf32>
    %reduce_sum3A_144 = arith.constant dense<0.000000e+00> : vector<16xf32>
    %reduce_sum3A_145 = vector.multi_reduction <add>, %mul3A_143, %reduce_sum3A_144 [0] : vector<512x16xf32> to vector<16xf32>
    %broadcast_in_dim3A_146 = vector.shape_cast %reduce_sum3A_145 : vector<16xf32> to vector<1x16xf32>
    %add3A_147 = arith.addf %get3A_142, %broadcast_in_dim3A_146 : vector<1x16xf32>
    %swap3A_148 = arith.constant 0 : index
    %swap3A_149 = arith.constant 0 : index
    %swap3A_150 = vector.load %arg18[%swap3A_148, %swap3A_149] : memref<1x16xf32, #tpu.memory_space<vmem>>, vector<1x16xf32>
    tpu.vector_store %arg18[%swap3A_148, %swap3A_149], %add3A_147 {strides = array<i32>} : memref<1x16xf32, #tpu.memory_space<vmem>>, vector<1x16xf32>,
    return
  }
  func.func @transform_0(%arg0: i32) -> (i32, i32) {
    %c0_i32 = arith.constant 0 : i32
    %c0_i32_0 = arith.constant 0 : i32
    return %arg0, %c0_i32 : i32, i32
  }
  func.func @transform_1(%arg0: i32) -> (i32, i32) {
    %c0_i32 = arith.constant 0 : i32
    %c0_i32_0 = arith.constant 0 : i32
    return %arg0, %c0_i32 : i32, i32
  }
  func.func @transform_2(%arg0: i32) -> (i32, i32) {
    %c0_i32 = arith.constant 0 : i32
    %c0_i32_0 = arith.constant 0 : i32
    %c0_i32_1 = arith.constant 0 : i32
    return %c0_i32, %c0_i32_0 : i32, i32
  }
  func.func @transform_3(%arg0: i32) -> (i32, i32) {
    %c0_i32 = arith.constant 0 : i32
    %c0_i32_0 = arith.constant 0 : i32
    %c0_i32_1 = arith.constant 0 : i32
    return %c0_i32, %c0_i32_0 : i32, i32
  }
  func.func @transform_4(%arg0: i32) -> (i32, i32) {
    %c0_i32 = arith.constant 0 : i32
    %c0_i32_0 = arith.constant 0 : i32
    %c0_i32_1 = arith.constant 0 : i32
    return %c0_i32, %c0_i32_0 : i32, i32
  }
  func.func @transform_5(%arg0: i32) -> (i32, i32) {
    %c0_i32 = arith.constant 0 : i32
    %c0_i32_0 = arith.constant 0 : i32
    %c0_i32_1 = arith.constant 0 : i32
    return %c0_i32, %c0_i32_0 : i32, i32
  }
  func.func @transform_6(%arg0: i32) -> (i32, i32) {
    %c0_i32 = arith.constant 0 : i32
    %c0_i32_0 = arith.constant 0 : i32
    %c0_i32_1 = arith.constant 0 : i32
    return %c0_i32, %c0_i32_0 : i32, i32
  }
  func.func @transform_7(%arg0: i32) -> (i32, i32) {
    %c0_i32 = arith.constant 0 : i32
    %c0_i32_0 = arith.constant 0 : i32
    %c0_i32_1 = arith.constant 0 : i32
    return %c0_i32, %c0_i32_0 : i32, i32
  }
  func.func @transform_8(%arg0: i32) -> (i32, i32) {
    %c0_i32 = arith.constant 0 : i32
    %c0_i32_0 = arith.constant 0 : i32
    %c0_i32_1 = arith.constant 0 : i32
    return %c0_i32, %c0_i32_0 : i32, i32
  }
  func.func @transform_9(%arg0: i32) -> (i32, i32) {
    %c0_i32 = arith.constant 0 : i32
    %c0_i32_0 = arith.constant 0 : i32
    %c0_i32_1 = arith.constant 0 : i32
    return %c0_i32, %c0_i32_0 : i32, i32
  }
  func.func @transform_10(%arg0: i32) -> (i32, i32) {
    %c0_i32 = arith.constant 0 : i32
    %c0_i32_0 = arith.constant 0 : i32
    %c0_i32_1 = arith.constant 0 : i32
    return %c0_i32, %c0_i32_0 : i32, i32
  }
  func.func @transform_11(%arg0: i32) -> (i32, i32) {
    %c0_i32 = arith.constant 0 : i32
    %c0_i32_0 = arith.constant 0 : i32
    %c0_i32_1 = arith.constant 0 : i32
    return %c0_i32, %c0_i32_0 : i32, i32
  }
  func.func @transform_12(%arg0: i32) -> (i32, i32) {
    %c0_i32 = arith.constant 0 : i32
    %c0_i32_0 = arith.constant 0 : i32
    %c0_i32_1 = arith.constant 0 : i32
    return %c0_i32, %c0_i32_0 : i32, i32
  }
  func.func @transform_13(%arg0: i32) -> (i32, i32) {
    %c0_i32 = arith.constant 0 : i32
    %c0_i32_0 = arith.constant 0 : i32
    %c0_i32_1 = arith.constant 0 : i32
    return %c0_i32, %c0_i32_0 : i32, i32
  }
  func.func @transform_14(%arg0: i32) -> (i32, i32) {
    %c0_i32 = arith.constant 0 : i32
    %c0_i32_0 = arith.constant 0 : i32
    %c0_i32_1 = arith.constant 0 : i32
    return %c0_i32, %c0_i32_0 : i32, i32
  }
  func.func @transform_15(%arg0: i32) -> (i32, i32) {
    %c0_i32 = arith.constant 0 : i32
    %c0_i32_0 = arith.constant 0 : i32
    return %arg0, %c0_i32 : i32, i32
  }
  func.func @transform_16(%arg0: i32) -> (i32, i32) {
    %c0_i32 = arith.constant 0 : i32
    %c0_i32_0 = arith.constant 0 : i32
    %c0_i32_1 = arith.constant 0 : i32
    return %c0_i32, %c0_i32_0 : i32, i32
  }
  func.func @transform_17(%arg0: i32) -> (i32, i32) {
    %c0_i32 = arith.constant 0 : i32
    %c0_i32_0 = arith.constant 0 : i32
    %c0_i32_1 = arith.constant 0 : i32
    return %c0_i32, %c0_i32_0 : i32, i32
  }
}

module attributes {stable_mosaic.version = 14 : i64} {
  func.func @_p7_body(%arg0: i32, %arg1: memref<4096x16xf32, #tpu.memory_space<vmem>>, %arg2: memref<1x16xf32, #tpu.memory_space<vmem>>, %arg3: memref<1x16xf32, #tpu.memory_space<vmem>>, %arg4: memref<1x16xf32, #tpu.memory_space<vmem>>, %arg5: memref<1x16xf32, #tpu.memory_space<vmem>>, %arg6: memref<16x32xf32, #tpu.memory_space<vmem>>, %arg7: memref<4096x32xf32, #tpu.memory_space<vmem>>, %arg8: memref<1x16xf32, #tpu.memory_space<vmem>>, %arg9: memref<16x16xf32, #tpu.memory_space<vmem>>) attributes {dimension_semantics = [#tpu.dimension_semantics<arbitrary>], iteration_bounds = array<i64: 16>, scalar_prefetch = 0 : i64, scratch_operands = 0 : i64, tpu.core_type = #tpu.core_type<tc>, window_params = [{transform_indices = @transform_0, window_bounds = array<i64: 4096, 16>}, {pipeline_mode = #tpu.pipeline_mode<synchronous>, transform_indices = @transform_1, window_bounds = array<i64: 1, 16>}, {pipeline_mode = #tpu.pipeline_mode<synchronous>, transform_indices = @transform_2, window_bounds = array<i64: 1, 16>}, {pipeline_mode = #tpu.pipeline_mode<synchronous>, transform_indices = @transform_3, window_bounds = array<i64: 1, 16>}, {pipeline_mode = #tpu.pipeline_mode<synchronous>, transform_indices = @transform_4, window_bounds = array<i64: 1, 16>}, {pipeline_mode = #tpu.pipeline_mode<synchronous>, transform_indices = @transform_5, window_bounds = array<i64: 16, 32>}, {transform_indices = @transform_6, window_bounds = array<i64: 4096, 32>}, {pipeline_mode = #tpu.pipeline_mode<synchronous>, transform_indices = @transform_7, window_bounds = array<i64: 1, 16>}, {pipeline_mode = #tpu.pipeline_mode<synchronous>, transform_indices = @transform_8, window_bounds = array<i64: 16, 16>}]} {
    %get3A = arith.constant 0 : index
    %get3A_0 = arith.constant 0 : index
    %get3A_1 = vector.load %arg2[%get3A, %get3A_0] : memref<1x16xf32, #tpu.memory_space<vmem>>, vector<1x16xf32>
    %get3A_2 = arith.constant 0 : index
    %get3A_3 = arith.constant 0 : index
    %get3A_4 = vector.load %arg3[%get3A_2, %get3A_3] : memref<1x16xf32, #tpu.memory_space<vmem>>, vector<1x16xf32>
    %get3A_5 = arith.constant 0 : index
    %get3A_6 = arith.constant 0 : index
    %get3A_7 = vector.load %arg4[%get3A_5, %get3A_6] : memref<1x16xf32, #tpu.memory_space<vmem>>, vector<1x16xf32>
    %get3A_8 = arith.constant 0 : index
    %get3A_9 = arith.constant 0 : index
    %get3A_10 = vector.load %arg5[%get3A_8, %get3A_9] : memref<1x16xf32, #tpu.memory_space<vmem>>, vector<1x16xf32>
    %div3A = arith.constant 6.553600e+04 : f32
    %div3A_11 = vector.broadcast %div3A : f32 to vector<1x16xf32>
    %div3A_12 = arith.divf %get3A_1, %div3A_11 : vector<1x16xf32>
    %div3A_13 = arith.constant 6.553600e+04 : f32
    %div3A_14 = vector.broadcast %div3A_13 : f32 to vector<1x16xf32>
    %div3A_15 = arith.divf %get3A_4, %div3A_14 : vector<1x16xf32>
    %mul3A = arith.mulf %div3A_12, %div3A_12 : vector<1x16xf32>
    %sub3A = arith.subf %div3A_15, %mul3A : vector<1x16xf32>
    %add3A = arith.constant 9.99999974E-6 : f32
    %add3A_16 = vector.broadcast %add3A : f32 to vector<1x16xf32>
    %add3A_17 = arith.addf %sub3A, %add3A_16 : vector<1x16xf32>
    %sqrt3A = math.sqrt %add3A_17 : vector<1x16xf32>
    %div3A_18 = arith.constant 1.000000e+00 : f32
    %div3A_19 = vector.broadcast %div3A_18 : f32 to vector<1x16xf32>
    %div3A_20 = arith.divf %div3A_19, %sqrt3A : vector<1x16xf32>
    %mul3A_21 = arith.mulf %get3A_7, %div3A_20 : vector<1x16xf32>
    %mul3A_22 = arith.mulf %mul3A_21, %div3A_12 : vector<1x16xf32>
    %sub3A_23 = arith.subf %get3A_10, %mul3A_22 : vector<1x16xf32>
    %get3A_24 = arith.constant 0 : index
    %get3A_25 = arith.constant 0 : index
    %get3A_26 = vector.load %arg1[%get3A_24, %get3A_25] : memref<4096x16xf32, #tpu.memory_space<vmem>>, vector<4096x16xf32>
    %mul3A_27 = vector.broadcast %mul3A_21 : vector<1x16xf32> to vector<4096x16xf32>
    %mul3A_28 = arith.mulf %mul3A_27, %get3A_26 : vector<4096x16xf32>
    %add3A_29 = vector.broadcast %sub3A_23 : vector<1x16xf32> to vector<4096x16xf32>
    %add3A_30 = arith.addf %mul3A_28, %add3A_29 : vector<4096x16xf32>
    %max3A = arith.constant 0.000000e+00 : f32
    %max3A_31 = vector.broadcast %max3A : f32 to vector<4096x16xf32>
    %max3A_32 = arith.maximumf %add3A_30, %max3A_31 : vector<4096x16xf32>
    %get3A_33 = arith.constant 0 : index
    %get3A_34 = arith.constant 0 : index
    %get3A_35 = vector.load %arg6[%get3A_33, %get3A_34] : memref<16x32xf32, #tpu.memory_space<vmem>>, vector<16x32xf32>
    %dot_general3A = arith.constant dense<0.000000e+00> : vector<4096x32xf32>
    %dot_general3A_36 = tpu.matmul %max3A_32, %get3A_35, %dot_general3A {dimension_numbers = #tpu.dot_dimension_numbers<[1], [0], [0], [1], [0, 0, 1, 1], [], []>, transpose_lhs_hint = false} : vector<4096x16xf32>, vector<16x32xf32>, vector<4096x32xf32> -> vector<4096x32xf32>
    %swap3A = arith.constant 0 : index
    %swap3A_37 = arith.constant 0 : index
    %swap3A_38 = vector.load %arg7[%swap3A, %swap3A_37] : memref<4096x32xf32, #tpu.memory_space<vmem>>, vector<4096x32xf32>
    tpu.vector_store %arg7[%swap3A, %swap3A_37], %dot_general3A_36 {strides = array<i32>} : memref<4096x32xf32, #tpu.memory_space<vmem>>, vector<4096x32xf32>,
    %eq3A = arith.constant 0 : i32
    %eq3A_39 = arith.cmpi eq, %arg0, %eq3A : i32
    %convert_element_type3A = arith.extui %eq3A_39 : i1 to i32
    %cond3A = arith.constant 0 : i32
    %cond3A_40 = arith.cmpi ne, %convert_element_type3A, %cond3A : i32
    scf.if %cond3A_40 {
      %broadcast_in_dim3A_58 = arith.constant 0.000000e+00 : f32
      %broadcast_in_dim3A_59 = vector.broadcast %broadcast_in_dim3A_58 : f32 to vector<1x16xf32>
      %swap3A_60 = arith.constant 0 : index
      %swap3A_61 = arith.constant 0 : index
      %swap3A_62 = vector.load %arg8[%swap3A_60, %swap3A_61] : memref<1x16xf32, #tpu.memory_space<vmem>>, vector<1x16xf32>
      tpu.vector_store %arg8[%swap3A_60, %swap3A_61], %broadcast_in_dim3A_59 {strides = array<i32>} : memref<1x16xf32, #tpu.memory_space<vmem>>, vector<1x16xf32>,
      %broadcast_in_dim3A_63 = arith.constant 0.000000e+00 : f32
      %broadcast_in_dim3A_64 = vector.broadcast %broadcast_in_dim3A_63 : f32 to vector<16x16xf32>
      %swap3A_65 = arith.constant 0 : index
      %swap3A_66 = arith.constant 0 : index
      %swap3A_67 = vector.load %arg9[%swap3A_65, %swap3A_66] : memref<16x16xf32, #tpu.memory_space<vmem>>, vector<16x16xf32>
      tpu.vector_store %arg9[%swap3A_65, %swap3A_66], %broadcast_in_dim3A_64 {strides = array<i32>} : memref<16x16xf32, #tpu.memory_space<vmem>>, vector<16x16xf32>,
    } else {
    }
    %get3A_41 = arith.constant 0 : index
    %get3A_42 = arith.constant 0 : index
    %get3A_43 = vector.load %arg8[%get3A_41, %get3A_42] : memref<1x16xf32, #tpu.memory_space<vmem>>, vector<1x16xf32>
    %reduce_sum3A = arith.constant dense<0.000000e+00> : vector<16xf32>
    %reduce_sum3A_44 = vector.multi_reduction <add>, %max3A_32, %reduce_sum3A [0] : vector<4096x16xf32> to vector<16xf32>
    %broadcast_in_dim3A = vector.shape_cast %reduce_sum3A_44 : vector<16xf32> to vector<1x16xf32>
    %add3A_45 = arith.addf %get3A_43, %broadcast_in_dim3A : vector<1x16xf32>
    %swap3A_46 = arith.constant 0 : index
    %swap3A_47 = arith.constant 0 : index
    %swap3A_48 = vector.load %arg8[%swap3A_46, %swap3A_47] : memref<1x16xf32, #tpu.memory_space<vmem>>, vector<1x16xf32>
    tpu.vector_store %arg8[%swap3A_46, %swap3A_47], %add3A_45 {strides = array<i32>} : memref<1x16xf32, #tpu.memory_space<vmem>>, vector<1x16xf32>,
    %get3A_49 = arith.constant 0 : index
    %get3A_50 = arith.constant 0 : index
    %get3A_51 = vector.load %arg9[%get3A_49, %get3A_50] : memref<16x16xf32, #tpu.memory_space<vmem>>, vector<16x16xf32>
    %dot_general3A_52 = arith.constant dense<0.000000e+00> : vector<16x16xf32>
    %dot_general3A_53 = tpu.matmul %max3A_32, %max3A_32, %dot_general3A_52 {dimension_numbers = #tpu.dot_dimension_numbers<[0], [0], [1], [1], [0, 1, 1, 1], [], []>, transpose_lhs_hint = false} : vector<4096x16xf32>, vector<4096x16xf32>, vector<16x16xf32> -> vector<16x16xf32>
    %add3A_54 = arith.addf %get3A_51, %dot_general3A_53 : vector<16x16xf32>
    %swap3A_55 = arith.constant 0 : index
    %swap3A_56 = arith.constant 0 : index
    %swap3A_57 = vector.load %arg9[%swap3A_55, %swap3A_56] : memref<16x16xf32, #tpu.memory_space<vmem>>, vector<16x16xf32>
    tpu.vector_store %arg9[%swap3A_55, %swap3A_56], %add3A_54 {strides = array<i32>} : memref<16x16xf32, #tpu.memory_space<vmem>>, vector<16x16xf32>,
    return
  }
  func.func @transform_0(%arg0: i32) -> (i32, i32) {
    %c0_i32 = arith.constant 0 : i32
    %c0_i32_0 = arith.constant 0 : i32
    return %arg0, %c0_i32 : i32, i32
  }
  func.func @transform_1(%arg0: i32) -> (i32, i32) {
    %c0_i32 = arith.constant 0 : i32
    %c0_i32_0 = arith.constant 0 : i32
    %c0_i32_1 = arith.constant 0 : i32
    return %c0_i32, %c0_i32_0 : i32, i32
  }
  func.func @transform_2(%arg0: i32) -> (i32, i32) {
    %c0_i32 = arith.constant 0 : i32
    %c0_i32_0 = arith.constant 0 : i32
    %c0_i32_1 = arith.constant 0 : i32
    return %c0_i32, %c0_i32_0 : i32, i32
  }
  func.func @transform_3(%arg0: i32) -> (i32, i32) {
    %c0_i32 = arith.constant 0 : i32
    %c0_i32_0 = arith.constant 0 : i32
    %c0_i32_1 = arith.constant 0 : i32
    return %c0_i32, %c0_i32_0 : i32, i32
  }
  func.func @transform_4(%arg0: i32) -> (i32, i32) {
    %c0_i32 = arith.constant 0 : i32
    %c0_i32_0 = arith.constant 0 : i32
    %c0_i32_1 = arith.constant 0 : i32
    return %c0_i32, %c0_i32_0 : i32, i32
  }
  func.func @transform_5(%arg0: i32) -> (i32, i32) {
    %c0_i32 = arith.constant 0 : i32
    %c0_i32_0 = arith.constant 0 : i32
    %c0_i32_1 = arith.constant 0 : i32
    return %c0_i32, %c0_i32_0 : i32, i32
  }
  func.func @transform_6(%arg0: i32) -> (i32, i32) {
    %c0_i32 = arith.constant 0 : i32
    %c0_i32_0 = arith.constant 0 : i32
    return %arg0, %c0_i32 : i32, i32
  }
  func.func @transform_7(%arg0: i32) -> (i32, i32) {
    %c0_i32 = arith.constant 0 : i32
    %c0_i32_0 = arith.constant 0 : i32
    %c0_i32_1 = arith.constant 0 : i32
    return %c0_i32, %c0_i32_0 : i32, i32
  }
  func.func @transform_8(%arg0: i32) -> (i32, i32) {
    %c0_i32 = arith.constant 0 : i32
    %c0_i32_0 = arith.constant 0 : i32
    %c0_i32_1 = arith.constant 0 : i32
    return %c0_i32, %c0_i32_0 : i32, i32
  }
}

module attributes {stable_mosaic.version = 14 : i64} {
  func.func @_p8_body(%arg0: i32, %arg1: memref<4096x32xf32, #tpu.memory_space<vmem>>, %arg2: memref<4096x32xf32, #tpu.memory_space<vmem>>, %arg3: memref<1x16xf32, #tpu.memory_space<vmem>>, %arg4: memref<16x16xf32, #tpu.memory_space<vmem>>, %arg5: memref<16x32xf32, #tpu.memory_space<vmem>>, %arg6: memref<1x32xf32, #tpu.memory_space<vmem>>, %arg7: memref<1x32xf32, #tpu.memory_space<vmem>>, %arg8: memref<4096x32xf32, #tpu.memory_space<vmem>>) attributes {dimension_semantics = [#tpu.dimension_semantics<arbitrary>], iteration_bounds = array<i64: 16>, scalar_prefetch = 0 : i64, scratch_operands = 0 : i64, tpu.core_type = #tpu.core_type<tc>, window_params = [{transform_indices = @transform_0, window_bounds = array<i64: 4096, 32>}, {transform_indices = @transform_1, window_bounds = array<i64: 4096, 32>}, {pipeline_mode = #tpu.pipeline_mode<synchronous>, transform_indices = @transform_2, window_bounds = array<i64: 1, 16>}, {pipeline_mode = #tpu.pipeline_mode<synchronous>, transform_indices = @transform_3, window_bounds = array<i64: 16, 16>}, {pipeline_mode = #tpu.pipeline_mode<synchronous>, transform_indices = @transform_4, window_bounds = array<i64: 16, 32>}, {pipeline_mode = #tpu.pipeline_mode<synchronous>, transform_indices = @transform_5, window_bounds = array<i64: 1, 32>}, {pipeline_mode = #tpu.pipeline_mode<synchronous>, transform_indices = @transform_6, window_bounds = array<i64: 1, 32>}, {transform_indices = @transform_7, window_bounds = array<i64: 4096, 32>}]} {
    %get3A = arith.constant 0 : index
    %get3A_0 = arith.constant 0 : index
    %get3A_1 = vector.load %arg3[%get3A, %get3A_0] : memref<1x16xf32, #tpu.memory_space<vmem>>, vector<1x16xf32>
    %div3A = arith.constant 6.553600e+04 : f32
    %div3A_2 = vector.broadcast %div3A : f32 to vector<1x16xf32>
    %div3A_3 = arith.divf %get3A_1, %div3A_2 : vector<1x16xf32>
    %get3A_4 = arith.constant 0 : index
    %get3A_5 = arith.constant 0 : index
    %get3A_6 = vector.load %arg4[%get3A_4, %get3A_5] : memref<16x16xf32, #tpu.memory_space<vmem>>, vector<16x16xf32>
    %div3A_7 = arith.constant 6.553600e+04 : f32
    %div3A_8 = vector.broadcast %div3A_7 : f32 to vector<16x16xf32>
    %div3A_9 = arith.divf %get3A_6, %div3A_8 : vector<16x16xf32>
    %get3A_10 = arith.constant 0 : index
    %get3A_11 = arith.constant 0 : index
    %get3A_12 = vector.load %arg5[%get3A_10, %get3A_11] : memref<16x32xf32, #tpu.memory_space<vmem>>, vector<16x32xf32>
    %get3A_13 = arith.constant 0 : index
    %get3A_14 = arith.constant 0 : index
    %get3A_15 = vector.load %arg6[%get3A_13, %get3A_14] : memref<1x32xf32, #tpu.memory_space<vmem>>, vector<1x32xf32>
    %get3A_16 = arith.constant 0 : index
    %get3A_17 = arith.constant 0 : index
    %get3A_18 = vector.load %arg7[%get3A_16, %get3A_17] : memref<1x32xf32, #tpu.memory_space<vmem>>, vector<1x32xf32>
    %dot_general3A = arith.constant dense<0.000000e+00> : vector<1x32xf32>
    %dot_general3A_19 = tpu.matmul %div3A_3, %get3A_12, %dot_general3A {dimension_numbers = #tpu.dot_dimension_numbers<[1], [0], [0], [1], [0, 0, 1, 1], [], []>, transpose_lhs_hint = false} : vector<1x16xf32>, vector<16x32xf32>, vector<1x32xf32> -> vector<1x32xf32>
    %dot_general3A_20 = arith.constant dense<0.000000e+00> : vector<16x32xf32>
    %dot_general3A_21 = tpu.matmul %div3A_9, %get3A_12, %dot_general3A_20 {dimension_numbers = #tpu.dot_dimension_numbers<[1], [0], [0], [1], [0, 0, 1, 1], [], []>, transpose_lhs_hint = false} : vector<16x16xf32>, vector<16x32xf32>, vector<16x32xf32> -> vector<16x32xf32>
    %mul3A = arith.mulf %dot_general3A_21, %get3A_12 : vector<16x32xf32>
    %reduce_sum3A = arith.constant dense<0.000000e+00> : vector<32xf32>
    %reduce_sum3A_22 = vector.multi_reduction <add>, %mul3A, %reduce_sum3A [0] : vector<16x32xf32> to vector<32xf32>
    %broadcast_in_dim3A = vector.shape_cast %reduce_sum3A_22 : vector<32xf32> to vector<1x32xf32>
    %mul3A_23 = arith.mulf %dot_general3A_19, %dot_general3A_19 : vector<1x32xf32>
    %sub3A = arith.subf %broadcast_in_dim3A, %mul3A_23 : vector<1x32xf32>
    %add3A = arith.constant 9.99999974E-6 : f32
    %add3A_24 = vector.broadcast %add3A : f32 to vector<1x32xf32>
    %add3A_25 = arith.addf %sub3A, %add3A_24 : vector<1x32xf32>
    %sqrt3A = math.sqrt %add3A_25 : vector<1x32xf32>
    %div3A_26 = arith.constant 1.000000e+00 : f32
    %div3A_27 = vector.broadcast %div3A_26 : f32 to vector<1x32xf32>
    %div3A_28 = arith.divf %div3A_27, %sqrt3A : vector<1x32xf32>
    %mul3A_29 = arith.mulf %get3A_15, %div3A_28 : vector<1x32xf32>
    %mul3A_30 = arith.mulf %mul3A_29, %dot_general3A_19 : vector<1x32xf32>
    %sub3A_31 = arith.subf %get3A_18, %mul3A_30 : vector<1x32xf32>
    %get3A_32 = arith.constant 0 : index
    %get3A_33 = arith.constant 0 : index
    %get3A_34 = vector.load %arg1[%get3A_32, %get3A_33] : memref<4096x32xf32, #tpu.memory_space<vmem>>, vector<4096x32xf32>
    %mul3A_35 = vector.broadcast %mul3A_29 : vector<1x32xf32> to vector<4096x32xf32>
    %mul3A_36 = arith.mulf %mul3A_35, %get3A_34 : vector<4096x32xf32>
    %add3A_37 = vector.broadcast %sub3A_31 : vector<1x32xf32> to vector<4096x32xf32>
    %add3A_38 = arith.addf %mul3A_36, %add3A_37 : vector<4096x32xf32>
    %get3A_39 = arith.constant 0 : index
    %get3A_40 = arith.constant 0 : index
    %get3A_41 = vector.load %arg2[%get3A_39, %get3A_40] : memref<4096x32xf32, #tpu.memory_space<vmem>>, vector<4096x32xf32>
    %add3A_42 = arith.addf %add3A_38, %get3A_41 : vector<4096x32xf32>
    %gt3A = arith.constant 0.000000e+00 : f32
    %gt3A_43 = vector.broadcast %gt3A : f32 to vector<4096x32xf32>
    %gt3A_44 = arith.cmpf ogt, %add3A_42, %gt3A_43 : vector<4096x32xf32>
    %mul3A_45 = arith.constant 2.000000e-01 : f32
    %mul3A_46 = vector.broadcast %mul3A_45 : f32 to vector<4096x32xf32>
    %mul3A_47 = arith.mulf %mul3A_46, %add3A_42 : vector<4096x32xf32>
    %select_n3A = arith.select %gt3A_44, %add3A_42, %mul3A_47 : vector<4096x32xi1>, vector<4096x32xf32>
    %swap3A = arith.constant 0 : index
    %swap3A_48 = arith.constant 0 : index
    %swap3A_49 = vector.load %arg8[%swap3A, %swap3A_48] : memref<4096x32xf32, #tpu.memory_space<vmem>>, vector<4096x32xf32>
    tpu.vector_store %arg8[%swap3A, %swap3A_48], %select_n3A {strides = array<i32>} : memref<4096x32xf32, #tpu.memory_space<vmem>>, vector<4096x32xf32>,
    return
  }
  func.func @transform_0(%arg0: i32) -> (i32, i32) {
    %c0_i32 = arith.constant 0 : i32
    %c0_i32_0 = arith.constant 0 : i32
    return %arg0, %c0_i32 : i32, i32
  }
  func.func @transform_1(%arg0: i32) -> (i32, i32) {
    %c0_i32 = arith.constant 0 : i32
    %c0_i32_0 = arith.constant 0 : i32
    return %arg0, %c0_i32 : i32, i32
  }
  func.func @transform_2(%arg0: i32) -> (i32, i32) {
    %c0_i32 = arith.constant 0 : i32
    %c0_i32_0 = arith.constant 0 : i32
    %c0_i32_1 = arith.constant 0 : i32
    return %c0_i32, %c0_i32_0 : i32, i32
  }
  func.func @transform_3(%arg0: i32) -> (i32, i32) {
    %c0_i32 = arith.constant 0 : i32
    %c0_i32_0 = arith.constant 0 : i32
    %c0_i32_1 = arith.constant 0 : i32
    return %c0_i32, %c0_i32_0 : i32, i32
  }
  func.func @transform_4(%arg0: i32) -> (i32, i32) {
    %c0_i32 = arith.constant 0 : i32
    %c0_i32_0 = arith.constant 0 : i32
    %c0_i32_1 = arith.constant 0 : i32
    return %c0_i32, %c0_i32_0 : i32, i32
  }
  func.func @transform_5(%arg0: i32) -> (i32, i32) {
    %c0_i32 = arith.constant 0 : i32
    %c0_i32_0 = arith.constant 0 : i32
    %c0_i32_1 = arith.constant 0 : i32
    return %c0_i32, %c0_i32_0 : i32, i32
  }
  func.func @transform_6(%arg0: i32) -> (i32, i32) {
    %c0_i32 = arith.constant 0 : i32
    %c0_i32_0 = arith.constant 0 : i32
    %c0_i32_1 = arith.constant 0 : i32
    return %c0_i32, %c0_i32_0 : i32, i32
  }
  func.func @transform_7(%arg0: i32) -> (i32, i32) {
    %c0_i32 = arith.constant 0 : i32
    %c0_i32_0 = arith.constant 0 : i32
    return %arg0, %c0_i32 : i32, i32
  }
}

</mosaic_0001>

<sc_bundles>
// kernel: kernel.12.cloned.1.call-start
scs
__scs_entry_jumppad:
0x0: {  	(pc) =	sbr.rel $0x88, $3  }
0x1: {  	(tag) =	ssettag $0x0;
	lr =	simm.s32 $0x1  }
0x2: {  	[smem:$0x3F83] =	sst lr;
	_ =	strace $0xD0000000  }
0x3: {  	_ = 	snop  }
0x4: {  	_ = 	snop  }
0x5: {  	_ = 	snop  }
0x6: {  	_ = 	snop  }
0x7: {  	_ = 	snop  }
__scs_overlays_trampoline_lowered:
0x8: {  	[smem:$0x3F92] =	sst s0  }
0x9: {  	[smem:$0x3F93] =	sst s1  }
0xa: {  	[smem:$0x3F94] =	sst s2  }
0xb: {  	[smem:$0x3F95] =	sst s3  }
0xc: {  	[smem:$0x3F96] =	sst s4  }
0xd: {  	[smem:$0x3F97] =	sst s5  }
0xe: {  	[smem:$0x3F98] =	sst s6  }
0xf: {  	[smem:$0x3F99] =	sst s7  }
0x10: {  	[smem:$0x3F9A] =	sst s8  }
0x11: {  	[smem:$0x3F9B] =	sst s9;
	s0 =	simm.s32 @!p0 $0x0  }
0x12: {  	s1 =	sld [smem:$0x3F81];
	s0 =	simm.s32 @p0 $0x1  }
0x13: {  	[smem:$0x3F9C] =	sst s0;
	s0 =	simm.s32 @!p1 $0x0  }
0x14: {  	s2 =	sld [smem:$0x3F80];
	s0 =	simm.s32 @p1 $0x1  }
0x15: {  	[smem:$0x3F9D] =	sst s0;
	s0 =	simm.s32 @!p2 $0x0  }
0x16: {  	s3 =	sld [smem:$0x3FDB];
	s0 =	simm.s32 @p2 $0x1  }
0x17: {  	s4 =	simm.s32 $0x1BF5;
	[smem:$0x3F9F] =	sst s0  }
0x18: {  	s0 =	sld [smem:$0x3F82];
	_ =	swait.ge [sflag:s4], $0x0  }
0x19: {  	s7 =	sld [smem:$0x3F83]  }
0x1a: {  	s8 =	sadd.s32 $0xFFFFE003, lr  }
0x1b: {  	s9 =	sadd.s32 $0xFFFFFEF7, lr;
	s5 =	simm.s32 $0xFFFFFFFF;
	p2 =	slt.u32 s8, $0xFFFFF086  }
0x1c: {  	p1 =	slt.u32 s9, $0xF7A;
	s5 =	simm.s32 @!p2 $0x0  }
0x1d: {  	s5 =	simm.s32 @p1 $0x1;
	p0 =	seq.s32 s7, s2  }
0x1e: {  	s7 =	smul.u32 @!p0 $0xF7A, s2;
	p2 =	seq.s32 @!p0 s5, $0x0  }
0x1f: {  	s9 =	smul.u32 $0xF7A, s1;
	s8 =	simm.s32 @!p0 $0x1BF5;
	p2 =	por !p2, p0  }
0x20: {  	[sflag:s8] =	ssyncset.s32 @!p0 $0xFFFFF086;
	s6 =	sadd.s32 @!p0 s3, s7;
	s7 =	simm.s32 @!p0 $0x108  }
0x21: {  	s3 =	sadd.s32 s3, s9;
	s6 =	sadd.s32 @!p0 $0x88, s6;
	s7 =	simm.s32 @p2 $0x1082  }
0x22: {  	[simem:s7], [sflag:s8] =	dma.local @!p0 [hbm:s6], $0xF7A  }
0x23: {  	s9 =	sor.u32 $0xD0000000, s2;
	s6 =	simm.s32 $0x108;
	_ =	swait.ge @!p0 [sflag:s8], $0x0  }
0x24: {  	s3 =	sadd.s32 $0x88, s3;
	s6 =	simm.s32 @!p1 $0x1082;
	[sflag:s4] =	ssyncset.s32 $0xFFFFF086  }
0x25: {  	[simem:s6], [sflag:s4] =	dma.local [hbm:s3], $0xF7A  }
0x26: {  	[smem:$0x3F83] =	sst s1;
	(tag) =	ssettag s2;
	_ =	strace s9  }
0x27: {  	s1 =	sld [smem:$0x3F93]  }
0x28: {  	s2 =	sld [smem:$0x3F94]  }
0x29: {  	s4 =	sld [smem:$0x3F96]  }
0x2a: {  	p0 =	seq.s32 s5, $0x0;
	s5 =	sld [smem:$0x3F97]  }
0x2b: {  	s6 =	sld [smem:$0x3F98]  }
0x2c: {  	s7 =	sld [smem:$0x3F99]  }
0x2d: {  	s3 =	simm.s32 $0x108;
	s8 =	sld [smem:$0x3F9A]  }
0x2e: {  	s3 =	simm.s32 @!p0 $0x1082;
	s9 =	sld [smem:$0x3F9B]  }
0x2f: {  	lr =	sadd.s32 s0, s3;
	s0 =	sld [smem:$0x3F92]  }
0x30: {  	s3 =	sld [smem:$0x3F95]  }
0x31: {  	[smem:$0x3F9E] =	sst s10  }
0x32: {  	s10 =	sld [smem:$0x3F9C];
	_ =	sdelay $0x3  }
0x33: {  	p0 =	seq.s32 s10, $0x1;
	s10 =	sld [smem:$0x3F9E];
	_ =	sdelay $0x3  }
0x34: {  	[smem:$0x3F9E] =	sst s10  }
0x35: {  	s10 =	sld [smem:$0x3F9D];
	_ =	sdelay $0x3  }
0x36: {  	p1 =	seq.s32 s10, $0x1;
	s10 =	sld [smem:$0x3F9E];
	_ =	sdelay $0x3  }
0x37: {  	[smem:$0x3F9E] =	sst s10  }
0x38: {  	s10 =	sld [smem:$0x3F9F]  }
0x39: {  	_ = 	snop;
	(pc) =	sbr.ind lr, $3  }
0x3a: {  	_ = 	snop  }
0x3b: {  	_ = 	snop  }
0x3c: {  	p2 =	seq.s32 s10, $0x1;
	s10 =	sld [smem:$0x3F9E]  }
0x3d: {  	_ =	shalt  }
0x3e: {  	_ =	shalt  }
0x3f: {  	_ =	shalt  }
0x40: {  	_ =	shalt  }
0x41: {  	_ =	shalt  }
0x42: {  	_ =	shalt  }
0x43: {  	_ =	shalt  }
0x44: {  	_ =	shalt  }
0x45: {  	_ =	shalt  }
0x46: {  	_ =	shalt  }
0x47: {  	_ =	shalt  }
0x48: {  	_ =	shalt  }
0x49: {  	_ =	shalt  }
0x4a: {  	_ =	shalt  }
0x4b: {  	_ =	shalt  }
0x4c: {  	_ =	shalt  }
0x4d: {  	_ =	shalt  }
0x4e: {  	_ =	shalt  }
0x4f: {  	_ =	shalt  }
0x50: {  	_ =	shalt  }
0x51: {  	_ =	shalt  }
0x52: {  	_ =	shalt  }
0x53: {  	_ =	shalt  }
0x54: {  	_ =	shalt  }
0x55: {  	_ =	shalt  }
0x56: {  	_ =	shalt  }
0x57: {  	_ =	shalt  }
0x58: {  	_ =	shalt  }
0x59: {  	_ =	shalt  }
0x5a: {  	_ =	shalt  }
0x5b: {  	_ =	shalt  }
0x5c: {  	_ =	shalt  }
0x5d: {  	_ =	shalt  }
0x5e: {  	_ =	shalt  }
0x5f: {  	_ =	shalt  }
0x60: {  	_ =	shalt  }
0x61: {  	_ =	shalt  }
0x62: {  	_ =	shalt  }
0x63: {  	_ =	shalt  }
0x64: {  	_ =	shalt  }
0x65: {  	_ =	shalt  }
0x66: {  	_ =	shalt  }
0x67: {  	_ =	shalt  }
0x68: {  	_ =	shalt  }
0x69: {  	_ =	shalt  }
0x6a: {  	_ =	shalt  }
0x6b: {  	_ =	shalt  }
0x6c: {  	_ =	shalt  }
0x6d: {  	_ =	shalt  }
0x6e: {  	_ =	shalt  }
0x6f: {  	_ =	shalt  }
0x70: {  	_ =	shalt  }
0x71: {  	_ =	shalt  }
0x72: {  	_ =	shalt  }
0x73: {  	_ =	shalt  }
0x74: {  	_ =	shalt  }
0x75: {  	_ =	shalt  }
0x76: {  	_ =	shalt  }
0x77: {  	_ =	shalt  }
0x78: {  	_ =	shalt  }
0x79: {  	_ =	shalt  }
0x7a: {  	_ =	shalt  }
0x7b: {  	_ =	shalt  }
0x7c: {  	_ =	shalt  }
0x7d: {  	_ =	shalt  }
0x7e: {  	_ =	shalt  }
0x7f: {  	_ =	shalt  }
0x80: {  	_ =	shalt  }
0x81: {  	_ =	shalt  }
0x82: {  	_ =	shalt  }
0x83: {  	_ =	shalt  }
0x84: {  	_ =	shalt  }
0x85: {  	_ =	shalt  }
0x86: {  	_ =	shalt  }
0x87: {  	_ =	shalt  }
.Lfunc_end0:
.L_simem_size_0:
called_computation_lowered:
.L_overlay_start_0:
0x88: {  	s2 =	sld [smem:$0x3FD9]  }
0x89: {  	s3 =	sld [smem:$0x3FFE];
	_ =	sdelay $0x1  }
0x8a: {  	s1 =	srdreg.scid  }
0x8b: {  	s0 =	sand.u32 $0x1, s1  }
0x8c: {  	s17 =	sshll.u32 s0, $0xA;
	s2 =	sadd.s32 s3, s2  }
0x8d: {  	s2 =	sadd.s32 s2, s17  }
0x8e: {  	[smem:$0x3FAA] =	sst s2  }
0x8f: {  	_ = 	snop  }
0x90: {  	s2 =	sld [smem:$0x3FD0];
	(tm) =	ssettm $0x1  }
0x91: {  	s18 =	sld [smem:$0x3FFB];
	_ =	sdelay $0x3  }
0x92: {  	_ =	strace s18  }
0x93: {  	s3 =	sld [smem:$0x3FFC];
	_ =	sdelay $0x3  }
0x94: {  	_ =	strace s3  }
0x95: {  	s3 =	sld [smem:$0x3FFD];
	_ =	sdelay $0x3  }
0x96: {  	_ =	strace s3  }
0x97: {  	_ =	strace $0x8FFFFFFF  }
0x98: {  	s19 =	sld [smem:$0x3FDB];
	_ =	sdelay $0x1  }
0x99: {  	s4 =	simm.s32 $_scs_section_size  }
0x9a: {  	s5 =	simm.s32 $_size__tile_overlayer_lowered;
	s6 =	simm.s32 $_tile_overlayer_lowered  }
0x9b: {  	s22 =	simm.s32 $0x1BFF;
	s21 =	sshll.u32 s6, $0x1;
	s3 =	sadd.s32 s4, s19  }
0x9c: {  	s7 =	simm.s32 $0x0;
	s20 =	sshll.u32 s5, $0x1;
	s5 =	sadd.s32 s21, s3  }
0x9d: {  	[timem:s7], [sflag:s22] =	dma.local [hbm:s5], s20  }
0x9e: {  	_ =	swait.ge [sflag:s22], s20  }
0x9f: {  	s4 =	ssub.s32 $0x0, s20;
	[sflag:s22] =	ssyncset.done $0x0  }
0xa0: {  	[sflag:s22] =	ssyncadd.s32 s4;
	_ =	sdelay $0x1  }
0xa1: {  	s23 =	simm.s32 $0x1B8B  }
0xa2: {  	_ =	swait.ge [sflag:s23], $0x1  }
0xa3: {  	[sflag:s23] =	ssyncset.done $0x0  }
0xa4: {  	s25 =	simm.s32 $0x1B8E;
	s24 =	sld [smem:$0x3FFE];
	[sflag:s23] =	ssyncadd.s32 $0xFFFFFFFF  }
0xa5: {  	s26 =	simm.s32 $execute0_lowered;
	[smem:$0x3FD2] =	sst s25  }
0xa6: {  	s5 =	sshll.u32 s26, $0x1;
	_ =	strace $0x80000046;
	[dreg:$0x1] =	wrdreg $0xFFFFFFFF  }
0xa7: {  	s28 =	simm.s32 $_size_execute0_lowered;
	s3 =	sadd.s32 s3, s5;
	[dreg:$0x0] =	wrdreg $0x0  }
0xa8: {  	s5 =	sshll.u32 s28, $0x1;
	[dreg:$0x2] =	wrdreg s3  }
0xa9: {  	[dreg:$0x3] =	wrdreg s5  }
0xaa: {  	[dreg:$0x4] =	wrdreg $0xC0  }
0xab: {  	_ =	task [dreg:s7], $0x5FFFF  }
0xac: {  	[dreg:$0x1] =	wrdreg $0xFFFFFFFF  }
0xad: {  	[dreg:$0x0] =	wrdreg $0x60  }
0xae: {  	[dreg:$0x2] =	wrdreg s2  }
0xaf: {  	[dreg:$0x3] =	wrdreg s24  }
0xb0: {  	[dreg:$0x4] =	wrdreg $0x9  }
0xb1: {  	_ =	task.clear_ibuf [dreg:s7], $0x5FFFF;
	_ =	strace $0x90000046  }
0xb2: {  	s29 =	simm.s32 $0x9;
	_ =	strace $0x80000048  }
0xb3: {  	_ =	swait.ge [sflag:s29], $0x1  }
0xb4: {  	[sflag:s29] =	ssyncadd.s32 $0xFFFFFFFF  }
0xb5: {  	_ =	strace $0x90000048  }
0xb6: {  	_ =	sfence  }
0xb7: {  	s30 =	sld [smem:$0x0];
	_ =	sdelay $0x2  }
0xb8: {  	s31 =	sshll.u32 s1, $0xD;
	s1 =	sshrl.u32 s1, $0x2  }
0xb9: {  	s3 =	sand.u32 $0x4000, s31;
	s1 =	sadd.s32 s1, s30  }
0xba: {  	s0 =	sor.u32 s3, s0;
	s1 =	sshll.u32 s1, $0x11  }
0xbb: {  	s0 =	sor.u32 s1, s0  }
0xbc: {  	s0 =	sadd.s32 $0x8F2B, s0  }
0xbd: {  	[sflag:s0] =	ssyncadd.remote.s32 $0x1  }
0xbe: {  	_ =	sfence.sel $0xFFFF  }
0xbf: {  	[dreg:$0x0] =	wrdreg $0xFFFFFFFF;
	(pc) =	sbr.abs _section_cstart, $3  }
0xc0: {  	[dreg:$0x1] =	wrdreg $0xFFFFFFFF  }
0xc1: {  	_ =	task.clear_ibuf [dreg:s7], $0x2FFFF;
	_ =	strace $0x9FFFFFFF  }
0xc2: {  	(tm) =	ssettm $0x7FFFFFFF  }
0xc3: {  	_ =	shalt  }
tec
execute0_lowered:
.L_overlay_start_1:
0x0: {  	(tag) =	ssettag $0x1  }
0x1: {  	s1 =	srdreg.scid  }
0x2: {  	s2 =	rddreg [dreg:$0x0];
	s0 =	stileid.u32;
	s22 =	sand.u32 $0x1, s1  }
0x3: {  	s8 =	rddreg [dreg:$0x1];
	s4 =	sshll.u32 s0, $0x10;
	s5 =	sshll.u32 s22, $0xF  }
0x4: {  	s3 =	simm.s32 $0x0;
	s1 =	rddreg [dreg:$0x2];
	s24 =	sor.u32 s5, s4  }
0x5: {  	[smem:$0x7FF] =	sst s3;
	s21 =	sadd.s32 $0x208600, s8;
	s4 =	sshrl.u32 s24, $0x3  }
0x6: {  	_ =	strace $0x80000047;
	s5 =	sadd.s32 s21, s4;
	s4 =	simm.s32 $0x2  }
0x7: {  	[tilespmem:s3], [sflag:$0x2] =	stream.linear.gather [hbm4b:s5+s3], $0x1000, $0x38;
	[tilespmem:$0x11000] =	vst v63  }
0x8: {  	_ =	swait.ge [sflag:s4], $0x1000  }
0x9: {  	[sflag:s4] =	ssyncset.done $0x0  }
0xa: {  	s6 =	simm.s32 $0x1000;
	s7 =	simm.s32 $0x1;
	[sflag:s4] =	ssyncadd.s32 $0xFFFFF000  }
0xb: {  	[tilespmem:s6], [sflag:$0x1] =	stream.indirect.gather [hbm4b:s2+s6], $0x10, s3, s6, $0xb8;
	[tilespmem:$0x11000] =	vst v63  }
0xc: {  	_ =	swait.ge [sflag:s7], $0x10000  }
0xd: {  	s23 =	sadd.s32 $0x408600, s8;
	s28 =	sshll.u32 s24, $0x1;
	[sflag:s7] =	ssyncset.done $0x0  }
0xe: {  	s8 =	sadd.s32 s23, s28;
	[sflag:s7] =	ssyncadd.s32 $0xFFFF0000  }
0xf: {  	[hbm4b:s8+s3] =	stream.linear.scatter [tilespmem:s6], [sflag:$0x2], $0x10000, $0x38;
	[tilespmem:$0x11000] =	vst v63  }
0x10: {  	s10 =	sor.u32 $0x1000, s24;
	_ =	swait.ge [sflag:s4], $0x10000  }
0x11: {  	s9 =	sshrl.u32 s10, $0x3;
	[sflag:s4] =	ssyncset.done $0x0  }
0x12: {  	s9 =	sadd.s32 s21, s9;
	[sflag:s4] =	ssyncadd.s32 $0xFFFF0000  }
0x13: {  	[tilespmem:s3], [sflag:$0x2] =	stream.linear.gather [hbm4b:s9+s3], $0x1000, $0x38;
	[tilespmem:$0x11000] =	vst v63  }
0x14: {  	_ =	swait.ge [sflag:s4], $0x1000  }
0x15: {  	[sflag:s4] =	ssyncset.done $0x0  }
0x16: {  	[sflag:s4] =	ssyncadd.s32 $0xFFFFF000  }
0x17: {  	[tilespmem:s6], [sflag:$0x1] =	stream.indirect.gather [hbm4b:s2+s6], $0x10, s3, s6, $0xb8;
	[tilespmem:$0x11000] =	vst v63  }
0x18: {  	_ =	swait.ge [sflag:s7], $0x10000  }
0x19: {  	s10 =	sshll.u32 s10, $0x1;
	[sflag:s7] =	ssyncset.done $0x0  }
0x1a: {  	s10 =	sadd.s32 s23, s10;
	[sflag:s7] =	ssyncadd.s32 $0xFFFF0000  }
0x1b: {  	[hbm4b:s10+s3] =	stream.linear.scatter [tilespmem:s6], [sflag:$0x2], $0x10000, $0x38;
	[tilespmem:$0x11000] =	vst v63  }
0x1c: {  	s12 =	sor.u32 $0x2000, s24;
	_ =	swait.ge [sflag:s4], $0x10000  }
0x1d: {  	s11 =	sshrl.u32 s12, $0x3;
	[sflag:s4] =	ssyncset.done $0x0  }
0x1e: {  	s11 =	sadd.s32 s21, s11;
	[sflag:s4] =	ssyncadd.s32 $0xFFFF0000  }
0x1f: {  	[tilespmem:s3], [sflag:$0x2] =	stream.linear.gather [hbm4b:s11+s3], $0x1000, $0x38;
	[tilespmem:$0x11000] =	vst v63  }
0x20: {  	_ =	swait.ge [sflag:s4], $0x1000  }
0x21: {  	[sflag:s4] =	ssyncset.done $0x0  }
0x22: {  	[sflag:s4] =	ssyncadd.s32 $0xFFFFF000  }
0x23: {  	[tilespmem:s6], [sflag:$0x1] =	stream.indirect.gather [hbm4b:s2+s6], $0x10, s3, s6, $0xb8;
	[tilespmem:$0x11000] =	vst v63  }
0x24: {  	_ =	swait.ge [sflag:s7], $0x10000  }
0x25: {  	s12 =	sshll.u32 s12, $0x1;
	[sflag:s7] =	ssyncset.done $0x0  }
0x26: {  	s12 =	sadd.s32 s23, s12;
	[sflag:s7] =	ssyncadd.s32 $0xFFFF0000  }
0x27: {  	[hbm4b:s12+s3] =	stream.linear.scatter [tilespmem:s6], [sflag:$0x2], $0x10000, $0x38;
	[tilespmem:$0x11000] =	vst v63  }
0x28: {  	s14 =	sor.u32 $0x3000, s24;
	_ =	swait.ge [sflag:s4], $0x10000  }
0x29: {  	s13 =	sshrl.u32 s14, $0x3;
	[sflag:s4] =	ssyncset.done $0x0  }
0x2a: {  	s13 =	sadd.s32 s21, s13;
	[sflag:s4] =	ssyncadd.s32 $0xFFFF0000  }
0x2b: {  	[tilespmem:s3], [sflag:$0x2] =	stream.linear.gather [hbm4b:s13+s3], $0x1000, $0x38;
	[tilespmem:$0x11000] =	vst v63  }
0x2c: {  	_ =	swait.ge [sflag:s4], $0x1000  }
0x2d: {  	[sflag:s4] =	ssyncset.done $0x0  }
0x2e: {  	[sflag:s4] =	ssyncadd.s32 $0xFFFFF000  }
0x2f: {  	[tilespmem:s6], [sflag:$0x1] =	stream.indirect.gather [hbm4b:s2+s6], $0x10, s3, s6, $0xb8;
	[tilespmem:$0x11000] =	vst v63  }
0x30: {  	_ =	swait.ge [sflag:s7], $0x10000  }
0x31: {  	s14 =	sshll.u32 s14, $0x1;
	[sflag:s7] =	ssyncset.done $0x0  }
0x32: {  	s14 =	sadd.s32 s23, s14;
	[sflag:s7] =	ssyncadd.s32 $0xFFFF0000  }
0x33: {  	[hbm4b:s14+s3] =	stream.linear.scatter [tilespmem:s6], [sflag:$0x2], $0x10000, $0x38;
	[tilespmem:$0x11000] =	vst v63  }
0x34: {  	s16 =	sor.u32 $0x4000, s24;
	_ =	swait.ge [sflag:s4], $0x10000  }
0x35: {  	s15 =	sshrl.u32 s16, $0x3;
	[sflag:s4] =	ssyncset.done $0x0  }
0x36: {  	s15 =	sadd.s32 s21, s15;
	[sflag:s4] =	ssyncadd.s32 $0xFFFF0000  }
0x37: {  	[tilespmem:s3], [sflag:$0x2] =	stream.linear.gather [hbm4b:s15+s3], $0x1000, $0x38;
	[tilespmem:$0x11000] =	vst v63  }
0x38: {  	_ =	swait.ge [sflag:s4], $0x1000  }
0x39: {  	[sflag:s4] =	ssyncset.done $0x0  }
0x3a: {  	[sflag:s4] =	ssyncadd.s32 $0xFFFFF000  }
0x3b: {  	[tilespmem:s6], [sflag:$0x1] =	stream.indirect.gather [hbm4b:s2+s6], $0x10, s3, s6, $0xb8;
	[tilespmem:$0x11000] =	vst v63  }
0x3c: {  	_ =	swait.ge [sflag:s7], $0x10000  }
0x3d: {  	s16 =	sshll.u32 s16, $0x1;
	[sflag:s7] =	ssyncset.done $0x0  }
0x3e: {  	s16 =	sadd.s32 s23, s16;
	[sflag:s7] =	ssyncadd.s32 $0xFFFF0000  }
0x3f: {  	[hbm4b:s16+s3] =	stream.linear.scatter [tilespmem:s6], [sflag:$0x2], $0x10000, $0x38;
	[tilespmem:$0x11000] =	vst v63  }
0x40: {  	s18 =	sor.u32 $0x5000, s24;
	_ =	swait.ge [sflag:s4], $0x10000  }
0x41: {  	s17 =	sshrl.u32 s18, $0x3;
	[sflag:s4] =	ssyncset.done $0x0  }
0x42: {  	s17 =	sadd.s32 s21, s17;
	[sflag:s4] =	ssyncadd.s32 $0xFFFF0000  }
0x43: {  	[tilespmem:s3], [sflag:$0x2] =	stream.linear.gather [hbm4b:s17+s3], $0x1000, $0x38;
	[tilespmem:$0x11000] =	vst v63  }
0x44: {  	_ =	swait.ge [sflag:s4], $0x1000  }
0x45: {  	[sflag:s4] =	ssyncset.done $0x0  }
0x46: {  	[sflag:s4] =	ssyncadd.s32 $0xFFFFF000  }
0x47: {  	[tilespmem:s6], [sflag:$0x1] =	stream.indirect.gather [hbm4b:s2+s6], $0x10, s3, s6, $0xb8;
	[tilespmem:$0x11000] =	vst v63  }
0x48: {  	_ =	swait.ge [sflag:s7], $0x10000  }
0x49: {  	s18 =	sshll.u32 s18, $0x1;
	[sflag:s7] =	ssyncset.done $0x0  }
0x4a: {  	s18 =	sadd.s32 s23, s18;
	[sflag:s7] =	ssyncadd.s32 $0xFFFF0000  }
0x4b: {  	[hbm4b:s18+s3] =	stream.linear.scatter [tilespmem:s6], [sflag:$0x2], $0x10000, $0x38;
	[tilespmem:$0x11000] =	vst v63  }
0x4c: {  	s20 =	sor.u32 $0x6000, s24;
	_ =	swait.ge [sflag:s4], $0x10000  }
0x4d: {  	s19 =	sshrl.u32 s20, $0x3;
	[sflag:s4] =	ssyncset.done $0x0  }
0x4e: {  	s19 =	sadd.s32 s21, s19;
	[sflag:s4] =	ssyncadd.s32 $0xFFFF0000  }
0x4f: {  	[tilespmem:s3], [sflag:$0x2] =	stream.linear.gather [hbm4b:s19+s3], $0x1000, $0x38;
	[tilespmem:$0x11000] =	vst v63  }
0x50: {  	_ =	swait.ge [sflag:s4], $0x1000  }
0x51: {  	[sflag:s4] =	ssyncset.done $0x0  }
0x52: {  	[sflag:s4] =	ssyncadd.s32 $0xFFFFF000  }
0x53: {  	[tilespmem:s6], [sflag:$0x1] =	stream.indirect.gather [hbm4b:s2+s6], $0x10, s3, s6, $0xb8;
	[tilespmem:$0x11000] =	vst v63  }
0x54: {  	_ =	swait.ge [sflag:s7], $0x10000  }
0x55: {  	s20 =	sshll.u32 s20, $0x1;
	[sflag:s7] =	ssyncset.done $0x0  }
0x56: {  	s20 =	sadd.s32 s23, s20;
	[sflag:s7] =	ssyncadd.s32 $0xFFFF0000  }
0x57: {  	[hbm4b:s20+s3] =	stream.linear.scatter [tilespmem:s6], [sflag:$0x2], $0x10000, $0x38;
	[tilespmem:$0x11000] =	vst v63  }
0x58: {  	s24 =	sor.u32 $0x7000, s24;
	_ =	swait.ge [sflag:s4], $0x10000  }
0x59: {  	s25 =	sshrl.u32 s24, $0x3;
	[sflag:s4] =	ssyncset.done $0x0  }
0x5a: {  	s22 =	ssub.s32 $0x2, s22;
	s21 =	sadd.s32 s21, s25;
	[sflag:s4] =	ssyncadd.s32 $0xFFFF0000  }
0x5b: {  	[tilespmem:s3], [sflag:$0x2] =	stream.linear.gather [hbm4b:s21+s3], $0x1000, $0x38;
	[tilespmem:$0x11000] =	vst v63  }
0x5c: {  	s29 =	sshrl.u32 s22, $0x1;
	_ =	swait.ge [sflag:s4], $0x1000  }
0x5d: {  	s25 =	ssub.s32 s22, s29;
	[sflag:s4] =	ssyncset.done $0x0  }
0x5e: {  	s31 =	smax.u32 s25, $0x1;
	[sflag:s4] =	ssyncadd.s32 $0xFFFFF000  }
0x5f: {  	[tilespmem:s6], [sflag:$0x1] =	stream.indirect.gather [hbm4b:s2+s6], $0x10, s3, s6, $0xb8;
	[tilespmem:$0x11000] =	vst v63  }
0x60: {  	p0 =	sne.s32 s31, $0x1;
	_ =	swait.ge [sflag:s7], $0x10000  }
.Ltmp0:
0x61: {  	s30 =	sshll.u32 s24, $0x1;
	[sflag:s7] =	ssyncset.done $0x0;
	(pc) =	sbr.rel @!p0 .LBB2_2-.Ltmp0, $4  }
0x62: {  	s22 =	sadd.s32 s23, s30;
	[sflag:s7] =	ssyncadd.s32 $0xFFFF0000  }
0x63: {  	[hbm4b:s22+s3] =	stream.linear.scatter [tilespmem:s6], [sflag:$0x2], $0x10000, $0x38;
	[tilespmem:$0x11000] =	vst v63  }
0x64: {  	_ =	swait.ge [sflag:s4], $0x10000  }
0x65: {  	s23 =	sadd.s32 $0xFFFFFFFF, s31;
	[sflag:s4] =	ssyncset.done $0x0  }
.LBB2_1:
0x66: {  	p0 =	sne.s32 s23, $0x1;
	s23 =	sadd.s32 $0xFFFFFFFF, s23;
	[sflag:s4] =	ssyncadd.s32 $0xFFFF0000  }
0x67: {  	[tilespmem:s3], [sflag:$0x2] =	stream.linear.gather [hbm4b:s5+s3], $0x1000, $0x38;
	[tilespmem:$0x11000] =	vst v63  }
0x68: {  	_ =	swait.ge [sflag:s4], $0x1000  }
0x69: {  	[sflag:s4] =	ssyncset.done $0x0  }
0x6a: {  	[sflag:s4] =	ssyncadd.s32 $0xFFFFF000  }
0x6b: {  	[tilespmem:s6], [sflag:$0x1] =	stream.indirect.gather [hbm4b:s2+s6], $0x10, s3, s6, $0xb8;
	[tilespmem:$0x11000] =	vst v63  }
0x6c: {  	_ =	swait.ge [sflag:s7], $0x10000  }
0x6d: {  	[sflag:s7] =	ssyncset.done $0x0  }
0x6e: {  	[sflag:s7] =	ssyncadd.s32 $0xFFFF0000  }
0x6f: {  	[hbm4b:s8+s3] =	stream.linear.scatter [tilespmem:s6], [sflag:$0x2], $0x10000, $0x38;
	[tilespmem:$0x11000] =	vst v63  }
0x70: {  	_ =	swait.ge [sflag:s4], $0x10000  }
0x71: {  	[sflag:s4] =	ssyncset.done $0x0  }
0x72: {  	[sflag:s4] =	ssyncadd.s32 $0xFFFF0000  }
0x73: {  	[tilespmem:s3], [sflag:$0x2] =	stream.linear.gather [hbm4b:s9+s3], $0x1000, $0x38;
	[tilespmem:$0x11000] =	vst v63  }
0x74: {  	_ =	swait.ge [sflag:s4], $0x1000  }
0x75: {  	[sflag:s4] =	ssyncset.done $0x0  }
0x76: {  	[sflag:s4] =	ssyncadd.s32 $0xFFFFF000  }
0x77: {  	[tilespmem:s6], [sflag:$0x1] =	stream.indirect.gather [hbm4b:s2+s6], $0x10, s3, s6, $0xb8;
	[tilespmem:$0x11000] =	vst v63  }
0x78: {  	_ =	swait.ge [sflag:s7], $0x10000  }
0x79: {  	[sflag:s7] =	ssyncset.done $0x0  }
0x7a: {  	[sflag:s7] =	ssyncadd.s32 $0xFFFF0000  }
0x7b: {  	[hbm4b:s10+s3] =	stream.linear.scatter [tilespmem:s6], [sflag:$0x2], $0x10000, $0x38;
	[tilespmem:$0x11000] =	vst v63  }
0x7c: {  	_ =	swait.ge [sflag:s4], $0x10000  }
0x7d: {  	[sflag:s4] =	ssyncset.done $0x0  }
0x7e: {  	[sflag:s4] =	ssyncadd.s32 $0xFFFF0000  }
0x7f: {  	[tilespmem:s3], [sflag:$0x2] =	stream.linear.gather [hbm4b:s11+s3], $0x1000, $0x38;
	[tilespmem:$0x11000] =	vst v63  }
0x80: {  	_ =	swait.ge [sflag:s4], $0x1000  }
0x81: {  	[sflag:s4] =	ssyncset.done $0x0  }
0x82: {  	[sflag:s4] =	ssyncadd.s32 $0xFFFFF000  }
0x83: {  	[tilespmem:s6], [sflag:$0x1] =	stream.indirect.gather [hbm4b:s2+s6], $0x10, s3, s6, $0xb8;
	[tilespmem:$0x11000] =	vst v63  }
0x84: {  	_ =	swait.ge [sflag:s7], $0x10000  }
0x85: {  	[sflag:s7] =	ssyncset.done $0x0  }
0x86: {  	[sflag:s7] =	ssyncadd.s32 $0xFFFF0000  }
0x87: {  	[hbm4b:s12+s3] =	stream.linear.scatter [tilespmem:s6], [sflag:$0x2], $0x10000, $0x38;
	[tilespmem:$0x11000] =	vst v63  }
0x88: {  	_ =	swait.ge [sflag:s4], $0x10000  }
0x89: {  	[sflag:s4] =	ssyncset.done $0x0  }
0x8a: {  	[sflag:s4] =	ssyncadd.s32 $0xFFFF0000  }
0x8b: {  	[tilespmem:s3], [sflag:$0x2] =	stream.linear.gather [hbm4b:s13+s3], $0x1000, $0x38;
	[tilespmem:$0x11000] =	vst v63  }
0x8c: {  	_ =	swait.ge [sflag:s4], $0x1000  }
0x8d: {  	[sflag:s4] =	ssyncset.done $0x0  }
0x8e: {  	[sflag:s4] =	ssyncadd.s32 $0xFFFFF000  }
0x8f: {  	[tilespmem:s6], [sflag:$0x1] =	stream.indirect.gather [hbm4b:s2+s6], $0x10, s3, s6, $0xb8;
	[tilespmem:$0x11000] =	vst v63  }
0x90: {  	_ =	swait.ge [sflag:s7], $0x10000  }
0x91: {  	[sflag:s7] =	ssyncset.done $0x0  }
0x92: {  	[sflag:s7] =	ssyncadd.s32 $0xFFFF0000  }
0x93: {  	[hbm4b:s14+s3] =	stream.linear.scatter [tilespmem:s6], [sflag:$0x2], $0x10000, $0x38;
	[tilespmem:$0x11000] =	vst v63  }
0x94: {  	_ =	swait.ge [sflag:s4], $0x10000  }
0x95: {  	[sflag:s4] =	ssyncset.done $0x0  }
0x96: {  	[sflag:s4] =	ssyncadd.s32 $0xFFFF0000  }
0x97: {  	[tilespmem:s3], [sflag:$0x2] =	stream.linear.gather [hbm4b:s15+s3], $0x1000, $0x38;
	[tilespmem:$0x11000] =	vst v63  }
0x98: {  	_ =	swait.ge [sflag:s4], $0x1000  }
0x99: {  	[sflag:s4] =	ssyncset.done $0x0  }
0x9a: {  	[sflag:s4] =	ssyncadd.s32 $0xFFFFF000  }
0x9b: {  	[tilespmem:s6], [sflag:$0x1] =	stream.indirect.gather [hbm4b:s2+s6], $0x10, s3, s6, $0xb8;
	[tilespmem:$0x11000] =	vst v63  }
0x9c: {  	_ =	swait.ge [sflag:s7], $0x10000  }
0x9d: {  	[sflag:s7] =	ssyncset.done $0x0  }
0x9e: {  	[sflag:s7] =	ssyncadd.s32 $0xFFFF0000  }
0x9f: {  	[hbm4b:s16+s3] =	stream.linear.scatter [tilespmem:s6], [sflag:$0x2], $0x10000, $0x38;
	[tilespmem:$0x11000] =	vst v63  }
0xa0: {  	_ =	swait.ge [sflag:s4], $0x10000  }
0xa1: {  	[sflag:s4] =	ssyncset.done $0x0  }
0xa2: {  	[sflag:s4] =	ssyncadd.s32 $0xFFFF0000  }
0xa3: {  	[tilespmem:s3], [sflag:$0x2] =	stream.linear.gather [hbm4b:s17+s3], $0x1000, $0x38;
	[tilespmem:$0x11000] =	vst v63  }
0xa4: {  	_ =	swait.ge [sflag:s4], $0x1000  }
0xa5: {  	[sflag:s4] =	ssyncset.done $0x0  }
0xa6: {  	[sflag:s4] =	ssyncadd.s32 $0xFFFFF000  }
0xa7: {  	[tilespmem:s6], [sflag:$0x1] =	stream.indirect.gather [hbm4b:s2+s6], $0x10, s3, s6, $0xb8;
	[tilespmem:$0x11000] =	vst v63  }
0xa8: {  	_ =	swait.ge [sflag:s7], $0x10000  }
0xa9: {  	[sflag:s7] =	ssyncset.done $0x0  }
0xaa: {  	[sflag:s7] =	ssyncadd.s32 $0xFFFF0000  }
0xab: {  	[hbm4b:s18+s3] =	stream.linear.scatter [tilespmem:s6], [sflag:$0x2], $0x10000, $0x38;
	[tilespmem:$0x11000] =	vst v63  }
0xac: {  	_ =	swait.ge [sflag:s4], $0x10000  }
0xad: {  	[sflag:s4] =	ssyncset.done $0x0  }
0xae: {  	[sflag:s4] =	ssyncadd.s32 $0xFFFF0000  }
0xaf: {  	[tilespmem:s3], [sflag:$0x2] =	stream.linear.gather [hbm4b:s19+s3], $0x1000, $0x38;
	[tilespmem:$0x11000] =	vst v63  }
0xb0: {  	_ =	swait.ge [sflag:s4], $0x1000  }
0xb1: {  	[sflag:s4] =	ssyncset.done $0x0  }
0xb2: {  	[sflag:s4] =	ssyncadd.s32 $0xFFFFF000  }
0xb3: {  	[tilespmem:s6], [sflag:$0x1] =	stream.indirect.gather [hbm4b:s2+s6], $0x10, s3, s6, $0xb8;
	[tilespmem:$0x11000] =	vst v63  }
0xb4: {  	_ =	swait.ge [sflag:s7], $0x10000  }
0xb5: {  	[sflag:s7] =	ssyncset.done $0x0  }
0xb6: {  	[sflag:s7] =	ssyncadd.s32 $0xFFFF0000  }
0xb7: {  	[hbm4b:s20+s3] =	stream.linear.scatter [tilespmem:s6], [sflag:$0x2], $0x10000, $0x38;
	[tilespmem:$0x11000] =	vst v63  }
0xb8: {  	_ =	swait.ge [sflag:s4], $0x10000  }
0xb9: {  	[sflag:s4] =	ssyncset.done $0x0  }
0xba: {  	[sflag:s4] =	ssyncadd.s32 $0xFFFF0000  }
0xbb: {  	[tilespmem:s3], [sflag:$0x2] =	stream.linear.gather [hbm4b:s21+s3], $0x1000, $0x38;
	[tilespmem:$0x11000] =	vst v63  }
0xbc: {  	_ =	swait.ge [sflag:s4], $0x1000  }
0xbd: {  	[sflag:s4] =	ssyncset.done $0x0  }
0xbe: {  	[sflag:s4] =	ssyncadd.s32 $0xFFFFF000  }
0xbf: {  	[tilespmem:s6], [sflag:$0x1] =	stream.indirect.gather [hbm4b:s2+s6], $0x10, s3, s6, $0xb8;
	[tilespmem:$0x11000] =	vst v63  }
0xc0: {  	_ =	swait.ge [sflag:s7], $0x10000  }
.Ltmp1:
0xc1: {  	[sflag:s7] =	ssyncset.done $0x0;
	(pc) =	sbr.rel @p0 .LBB2_1-.Ltmp1, $4  }
0xc2: {  	[sflag:s7] =	ssyncadd.s32 $0xFFFF0000  }
0xc3: {  	[hbm4b:s22+s3] =	stream.linear.scatter [tilespmem:s6], [sflag:$0x2], $0x10000, $0x38;
	[tilespmem:$0x11000] =	vst v63  }
0xc4: {  	_ =	swait.ge [sflag:s4], $0x10000  }
0xc5: {  	[sflag:s4] =	ssyncset.done $0x0  }
.LBB2_2:
0xc6: {  	[sflag:s4] =	ssyncadd.s32 $0xFFFF0000  }
0xc7: {  	_ =	sfence.sel $0x180000  }
0xc8: {  	[bflag:$0x0] =	sbarrier.arrive $0xFFFF  }
0xc9: {  	p0 =	sne.s32 s0, $0x0;
	_ =	strace $0x90000047  }
0xca: {  	s0 =	sadd.s32 @!p0 $0x100000, s1;
	[bflag:$0x2] =	sbarrier.arrive $0xFFFF  }
0xcb: {  	[sflag:s0] =	ssyncadd.tile.s32 @!p0 $0x1;
	_ =	shalt  }
.Lfunc_end2:
_tile_overlayer_lowered:
.L_overlay_start_2:
0xcc: {  	(tag) =	ssettag $0x2  }
0xcd: {  	s0 =	rddreg [dreg:$0x0];
	s2 =	stileid.u32  }
0xce: {  	s1 =	rddreg [dreg:$0x1];
	p0 =	sne.s32 s2, $0x0  }
0xcf: {  	s3 =	rddreg [dreg:$0x2];
	[bflag:$0x3] =	sbarrier.arrive $0xFFFF;
	s2 =	simm.s32 @!p0 $0x1C02  }
0xd0: {  	[timem:s3], [sflag:s2] =	dma.local @!p0 [hbm:s0], s1  }
0xd1: {  	s0 =	simm.s32 @!p0 $0x2  }
0xd2: {  	_ =	swait.ge @!p0 [sflag:s0], s1  }
0xd3: {  	s1 =	ssub.s32 @!p0 $0x0, s1;
	[sflag:s0] =	ssyncset.done @!p0 $0x0  }
0xd4: {  	[sflag:s0] =	ssyncadd.s32 @!p0 s1  }
0xd5: {  	[bflag:$0x3] =	sbarrier.arrive $0xFFFF  }
0xd6: {  	_ =	shalt  }

// kernel: kernel.15.cloned.1.call-start
scs
__scs_entry_jumppad:
0x0: {  	(pc) =	sbr.rel $0x88, $3  }
0x1: {  	(tag) =	ssettag $0x0;
	lr =	simm.s32 $0x1  }
0x2: {  	[smem:$0x3F83] =	sst lr;
	_ =	strace $0xD0000000  }
0x3: {  	_ = 	snop  }
0x4: {  	_ = 	snop  }
0x5: {  	_ = 	snop  }
0x6: {  	_ = 	snop  }
0x7: {  	_ = 	snop  }
__scs_overlays_trampoline_lowered:
0x8: {  	[smem:$0x3F92] =	sst s0  }
0x9: {  	[smem:$0x3F93] =	sst s1  }
0xa: {  	[smem:$0x3F94] =	sst s2  }
0xb: {  	[smem:$0x3F95] =	sst s3  }
0xc: {  	[smem:$0x3F96] =	sst s4  }
0xd: {  	[smem:$0x3F97] =	sst s5  }
0xe: {  	[smem:$0x3F98] =	sst s6  }
0xf: {  	[smem:$0x3F99] =	sst s7  }
0x10: {  	[smem:$0x3F9A] =	sst s8  }
0x11: {  	[smem:$0x3F9B] =	sst s9;
	s0 =	simm.s32 @!p0 $0x0  }
0x12: {  	s1 =	sld [smem:$0x3F81];
	s0 =	simm.s32 @p0 $0x1  }
0x13: {  	[smem:$0x3F9C] =	sst s0;
	s0 =	simm.s32 @!p1 $0x0  }
0x14: {  	s2 =	sld [smem:$0x3F80];
	s0 =	simm.s32 @p1 $0x1  }
0x15: {  	[smem:$0x3F9D] =	sst s0;
	s0 =	simm.s32 @!p2 $0x0  }
0x16: {  	s3 =	sld [smem:$0x3FDB];
	s0 =	simm.s32 @p2 $0x1  }
0x17: {  	s4 =	simm.s32 $0x1BF5;
	[smem:$0x3F9F] =	sst s0  }
0x18: {  	s0 =	sld [smem:$0x3F82];
	_ =	swait.ge [sflag:s4], $0x0  }
0x19: {  	s7 =	sld [smem:$0x3F83]  }
0x1a: {  	s8 =	sadd.s32 $0xFFFFE003, lr  }
0x1b: {  	s9 =	sadd.s32 $0xFFFFFEF7, lr;
	s5 =	simm.s32 $0xFFFFFFFF;
	p2 =	slt.u32 s8, $0xFFFFF086  }
0x1c: {  	p1 =	slt.u32 s9, $0xF7A;
	s5 =	simm.s32 @!p2 $0x0  }
0x1d: {  	s5 =	simm.s32 @p1 $0x1;
	p0 =	seq.s32 s7, s2  }
0x1e: {  	s7 =	smul.u32 @!p0 $0xF7A, s2;
	p2 =	seq.s32 @!p0 s5, $0x0  }
0x1f: {  	s9 =	smul.u32 $0xF7A, s1;
	s8 =	simm.s32 @!p0 $0x1BF5;
	p2 =	por !p2, p0  }
0x20: {  	[sflag:s8] =	ssyncset.s32 @!p0 $0xFFFFF086;
	s6 =	sadd.s32 @!p0 s3, s7;
	s7 =	simm.s32 @!p0 $0x108  }
0x21: {  	s3 =	sadd.s32 s3, s9;
	s6 =	sadd.s32 @!p0 $0x88, s6;
	s7 =	simm.s32 @p2 $0x1082  }
0x22: {  	[simem:s7], [sflag:s8] =	dma.local @!p0 [hbm:s6], $0xF7A  }
0x23: {  	s9 =	sor.u32 $0xD0000000, s2;
	s6 =	simm.s32 $0x108;
	_ =	swait.ge @!p0 [sflag:s8], $0x0  }
0x24: {  	s3 =	sadd.s32 $0x88, s3;
	s6 =	simm.s32 @!p1 $0x1082;
	[sflag:s4] =	ssyncset.s32 $0xFFFFF086  }
0x25: {  	[simem:s6], [sflag:s4] =	dma.local [hbm:s3], $0xF7A  }
0x26: {  	[smem:$0x3F83] =	sst s1;
	(tag) =	ssettag s2;
	_ =	strace s9  }
0x27: {  	s1 =	sld [smem:$0x3F93]  }
0x28: {  	s2 =	sld [smem:$0x3F94]  }
0x29: {  	s4 =	sld [smem:$0x3F96]  }
0x2a: {  	p0 =	seq.s32 s5, $0x0;
	s5 =	sld [smem:$0x3F97]  }
0x2b: {  	s6 =	sld [smem:$0x3F98]  }
0x2c: {  	s7 =	sld [smem:$0x3F99]  }
0x2d: {  	s3 =	simm.s32 $0x108;
	s8 =	sld [smem:$0x3F9A]  }
0x2e: {  	s3 =	simm.s32 @!p0 $0x1082;
	s9 =	sld [smem:$0x3F9B]  }
0x2f: {  	lr =	sadd.s32 s0, s3;
	s0 =	sld [smem:$0x3F92]  }
0x30: {  	s3 =	sld [smem:$0x3F95]  }
0x31: {  	[smem:$0x3F9E] =	sst s10  }
0x32: {  	s10 =	sld [smem:$0x3F9C];
	_ =	sdelay $0x3  }
0x33: {  	p0 =	seq.s32 s10, $0x1;
	s10 =	sld [smem:$0x3F9E];
	_ =	sdelay $0x3  }
0x34: {  	[smem:$0x3F9E] =	sst s10  }
0x35: {  	s10 =	sld [smem:$0x3F9D];
	_ =	sdelay $0x3  }
0x36: {  	p1 =	seq.s32 s10, $0x1;
	s10 =	sld [smem:$0x3F9E];
	_ =	sdelay $0x3  }
0x37: {  	[smem:$0x3F9E] =	sst s10  }
0x38: {  	s10 =	sld [smem:$0x3F9F]  }
0x39: {  	_ = 	snop;
	(pc) =	sbr.ind lr, $3  }
0x3a: {  	_ = 	snop  }
0x3b: {  	_ = 	snop  }
0x3c: {  	p2 =	seq.s32 s10, $0x1;
	s10 =	sld [smem:$0x3F9E]  }
0x3d: {  	_ =	shalt  }
0x3e: {  	_ =	shalt  }
0x3f: {  	_ =	shalt  }
0x40: {  	_ =	shalt  }
0x41: {  	_ =	shalt  }
0x42: {  	_ =	shalt  }
0x43: {  	_ =	shalt  }
0x44: {  	_ =	shalt  }
0x45: {  	_ =	shalt  }
0x46: {  	_ =	shalt  }
0x47: {  	_ =	shalt  }
0x48: {  	_ =	shalt  }
0x49: {  	_ =	shalt  }
0x4a: {  	_ =	shalt  }
0x4b: {  	_ =	shalt  }
0x4c: {  	_ =	shalt  }
0x4d: {  	_ =	shalt  }
0x4e: {  	_ =	shalt  }
0x4f: {  	_ =	shalt  }
0x50: {  	_ =	shalt  }
0x51: {  	_ =	shalt  }
0x52: {  	_ =	shalt  }
0x53: {  	_ =	shalt  }
0x54: {  	_ =	shalt  }
0x55: {  	_ =	shalt  }
0x56: {  	_ =	shalt  }
0x57: {  	_ =	shalt  }
0x58: {  	_ =	shalt  }
0x59: {  	_ =	shalt  }
0x5a: {  	_ =	shalt  }
0x5b: {  	_ =	shalt  }
0x5c: {  	_ =	shalt  }
0x5d: {  	_ =	shalt  }
0x5e: {  	_ =	shalt  }
0x5f: {  	_ =	shalt  }
0x60: {  	_ =	shalt  }
0x61: {  	_ =	shalt  }
0x62: {  	_ =	shalt  }
0x63: {  	_ =	shalt  }
0x64: {  	_ =	shalt  }
0x65: {  	_ =	shalt  }
0x66: {  	_ =	shalt  }
0x67: {  	_ =	shalt  }
0x68: {  	_ =	shalt  }
0x69: {  	_ =	shalt  }
0x6a: {  	_ =	shalt  }
0x6b: {  	_ =	shalt  }
0x6c: {  	_ =	shalt  }
0x6d: {  	_ =	shalt  }
0x6e: {  	_ =	shalt  }
0x6f: {  	_ =	shalt  }
0x70: {  	_ =	shalt  }
0x71: {  	_ =	shalt  }
0x72: {  	_ =	shalt  }
0x73: {  	_ =	shalt  }
0x74: {  	_ =	shalt  }
0x75: {  	_ =	shalt  }
0x76: {  	_ =	shalt  }
0x77: {  	_ =	shalt  }
0x78: {  	_ =	shalt  }
0x79: {  	_ =	shalt  }
0x7a: {  	_ =	shalt  }
0x7b: {  	_ =	shalt  }
0x7c: {  	_ =	shalt  }
0x7d: {  	_ =	shalt  }
0x7e: {  	_ =	shalt  }
0x7f: {  	_ =	shalt  }
0x80: {  	_ =	shalt  }
0x81: {  	_ =	shalt  }
0x82: {  	_ =	shalt  }
0x83: {  	_ =	shalt  }
0x84: {  	_ =	shalt  }
0x85: {  	_ =	shalt  }
0x86: {  	_ =	shalt  }
0x87: {  	_ =	shalt  }
.Lfunc_end0:
.L_simem_size_0:
called_computation.1_lowered:
.L_overlay_start_0:
0x88: {  	s2 =	sld [smem:$0x3FD9]  }
0x89: {  	s3 =	sld [smem:$0x3FFE];
	_ =	sdelay $0x1  }
0x8a: {  	s1 =	srdreg.scid  }
0x8b: {  	s0 =	sand.u32 $0x1, s1  }
0x8c: {  	s17 =	sshll.u32 s0, $0xA;
	s2 =	sadd.s32 s3, s2  }
0x8d: {  	s2 =	sadd.s32 s2, s17  }
0x8e: {  	[smem:$0x3FAA] =	sst s2  }
0x8f: {  	_ = 	snop  }
0x90: {  	s2 =	sld [smem:$0x3FD0];
	(tm) =	ssettm $0x1  }
0x91: {  	s18 =	sld [smem:$0x3FFB];
	_ =	sdelay $0x3  }
0x92: {  	_ =	strace s18  }
0x93: {  	s3 =	sld [smem:$0x3FFC];
	_ =	sdelay $0x3  }
0x94: {  	_ =	strace s3  }
0x95: {  	s3 =	sld [smem:$0x3FFD];
	_ =	sdelay $0x3  }
0x96: {  	_ =	strace s3  }
0x97: {  	_ =	strace $0x8FFFFFFF  }
0x98: {  	s19 =	sld [smem:$0x3FDB];
	_ =	sdelay $0x1  }
0x99: {  	s4 =	simm.s32 $_scs_section_size  }
0x9a: {  	s5 =	simm.s32 $_size__tile_overlayer_lowered;
	s6 =	simm.s32 $_tile_overlayer_lowered  }
0x9b: {  	s22 =	simm.s32 $0x1BFF;
	s21 =	sshll.u32 s6, $0x1;
	s3 =	sadd.s32 s4, s19  }
0x9c: {  	s7 =	simm.s32 $0x0;
	s20 =	sshll.u32 s5, $0x1;
	s5 =	sadd.s32 s21, s3  }
0x9d: {  	[timem:s7], [sflag:s22] =	dma.local [hbm:s5], s20  }
0x9e: {  	_ =	swait.ge [sflag:s22], s20  }
0x9f: {  	s4 =	ssub.s32 $0x0, s20;
	[sflag:s22] =	ssyncset.done $0x0  }
0xa0: {  	[sflag:s22] =	ssyncadd.s32 s4;
	_ =	sdelay $0x1  }
0xa1: {  	s23 =	simm.s32 $0x1B8B  }
0xa2: {  	_ =	swait.ge [sflag:s23], $0x1  }
0xa3: {  	[sflag:s23] =	ssyncset.done $0x0  }
0xa4: {  	s25 =	simm.s32 $0x1B8E;
	s24 =	sld [smem:$0x3FFE];
	[sflag:s23] =	ssyncadd.s32 $0xFFFFFFFF  }
0xa5: {  	s26 =	simm.s32 $execute0_lowered;
	[smem:$0x3FD2] =	sst s25  }
0xa6: {  	s5 =	sshll.u32 s26, $0x1;
	_ =	strace $0x80000049;
	[dreg:$0x1] =	wrdreg $0xFFFFFFFF  }
0xa7: {  	s28 =	simm.s32 $_size_execute0_lowered;
	s3 =	sadd.s32 s3, s5;
	[dreg:$0x0] =	wrdreg $0x0  }
0xa8: {  	s5 =	sshll.u32 s28, $0x1;
	[dreg:$0x2] =	wrdreg s3  }
0xa9: {  	[dreg:$0x3] =	wrdreg s5  }
0xaa: {  	[dreg:$0x4] =	wrdreg $0xC0  }
0xab: {  	_ =	task [dreg:s7], $0x5FFFF  }
0xac: {  	[dreg:$0x1] =	wrdreg $0xFFFFFFFF  }
0xad: {  	[dreg:$0x0] =	wrdreg $0x60  }
0xae: {  	[dreg:$0x2] =	wrdreg s2  }
0xaf: {  	[dreg:$0x3] =	wrdreg s24  }
0xb0: {  	[dreg:$0x4] =	wrdreg $0x9  }
0xb1: {  	_ =	task.clear_ibuf [dreg:s7], $0x5FFFF;
	_ =	strace $0x90000049  }
0xb2: {  	s29 =	simm.s32 $0x9;
	_ =	strace $0x8000004B  }
0xb3: {  	_ =	swait.ge [sflag:s29], $0x1  }
0xb4: {  	[sflag:s29] =	ssyncadd.s32 $0xFFFFFFFF  }
0xb5: {  	_ =	strace $0x9000004B  }
0xb6: {  	_ =	sfence  }
0xb7: {  	s30 =	sld [smem:$0x0];
	_ =	sdelay $0x2  }
0xb8: {  	s31 =	sshll.u32 s1, $0xD;
	s1 =	sshrl.u32 s1, $0x2  }
0xb9: {  	s3 =	sand.u32 $0x4000, s31;
	s1 =	sadd.s32 s1, s30  }
0xba: {  	s0 =	sor.u32 s3, s0;
	s1 =	sshll.u32 s1, $0x11  }
0xbb: {  	s0 =	sor.u32 s1, s0  }
0xbc: {  	s0 =	sadd.s32 $0x8F2B, s0  }
0xbd: {  	[sflag:s0] =	ssyncadd.remote.s32 $0x1  }
0xbe: {  	_ =	sfence.sel $0xFFFF  }
0xbf: {  	[dreg:$0x0] =	wrdreg $0xFFFFFFFF;
	(pc) =	sbr.abs _section_cstart, $3  }
0xc0: {  	[dreg:$0x1] =	wrdreg $0xFFFFFFFF  }
0xc1: {  	_ =	task.clear_ibuf [dreg:s7], $0x2FFFF;
	_ =	strace $0x9FFFFFFF  }
0xc2: {  	(tm) =	ssettm $0x7FFFFFFF  }
0xc3: {  	_ =	shalt  }
tec
execute0_lowered:
.L_overlay_start_1:
0x0: {  	(tag) =	ssettag $0x1  }
0x1: {  	s1 =	srdreg.scid  }
0x2: {  	s2 =	rddreg [dreg:$0x0];
	s0 =	stileid.u32;
	s22 =	sand.u32 $0x1, s1  }
0x3: {  	s8 =	rddreg [dreg:$0x1];
	s4 =	sshll.u32 s0, $0x10;
	s5 =	sshll.u32 s22, $0xF  }
0x4: {  	s3 =	simm.s32 $0x0;
	s1 =	rddreg [dreg:$0x2];
	s24 =	sor.u32 s5, s4  }
0x5: {  	[smem:$0x7FF] =	sst s3;
	s21 =	sadd.s32 $0x208600, s8;
	s4 =	sshrl.u32 s24, $0x3  }
0x6: {  	_ =	strace $0x8000004A;
	s5 =	sadd.s32 s21, s4;
	s4 =	simm.s32 $0x2  }
0x7: {  	[tilespmem:s3], [sflag:$0x2] =	stream.linear.gather [hbm4b:s5+s3], $0x1000, $0x38;
	[tilespmem:$0x11000] =	vst v63  }
0x8: {  	_ =	swait.ge [sflag:s4], $0x1000  }
0x9: {  	[sflag:s4] =	ssyncset.done $0x0  }
0xa: {  	s6 =	simm.s32 $0x1000;
	s7 =	simm.s32 $0x1;
	[sflag:s4] =	ssyncadd.s32 $0xFFFFF000  }
0xb: {  	[tilespmem:s6], [sflag:$0x1] =	stream.indirect.gather [hbm4b:s2+s6], $0x10, s3, s6, $0xb8;
	[tilespmem:$0x11000] =	vst v63  }
0xc: {  	_ =	swait.ge [sflag:s7], $0x10000  }
0xd: {  	s23 =	sadd.s32 $0x8600, s8;
	s28 =	sshll.u32 s24, $0x1;
	[sflag:s7] =	ssyncset.done $0x0  }
0xe: {  	s8 =	sadd.s32 s23, s28;
	[sflag:s7] =	ssyncadd.s32 $0xFFFF0000  }
0xf: {  	[hbm4b:s8+s3] =	stream.linear.scatter [tilespmem:s6], [sflag:$0x2], $0x10000, $0x38;
	[tilespmem:$0x11000] =	vst v63  }
0x10: {  	s10 =	sor.u32 $0x1000, s24;
	_ =	swait.ge [sflag:s4], $0x10000  }
0x11: {  	s9 =	sshrl.u32 s10, $0x3;
	[sflag:s4] =	ssyncset.done $0x0  }
0x12: {  	s9 =	sadd.s32 s21, s9;
	[sflag:s4] =	ssyncadd.s32 $0xFFFF0000  }
0x13: {  	[tilespmem:s3], [sflag:$0x2] =	stream.linear.gather [hbm4b:s9+s3], $0x1000, $0x38;
	[tilespmem:$0x11000] =	vst v63  }
0x14: {  	_ =	swait.ge [sflag:s4], $0x1000  }
0x15: {  	[sflag:s4] =	ssyncset.done $0x0  }
0x16: {  	[sflag:s4] =	ssyncadd.s32 $0xFFFFF000  }
0x17: {  	[tilespmem:s6], [sflag:$0x1] =	stream.indirect.gather [hbm4b:s2+s6], $0x10, s3, s6, $0xb8;
	[tilespmem:$0x11000] =	vst v63  }
0x18: {  	_ =	swait.ge [sflag:s7], $0x10000  }
0x19: {  	s10 =	sshll.u32 s10, $0x1;
	[sflag:s7] =	ssyncset.done $0x0  }
0x1a: {  	s10 =	sadd.s32 s23, s10;
	[sflag:s7] =	ssyncadd.s32 $0xFFFF0000  }
0x1b: {  	[hbm4b:s10+s3] =	stream.linear.scatter [tilespmem:s6], [sflag:$0x2], $0x10000, $0x38;
	[tilespmem:$0x11000] =	vst v63  }
0x1c: {  	s12 =	sor.u32 $0x2000, s24;
	_ =	swait.ge [sflag:s4], $0x10000  }
0x1d: {  	s11 =	sshrl.u32 s12, $0x3;
	[sflag:s4] =	ssyncset.done $0x0  }
0x1e: {  	s11 =	sadd.s32 s21, s11;
	[sflag:s4] =	ssyncadd.s32 $0xFFFF0000  }
0x1f: {  	[tilespmem:s3], [sflag:$0x2] =	stream.linear.gather [hbm4b:s11+s3], $0x1000, $0x38;
	[tilespmem:$0x11000] =	vst v63  }
0x20: {  	_ =	swait.ge [sflag:s4], $0x1000  }
0x21: {  	[sflag:s4] =	ssyncset.done $0x0  }
0x22: {  	[sflag:s4] =	ssyncadd.s32 $0xFFFFF000  }
0x23: {  	[tilespmem:s6], [sflag:$0x1] =	stream.indirect.gather [hbm4b:s2+s6], $0x10, s3, s6, $0xb8;
	[tilespmem:$0x11000] =	vst v63  }
0x24: {  	_ =	swait.ge [sflag:s7], $0x10000  }
0x25: {  	s12 =	sshll.u32 s12, $0x1;
	[sflag:s7] =	ssyncset.done $0x0  }
0x26: {  	s12 =	sadd.s32 s23, s12;
	[sflag:s7] =	ssyncadd.s32 $0xFFFF0000  }
0x27: {  	[hbm4b:s12+s3] =	stream.linear.scatter [tilespmem:s6], [sflag:$0x2], $0x10000, $0x38;
	[tilespmem:$0x11000] =	vst v63  }
0x28: {  	s14 =	sor.u32 $0x3000, s24;
	_ =	swait.ge [sflag:s4], $0x10000  }
0x29: {  	s13 =	sshrl.u32 s14, $0x3;
	[sflag:s4] =	ssyncset.done $0x0  }
0x2a: {  	s13 =	sadd.s32 s21, s13;
	[sflag:s4] =	ssyncadd.s32 $0xFFFF0000  }
0x2b: {  	[tilespmem:s3], [sflag:$0x2] =	stream.linear.gather [hbm4b:s13+s3], $0x1000, $0x38;
	[tilespmem:$0x11000] =	vst v63  }
0x2c: {  	_ =	swait.ge [sflag:s4], $0x1000  }
0x2d: {  	[sflag:s4] =	ssyncset.done $0x0  }
0x2e: {  	[sflag:s4] =	ssyncadd.s32 $0xFFFFF000  }
0x2f: {  	[tilespmem:s6], [sflag:$0x1] =	stream.indirect.gather [hbm4b:s2+s6], $0x10, s3, s6, $0xb8;
	[tilespmem:$0x11000] =	vst v63  }
0x30: {  	_ =	swait.ge [sflag:s7], $0x10000  }
0x31: {  	s14 =	sshll.u32 s14, $0x1;
	[sflag:s7] =	ssyncset.done $0x0  }
0x32: {  	s14 =	sadd.s32 s23, s14;
	[sflag:s7] =	ssyncadd.s32 $0xFFFF0000  }
0x33: {  	[hbm4b:s14+s3] =	stream.linear.scatter [tilespmem:s6], [sflag:$0x2], $0x10000, $0x38;
	[tilespmem:$0x11000] =	vst v63  }
0x34: {  	s16 =	sor.u32 $0x4000, s24;
	_ =	swait.ge [sflag:s4], $0x10000  }
0x35: {  	s15 =	sshrl.u32 s16, $0x3;
	[sflag:s4] =	ssyncset.done $0x0  }
0x36: {  	s15 =	sadd.s32 s21, s15;
	[sflag:s4] =	ssyncadd.s32 $0xFFFF0000  }
0x37: {  	[tilespmem:s3], [sflag:$0x2] =	stream.linear.gather [hbm4b:s15+s3], $0x1000, $0x38;
	[tilespmem:$0x11000] =	vst v63  }
0x38: {  	_ =	swait.ge [sflag:s4], $0x1000  }
0x39: {  	[sflag:s4] =	ssyncset.done $0x0  }
0x3a: {  	[sflag:s4] =	ssyncadd.s32 $0xFFFFF000  }
0x3b: {  	[tilespmem:s6], [sflag:$0x1] =	stream.indirect.gather [hbm4b:s2+s6], $0x10, s3, s6, $0xb8;
	[tilespmem:$0x11000] =	vst v63  }
0x3c: {  	_ =	swait.ge [sflag:s7], $0x10000  }
0x3d: {  	s16 =	sshll.u32 s16, $0x1;
	[sflag:s7] =	ssyncset.done $0x0  }
0x3e: {  	s16 =	sadd.s32 s23, s16;
	[sflag:s7] =	ssyncadd.s32 $0xFFFF0000  }
0x3f: {  	[hbm4b:s16+s3] =	stream.linear.scatter [tilespmem:s6], [sflag:$0x2], $0x10000, $0x38;
	[tilespmem:$0x11000] =	vst v63  }
0x40: {  	s18 =	sor.u32 $0x5000, s24;
	_ =	swait.ge [sflag:s4], $0x10000  }
0x41: {  	s17 =	sshrl.u32 s18, $0x3;
	[sflag:s4] =	ssyncset.done $0x0  }
0x42: {  	s17 =	sadd.s32 s21, s17;
	[sflag:s4] =	ssyncadd.s32 $0xFFFF0000  }
0x43: {  	[tilespmem:s3], [sflag:$0x2] =	stream.linear.gather [hbm4b:s17+s3], $0x1000, $0x38;
	[tilespmem:$0x11000] =	vst v63  }
0x44: {  	_ =	swait.ge [sflag:s4], $0x1000  }
0x45: {  	[sflag:s4] =	ssyncset.done $0x0  }
0x46: {  	[sflag:s4] =	ssyncadd.s32 $0xFFFFF000  }
0x47: {  	[tilespmem:s6], [sflag:$0x1] =	stream.indirect.gather [hbm4b:s2+s6], $0x10, s3, s6, $0xb8;
	[tilespmem:$0x11000] =	vst v63  }
0x48: {  	_ =	swait.ge [sflag:s7], $0x10000  }
0x49: {  	s18 =	sshll.u32 s18, $0x1;
	[sflag:s7] =	ssyncset.done $0x0  }
0x4a: {  	s18 =	sadd.s32 s23, s18;
	[sflag:s7] =	ssyncadd.s32 $0xFFFF0000  }
0x4b: {  	[hbm4b:s18+s3] =	stream.linear.scatter [tilespmem:s6], [sflag:$0x2], $0x10000, $0x38;
	[tilespmem:$0x11000] =	vst v63  }
0x4c: {  	s20 =	sor.u32 $0x6000, s24;
	_ =	swait.ge [sflag:s4], $0x10000  }
0x4d: {  	s19 =	sshrl.u32 s20, $0x3;
	[sflag:s4] =	ssyncset.done $0x0  }
0x4e: {  	s19 =	sadd.s32 s21, s19;
	[sflag:s4] =	ssyncadd.s32 $0xFFFF0000  }
0x4f: {  	[tilespmem:s3], [sflag:$0x2] =	stream.linear.gather [hbm4b:s19+s3], $0x1000, $0x38;
	[tilespmem:$0x11000] =	vst v63  }
0x50: {  	_ =	swait.ge [sflag:s4], $0x1000  }
0x51: {  	[sflag:s4] =	ssyncset.done $0x0  }
0x52: {  	[sflag:s4] =	ssyncadd.s32 $0xFFFFF000  }
0x53: {  	[tilespmem:s6], [sflag:$0x1] =	stream.indirect.gather [hbm4b:s2+s6], $0x10, s3, s6, $0xb8;
	[tilespmem:$0x11000] =	vst v63  }
0x54: {  	_ =	swait.ge [sflag:s7], $0x10000  }
0x55: {  	s20 =	sshll.u32 s20, $0x1;
	[sflag:s7] =	ssyncset.done $0x0  }
0x56: {  	s20 =	sadd.s32 s23, s20;
	[sflag:s7] =	ssyncadd.s32 $0xFFFF0000  }
0x57: {  	[hbm4b:s20+s3] =	stream.linear.scatter [tilespmem:s6], [sflag:$0x2], $0x10000, $0x38;
	[tilespmem:$0x11000] =	vst v63  }
0x58: {  	s24 =	sor.u32 $0x7000, s24;
	_ =	swait.ge [sflag:s4], $0x10000  }
0x59: {  	s25 =	sshrl.u32 s24, $0x3;
	[sflag:s4] =	ssyncset.done $0x0  }
0x5a: {  	s22 =	ssub.s32 $0x2, s22;
	s21 =	sadd.s32 s21, s25;
	[sflag:s4] =	ssyncadd.s32 $0xFFFF0000  }
0x5b: {  	[tilespmem:s3], [sflag:$0x2] =	stream.linear.gather [hbm4b:s21+s3], $0x1000, $0x38;
	[tilespmem:$0x11000] =	vst v63  }
0x5c: {  	s29 =	sshrl.u32 s22, $0x1;
	_ =	swait.ge [sflag:s4], $0x1000  }
0x5d: {  	s25 =	ssub.s32 s22, s29;
	[sflag:s4] =	ssyncset.done $0x0  }
0x5e: {  	s31 =	smax.u32 s25, $0x1;
	[sflag:s4] =	ssyncadd.s32 $0xFFFFF000  }
0x5f: {  	[tilespmem:s6], [sflag:$0x1] =	stream.indirect.gather [hbm4b:s2+s6], $0x10, s3, s6, $0xb8;
	[tilespmem:$0x11000] =	vst v63  }
0x60: {  	p0 =	sne.s32 s31, $0x1;
	_ =	swait.ge [sflag:s7], $0x10000  }
.Ltmp0:
0x61: {  	s30 =	sshll.u32 s24, $0x1;
	[sflag:s7] =	ssyncset.done $0x0;
	(pc) =	sbr.rel @!p0 .LBB2_2-.Ltmp0, $4  }
0x62: {  	s22 =	sadd.s32 s23, s30;
	[sflag:s7] =	ssyncadd.s32 $0xFFFF0000  }
0x63: {  	[hbm4b:s22+s3] =	stream.linear.scatter [tilespmem:s6], [sflag:$0x2], $0x10000, $0x38;
	[tilespmem:$0x11000] =	vst v63  }
0x64: {  	_ =	swait.ge [sflag:s4], $0x10000  }
0x65: {  	s23 =	sadd.s32 $0xFFFFFFFF, s31;
	[sflag:s4] =	ssyncset.done $0x0  }
.LBB2_1:
0x66: {  	p0 =	sne.s32 s23, $0x1;
	s23 =	sadd.s32 $0xFFFFFFFF, s23;
	[sflag:s4] =	ssyncadd.s32 $0xFFFF0000  }
0x67: {  	[tilespmem:s3], [sflag:$0x2] =	stream.linear.gather [hbm4b:s5+s3], $0x1000, $0x38;
	[tilespmem:$0x11000] =	vst v63  }
0x68: {  	_ =	swait.ge [sflag:s4], $0x1000  }
0x69: {  	[sflag:s4] =	ssyncset.done $0x0  }
0x6a: {  	[sflag:s4] =	ssyncadd.s32 $0xFFFFF000  }
0x6b: {  	[tilespmem:s6], [sflag:$0x1] =	stream.indirect.gather [hbm4b:s2+s6], $0x10, s3, s6, $0xb8;
	[tilespmem:$0x11000] =	vst v63  }
0x6c: {  	_ =	swait.ge [sflag:s7], $0x10000  }
0x6d: {  	[sflag:s7] =	ssyncset.done $0x0  }
0x6e: {  	[sflag:s7] =	ssyncadd.s32 $0xFFFF0000  }
0x6f: {  	[hbm4b:s8+s3] =	stream.linear.scatter [tilespmem:s6], [sflag:$0x2], $0x10000, $0x38;
	[tilespmem:$0x11000] =	vst v63  }
0x70: {  	_ =	swait.ge [sflag:s4], $0x10000  }
0x71: {  	[sflag:s4] =	ssyncset.done $0x0  }
0x72: {  	[sflag:s4] =	ssyncadd.s32 $0xFFFF0000  }
0x73: {  	[tilespmem:s3], [sflag:$0x2] =	stream.linear.gather [hbm4b:s9+s3], $0x1000, $0x38;
	[tilespmem:$0x11000] =	vst v63  }
0x74: {  	_ =	swait.ge [sflag:s4], $0x1000  }
0x75: {  	[sflag:s4] =	ssyncset.done $0x0  }
0x76: {  	[sflag:s4] =	ssyncadd.s32 $0xFFFFF000  }
0x77: {  	[tilespmem:s6], [sflag:$0x1] =	stream.indirect.gather [hbm4b:s2+s6], $0x10, s3, s6, $0xb8;
	[tilespmem:$0x11000] =	vst v63  }
0x78: {  	_ =	swait.ge [sflag:s7], $0x10000  }
0x79: {  	[sflag:s7] =	ssyncset.done $0x0  }
0x7a: {  	[sflag:s7] =	ssyncadd.s32 $0xFFFF0000  }
0x7b: {  	[hbm4b:s10+s3] =	stream.linear.scatter [tilespmem:s6], [sflag:$0x2], $0x10000, $0x38;
	[tilespmem:$0x11000] =	vst v63  }
0x7c: {  	_ =	swait.ge [sflag:s4], $0x10000  }
0x7d: {  	[sflag:s4] =	ssyncset.done $0x0  }
0x7e: {  	[sflag:s4] =	ssyncadd.s32 $0xFFFF0000  }
0x7f: {  	[tilespmem:s3], [sflag:$0x2] =	stream.linear.gather [hbm4b:s11+s3], $0x1000, $0x38;
	[tilespmem:$0x11000] =	vst v63  }
0x80: {  	_ =	swait.ge [sflag:s4], $0x1000  }
0x81: {  	[sflag:s4] =	ssyncset.done $0x0  }
0x82: {  	[sflag:s4] =	ssyncadd.s32 $0xFFFFF000  }
0x83: {  	[tilespmem:s6], [sflag:$0x1] =	stream.indirect.gather [hbm4b:s2+s6], $0x10, s3, s6, $0xb8;
	[tilespmem:$0x11000] =	vst v63  }
0x84: {  	_ =	swait.ge [sflag:s7], $0x10000  }
0x85: {  	[sflag:s7] =	ssyncset.done $0x0  }
0x86: {  	[sflag:s7] =	ssyncadd.s32 $0xFFFF0000  }
0x87: {  	[hbm4b:s12+s3] =	stream.linear.scatter [tilespmem:s6], [sflag:$0x2], $0x10000, $0x38;
	[tilespmem:$0x11000] =	vst v63  }
0x88: {  	_ =	swait.ge [sflag:s4], $0x10000  }
0x89: {  	[sflag:s4] =	ssyncset.done $0x0  }
0x8a: {  	[sflag:s4] =	ssyncadd.s32 $0xFFFF0000  }
0x8b: {  	[tilespmem:s3], [sflag:$0x2] =	stream.linear.gather [hbm4b:s13+s3], $0x1000, $0x38;
	[tilespmem:$0x11000] =	vst v63  }
0x8c: {  	_ =	swait.ge [sflag:s4], $0x1000  }
0x8d: {  	[sflag:s4] =	ssyncset.done $0x0  }
0x8e: {  	[sflag:s4] =	ssyncadd.s32 $0xFFFFF000  }
0x8f: {  	[tilespmem:s6], [sflag:$0x1] =	stream.indirect.gather [hbm4b:s2+s6], $0x10, s3, s6, $0xb8;
	[tilespmem:$0x11000] =	vst v63  }
0x90: {  	_ =	swait.ge [sflag:s7], $0x10000  }
0x91: {  	[sflag:s7] =	ssyncset.done $0x0  }
0x92: {  	[sflag:s7] =	ssyncadd.s32 $0xFFFF0000  }
0x93: {  	[hbm4b:s14+s3] =	stream.linear.scatter [tilespmem:s6], [sflag:$0x2], $0x10000, $0x38;
	[tilespmem:$0x11000] =	vst v63  }
0x94: {  	_ =	swait.ge [sflag:s4], $0x10000  }
0x95: {  	[sflag:s4] =	ssyncset.done $0x0  }
0x96: {  	[sflag:s4] =	ssyncadd.s32 $0xFFFF0000  }
0x97: {  	[tilespmem:s3], [sflag:$0x2] =	stream.linear.gather [hbm4b:s15+s3], $0x1000, $0x38;
	[tilespmem:$0x11000] =	vst v63  }
0x98: {  	_ =	swait.ge [sflag:s4], $0x1000  }
0x99: {  	[sflag:s4] =	ssyncset.done $0x0  }
0x9a: {  	[sflag:s4] =	ssyncadd.s32 $0xFFFFF000  }
0x9b: {  	[tilespmem:s6], [sflag:$0x1] =	stream.indirect.gather [hbm4b:s2+s6], $0x10, s3, s6, $0xb8;
	[tilespmem:$0x11000] =	vst v63  }
0x9c: {  	_ =	swait.ge [sflag:s7], $0x10000  }
0x9d: {  	[sflag:s7] =	ssyncset.done $0x0  }
0x9e: {  	[sflag:s7] =	ssyncadd.s32 $0xFFFF0000  }
0x9f: {  	[hbm4b:s16+s3] =	stream.linear.scatter [tilespmem:s6], [sflag:$0x2], $0x10000, $0x38;
	[tilespmem:$0x11000] =	vst v63  }
0xa0: {  	_ =	swait.ge [sflag:s4], $0x10000  }
0xa1: {  	[sflag:s4] =	ssyncset.done $0x0  }
0xa2: {  	[sflag:s4] =	ssyncadd.s32 $0xFFFF0000  }
0xa3: {  	[tilespmem:s3], [sflag:$0x2] =	stream.linear.gather [hbm4b:s17+s3], $0x1000, $0x38;
	[tilespmem:$0x11000] =	vst v63  }
0xa4: {  	_ =	swait.ge [sflag:s4], $0x1000  }
0xa5: {  	[sflag:s4] =	ssyncset.done $0x0  }
0xa6: {  	[sflag:s4] =	ssyncadd.s32 $0xFFFFF000  }
0xa7: {  	[tilespmem:s6], [sflag:$0x1] =	stream.indirect.gather [hbm4b:s2+s6], $0x10, s3, s6, $0xb8;
	[tilespmem:$0x11000] =	vst v63  }
0xa8: {  	_ =	swait.ge [sflag:s7], $0x10000  }
0xa9: {  	[sflag:s7] =	ssyncset.done $0x0  }
0xaa: {  	[sflag:s7] =	ssyncadd.s32 $0xFFFF0000  }
0xab: {  	[hbm4b:s18+s3] =	stream.linear.scatter [tilespmem:s6], [sflag:$0x2], $0x10000, $0x38;
	[tilespmem:$0x11000] =	vst v63  }
0xac: {  	_ =	swait.ge [sflag:s4], $0x10000  }
0xad: {  	[sflag:s4] =	ssyncset.done $0x0  }
0xae: {  	[sflag:s4] =	ssyncadd.s32 $0xFFFF0000  }
0xaf: {  	[tilespmem:s3], [sflag:$0x2] =	stream.linear.gather [hbm4b:s19+s3], $0x1000, $0x38;
	[tilespmem:$0x11000] =	vst v63  }
0xb0: {  	_ =	swait.ge [sflag:s4], $0x1000  }
0xb1: {  	[sflag:s4] =	ssyncset.done $0x0  }
0xb2: {  	[sflag:s4] =	ssyncadd.s32 $0xFFFFF000  }
0xb3: {  	[tilespmem:s6], [sflag:$0x1] =	stream.indirect.gather [hbm4b:s2+s6], $0x10, s3, s6, $0xb8;
	[tilespmem:$0x11000] =	vst v63  }
0xb4: {  	_ =	swait.ge [sflag:s7], $0x10000  }
0xb5: {  	[sflag:s7] =	ssyncset.done $0x0  }
0xb6: {  	[sflag:s7] =	ssyncadd.s32 $0xFFFF0000  }
0xb7: {  	[hbm4b:s20+s3] =	stream.linear.scatter [tilespmem:s6], [sflag:$0x2], $0x10000, $0x38;
	[tilespmem:$0x11000] =	vst v63  }
0xb8: {  	_ =	swait.ge [sflag:s4], $0x10000  }
0xb9: {  	[sflag:s4] =	ssyncset.done $0x0  }
0xba: {  	[sflag:s4] =	ssyncadd.s32 $0xFFFF0000  }
0xbb: {  	[tilespmem:s3], [sflag:$0x2] =	stream.linear.gather [hbm4b:s21+s3], $0x1000, $0x38;
	[tilespmem:$0x11000] =	vst v63  }
0xbc: {  	_ =	swait.ge [sflag:s4], $0x1000  }
0xbd: {  	[sflag:s4] =	ssyncset.done $0x0  }
0xbe: {  	[sflag:s4] =	ssyncadd.s32 $0xFFFFF000  }
0xbf: {  	[tilespmem:s6], [sflag:$0x1] =	stream.indirect.gather [hbm4b:s2+s6], $0x10, s3, s6, $0xb8;
	[tilespmem:$0x11000] =	vst v63  }
0xc0: {  	_ =	swait.ge [sflag:s7], $0x10000  }
.Ltmp1:
0xc1: {  	[sflag:s7] =	ssyncset.done $0x0;
	(pc) =	sbr.rel @p0 .LBB2_1-.Ltmp1, $4  }
0xc2: {  	[sflag:s7] =	ssyncadd.s32 $0xFFFF0000  }
0xc3: {  	[hbm4b:s22+s3] =	stream.linear.scatter [tilespmem:s6], [sflag:$0x2], $0x10000, $0x38;
	[tilespmem:$0x11000] =	vst v63  }
0xc4: {  	_ =	swait.ge [sflag:s4], $0x10000  }
0xc5: {  	[sflag:s4] =	ssyncset.done $0x0  }
.LBB2_2:
0xc6: {  	[sflag:s4] =	ssyncadd.s32 $0xFFFF0000  }
0xc7: {  	_ =	sfence.sel $0x180000  }
0xc8: {  	[bflag:$0x0] =	sbarrier.arrive $0xFFFF  }
0xc9: {  	p0 =	sne.s32 s0, $0x0;
	_ =	strace $0x9000004A  }
0xca: {  	s0 =	sadd.s32 @!p0 $0x100000, s1;
	[bflag:$0x2] =	sbarrier.arrive $0xFFFF  }
0xcb: {  	[sflag:s0] =	ssyncadd.tile.s32 @!p0 $0x1;
	_ =	shalt  }
.Lfunc_end2:
_tile_overlayer_lowered:
.L_overlay_start_2:
0xcc: {  	(tag) =	ssettag $0x2  }
0xcd: {  	s0 =	rddreg [dreg:$0x0];
	s2 =	stileid.u32  }
0xce: {  	s1 =	rddreg [dreg:$0x1];
	p0 =	sne.s32 s2, $0x0  }
0xcf: {  	s3 =	rddreg [dreg:$0x2];
	[bflag:$0x3] =	sbarrier.arrive $0xFFFF;
	s2 =	simm.s32 @!p0 $0x1C02  }
0xd0: {  	[timem:s3], [sflag:s2] =	dma.local @!p0 [hbm:s0], s1  }
0xd1: {  	s0 =	simm.s32 @!p0 $0x2  }
0xd2: {  	_ =	swait.ge @!p0 [sflag:s0], s1  }
0xd3: {  	s1 =	ssub.s32 @!p0 $0x0, s1;
	[sflag:s0] =	ssyncset.done @!p0 $0x0  }
0xd4: {  	[sflag:s0] =	ssyncadd.s32 @!p0 s1  }
0xd5: {  	[bflag:$0x3] =	sbarrier.arrive $0xFFFF  }
0xd6: {  	_ =	shalt  }

</sc_bundles>
